<compile_context>
chip_gen: v7x
topology: tpu7x:2x2x1
jax: 0.10.2.dev20260603
libtpu: 0.0.44.dev20260713+nightly
codegen_flags: <defaults>
</compile_context>

<pallas_src>
import functools

import jax
import jax.numpy as jnp
from jax import lax
from jax.experimental import pallas as pl
from jax.experimental.pallas import tpu as pltpu
from jax.experimental.pallas import tpu_sc as plsc

NC = 2
NS = 16
NW = NC * NS
LANES = 16


def _sc_aggregate(feat, nbp, nodes_flat, rmap, cmap, S, G):
    N, D = feat.shape
    NF = nodes_flat.shape[0]
    PAD = nbp.shape[1]
    T = NF * S
    npw = NF // NW
    tpw = npw * S
    nchunk = tpw // G
    GS = G * S
    slices = []
    off = 0
    while off < GS:
        c = min(128, GS - off)
        slices.append((off, c))
        off += c

    mesh = plsc.VectorSubcoreMesh(core_axis_name="c", subcore_axis_name="s")

    @functools.partial(
        pl.kernel,
        mesh=mesh,
        compiler_params=pltpu.CompilerParams(
            needs_layout_passes=False, use_tc_tiling_on_sc=False),
        out_type=jax.ShapeDtypeStruct((T, D), jnp.float32),
        scratch_types=[
            pltpu.VMEM((npw,), jnp.int32),
            pltpu.VMEM((npw, PAD), jnp.int32),
            pltpu.VMEM((tpw,), jnp.int32),
            pltpu.VMEM((tpw, PAD), jnp.int32),
            pltpu.VMEM((2, GS), jnp.int32),
            pltpu.VMEM((2, GS, D), jnp.float32),
            pltpu.VMEM((2, G, D), jnp.float32),
            pltpu.VMEM((tpw,), jnp.int32),
            pltpu.VMEM((tpw,), jnp.int32),
            pltpu.SemaphoreType.DMA,
            pltpu.SemaphoreType.DMA,
            pltpu.SemaphoreType.DMA,
            pltpu.SemaphoreType.DMA,
        ],
    )
    def k(feat_hbm, nbp_hbm, nodes_hbm, rmap_hbm, cmap_hbm, out_hbm,
          nodes_v, nb2_v, fh_v, nb_v, fidx_v, rows_v, out_v,
          rmap_v, cmap_v,
          rsem0, rsem1, osem0, osem1):
        rsem = (rsem0, rsem1)
        osem = (osem0, osem1)
        wid = lax.axis_index("s") * NC + lax.axis_index("c")
        node_base = wid * npw
        tgt_base = wid * tpw

        pltpu.sync_copy(rmap_hbm, rmap_v)
        pltpu.sync_copy(cmap_hbm, cmap_v)
        pltpu.sync_copy(nodes_hbm.at[pl.ds(node_base, npw)], nodes_v)
        pltpu.async_copy(nbp_hbm.at[nodes_v], nb2_v, rsem0).wait()

        def build_fh(t, _):
            t16 = pl.multiple_of(t * LANES, LANES)
            r = rmap_v[pl.ds(t16, LANES)]
            c = cmap_v[pl.ds(t16, LANES)]
            fh_v[pl.ds(t16, LANES)] = plsc.load_gather(nb2_v, [r, c])
            return 0
        lax.fori_loop(0, tpw // LANES, build_fh, 0)

        hs = []
        for q in range(tpw // 128):
            hs.append(pltpu.async_copy(
                nbp_hbm.at[fh_v.at[pl.ds(128 * q, 128)]],
                nb_v.at[pl.ds(128 * q, 128)], rsem0))
        for h in hs:
            h.wait()

        def build_fidx(b, cidx):
            tb = cidx * G
            def bt(t, _):
                t16 = pl.multiple_of(t * LANES, LANES)
                g = rmap_v[pl.ds(t16, LANES)]
                c = cmap_v[pl.ds(t16, LANES)]
                fidx_v[b, pl.ds(t16, LANES)] = plsc.load_gather(
                    nb_v, [tb + g, c])
                return 0
            lax.fori_loop(0, GS // LANES, bt, 0)

        def fire_rows(b):
            for (o, c) in slices:
                pltpu.async_copy(
                    feat_hbm.at[fidx_v.at[b, pl.ds(o, c)]],
                    rows_v.at[b, pl.ds(o, c)], rsem[b])

        def wait_rows(b):
            for (o, c) in slices:
                pltpu.make_async_copy(
                    feat_hbm.at[fidx_v.at[b, pl.ds(o, c)]],
                    rows_v.at[b, pl.ds(o, c)], rsem[b]).wait()

        build_fidx(0, 0)
        fire_rows(0)
        build_fidx(1, 1)
        fire_rows(1)

        def chunk_iter(i, _):
            for b in range(2):
                cc = 2 * i + b
                wait_rows(b)

                @pl.when(i >= 1)
                def _():
                    pltpu.make_async_copy(
                        out_v.at[b], out_hbm.at[pl.ds(tgt_base, G)],
                        osem[b]).wait()

                def gacc(g, _):
                    base = g * S
                    for d in range(D // LANES):
                        col = pl.ds(d * LANES, LANES)
                        acc = rows_v[b, base, col]
                        for s2 in range(1, S):
                            acc = acc + rows_v[b, base + s2, col]
                        out_v[b, g, col] = acc
                    return 0
                lax.fori_loop(0, G, gacc, 0)

                pltpu.async_copy(
                    out_v.at[b],
                    out_hbm.at[pl.ds(tgt_base + cc * G, G)], osem[b])

                @pl.when(i < nchunk // 2 - 1)
                def _():
                    build_fidx(b, cc + 2)
                    fire_rows(b)
            return 0
        lax.fori_loop(0, nchunk // 2, chunk_iter, 0)

        for b in range(2):
            pltpu.make_async_copy(
                out_v.at[b], out_hbm.at[pl.ds(tgt_base, G)], osem[b]).wait()

    return k(feat, nbp, nodes_flat, rmap, cmap)


def _tc_tail(sum1, W1, W2, W_cls, S, blocks):
    T, D = sum1.shape
    E = W2.shape[0]
    C = W_cls.shape[0]
    rows = T // blocks
    grp = rows // S
    pairs = grp // 2
    Bout = blocks * pairs

    def body(x_ref, w1_ref, w2_ref, wc_ref, o_ref):
        x = x_ref[...]
        r = lax.dot_general(x, w1_ref[...], (((1,), (1,)), ((), ())),
                            preferred_element_type=jnp.float32)
        r = jnp.maximum(r, 0.0)
        p1 = (lax.broadcasted_iota(jnp.int32, (grp, rows), 0)
              == lax.broadcasted_iota(jnp.int32, (grp, rows), 1) // S
              ).astype(jnp.float32)
        t = lax.dot_general(p1, r, (((1,), (0,)), ((), ())),
                            preferred_element_type=jnp.float32)
        u = lax.dot_general(t, w2_ref[...], (((1,), (1,)), ((), ())),
                            preferred_element_type=jnp.float32)
        p2 = (lax.broadcasted_iota(jnp.int32, (pairs, grp), 0)
              == lax.broadcasted_iota(jnp.int32, (pairs, grp), 1) // 2
              ).astype(jnp.float32)
        v = lax.dot_general(p2, u, (((1,), (0,)), ((), ())),
                            preferred_element_type=jnp.float32)
        sc_ = lax.dot_general(v, wc_ref[...], (((1,), (1,)), ((), ())),
                              preferred_element_type=jnp.float32)
        o_ref[...] = sc_ * (1.0 / (S * S * 2.0))

    return pl.pallas_call(
        body,
        grid=(blocks,),
        in_specs=[
            pl.BlockSpec((rows, D), lambda i: (i, 0)),
            pl.BlockSpec((E, D), lambda i: (0, 0)),
            pl.BlockSpec((E, E), lambda i: (0, 0)),
            pl.BlockSpec((C, E), lambda i: (0, 0)),
        ],
        out_specs=pl.BlockSpec((pairs, C), lambda i: (i, 0)),
        out_shape=jax.ShapeDtypeStruct((Bout, C), jnp.float32),
    )(sum1, W1, W2, W_cls)


def kernel(feat, W1, W2, W_cls, neigh_idx, nodes):
    S = neigh_idx.shape[1]
    nbp = jnp.pad(neigh_idx.astype(jnp.int32), ((0, 0), (0, 16 - S)))
    nodes_flat = nodes.reshape(-1).astype(jnp.int32)
    tpw = nodes_flat.shape[0] * S // NW
    karr = jnp.arange(tpw, dtype=jnp.int32)
    sum1 = _sc_aggregate(feat, nbp, nodes_flat, karr // S, karr % S, S, 32)
    return _tc_tail(sum1, W1, W2, W_cls, S, 16)

# --- scband reference (transcript-rebuilt; emitter-appended) ---
"""Pipeline reference for scband-tdgnn-graph-sage-30099130811051 (READ-ONLY COPY).

The authoritative reference and input builder live on the scoring server;
editing this copy changes nothing except your own understanding.
"""

import jax, jax.numpy as jnp
import numpy as np

N = 50000
D_FEAT = 128
EMBED = 128
S = 10
B = 2048
NUM_CLASSES = 2


def setup_inputs(seed: int = 0) -> dict:
    key = jax.random.key(seed)
    k1, k2, k3, k4, k5, k6 = jax.random.split(key, 6)
    feat = jax.random.normal(k1, (N, D_FEAT), dtype=jnp.float32)
    neigh_idx = jax.random.randint(k2, (N, S), 0, N, dtype=jnp.int64 if jax.config.jax_enable_x64 else jnp.int32)
    nodes = jax.random.randint(k3, (B, 2), 0, N, dtype=jnp.int64 if jax.config.jax_enable_x64 else jnp.int32)
    W1 = jax.random.normal(k4, (EMBED, D_FEAT), dtype=jnp.float32) * (1.0 / np.sqrt(D_FEAT))
    W2 = jax.random.normal(k5, (EMBED, EMBED), dtype=jnp.float32) * (1.0 / np.sqrt(EMBED))
    W_cls = jax.random.normal(k6, (NUM_CLASSES, EMBED), dtype=jnp.float32) * (1.0 / np.sqrt(EMBED))
    return {"feat": feat, "W1": W1, "W2": W2, "W_cls": W_cls, "neigh_idx": neigh_idx, "nodes": nodes}


def reference(feat, W1, W2, W_cls, neigh_idx, nodes):
    # Layer-1 encoder (gcn=True): mean of sampled-neighbor raw features, linear, relu.
    def enc1(node_ids):
        nb = jnp.take(neigh_idx, node_ids, axis=0)          # [..., S]
        nb_feats = jnp.take(feat, nb, axis=0)               # [..., S, D_FEAT]
        agg = jnp.mean(nb_feats, axis=-2)                   # [..., D_FEAT]
        return jax.nn.relu(agg @ W1.T)                      # [..., EMBED]

    # Layer-2 encoder (last=True -> no relu): mean of layer-1 embeddings of neighbors, linear.
    nb2 = jnp.take(neigh_idx, nodes, axis=0)                # [B, 2, S]
    h1 = enc1(nb2)                                          # [B, 2, S, EMBED]
    agg2 = jnp.mean(h1, axis=2)                             # [B, 2, EMBED]
    h2 = agg2 @ W2.T                                        # [B, 2, EMBED]

    # pool_embeds with edge_agg_name='mean': average the two endpoint embeddings.
    pooled = (h2[:, 0, :] + h2[:, 1, :]) / 2.0              # [B, EMBED]

    # scores = weight.mm(embeds).t()  -> [B, num_classes]
    scores = pooled @ W_cls.T
    return scores

if __name__ == "__main__":
    import jax
    _d = setup_inputs()
    print(jax.jit(kernel)(*tuple(_d.values())))

</pallas_src>

<mosaic_0001>
#map = affine_map<(d0, d1) -> (0, 0)>
#map1 = affine_map<(d0, d1) -> (0)>
module attributes {stable_mosaic.version = 14 : i64} {
  func.func @k(%arg0: i32, %arg1: i32, %arg2: memref<50000x128xf32, #tpu.memory_space<hbm>>, %arg3: memref<50000x16xi32, #tpu.memory_space<hbm>>, %arg4: memref<4096xi32, #tpu.memory_space<hbm>>, %arg5: memref<1280xi32, #tpu.memory_space<hbm>>, %arg6: memref<1280xi32, #tpu.memory_space<hbm>>, %arg7: memref<40960x128xf32, #tpu.memory_space<hbm>>, %arg8: memref<128xi32, #tpu.memory_space<vmem>>, %arg9: memref<128x16xi32, #tpu.memory_space<vmem>>, %arg10: memref<1280xi32, #tpu.memory_space<vmem>>, %arg11: memref<1280x16xi32, #tpu.memory_space<vmem>>, %arg12: memref<2x320xi32, #tpu.memory_space<vmem>>, %arg13: memref<2x320x128xf32, #tpu.memory_space<vmem>>, %arg14: memref<2x32x128xf32, #tpu.memory_space<vmem>>, %arg15: memref<1280xi32, #tpu.memory_space<vmem>>, %arg16: memref<1280xi32, #tpu.memory_space<vmem>>, %arg17: memref<!tpu.dma_semaphore, #tpu.memory_space<semaphore_mem>>, %arg18: memref<!tpu.dma_semaphore, #tpu.memory_space<semaphore_mem>>, %arg19: memref<!tpu.dma_semaphore, #tpu.memory_space<semaphore_mem>>, %arg20: memref<!tpu.dma_semaphore, #tpu.memory_space<semaphore_mem>>) attributes {dimension_semantics = [#tpu.dimension_semantics<core_parallel>, #tpu.dimension_semantics<subcore_parallel>], iteration_bounds = array<i64: 2, 16>, scalar_prefetch = 0 : i64, scratch_operands = 13 : i64, tpu.core_type = #tpu.core_type<sc_vector_subcore>, window_params = [{transform_indices = #map}, {transform_indices = #map}, {transform_indices = #map1}, {transform_indices = #map1}, {transform_indices = #map1}, {transform_indices = #map}]} {
    %mul3A = arith.constant 2 : i32
    %mul3A_0 = arith.muli %arg1, %mul3A : i32
    %add3A = arith.addi %mul3A_0, %arg0 : i32
    %mul3A_1 = arith.constant 128 : i32
    %mul3A_2 = arith.muli %add3A, %mul3A_1 : i32
    %mul3A_3 = arith.constant 1280 : i32
    %mul3A_4 = arith.muli %add3A, %mul3A_3 : i32
    "tpu.region"() ({
      %run_scoped3A = tpu.sem_alloc : memref<!tpu.dma_semaphore, #tpu.memory_space<semaphore_mem>>
      tpu.enqueue_dma source(%arg5 : memref<1280xi32, #tpu.memory_space<hbm>>) target(%arg15 : memref<1280xi32, #tpu.memory_space<vmem>>) target_semaphore(%run_scoped3A : memref<!tpu.dma_semaphore, #tpu.memory_space<semaphore_mem>>)
      tpu.wait_dma2 semaphore(%run_scoped3A : memref<!tpu.dma_semaphore, #tpu.memory_space<semaphore_mem>>) src(%arg5 : memref<1280xi32, #tpu.memory_space<hbm>>) dst(%arg15 : memref<1280xi32, #tpu.memory_space<vmem>>)
      tpu.yield
    }) : () -> ()
    "tpu.region"() ({
      %run_scoped3A = tpu.sem_alloc : memref<!tpu.dma_semaphore, #tpu.memory_space<semaphore_mem>>
      tpu.enqueue_dma source(%arg6 : memref<1280xi32, #tpu.memory_space<hbm>>) target(%arg16 : memref<1280xi32, #tpu.memory_space<vmem>>) target_semaphore(%run_scoped3A : memref<!tpu.dma_semaphore, #tpu.memory_space<semaphore_mem>>)
      tpu.wait_dma2 semaphore(%run_scoped3A : memref<!tpu.dma_semaphore, #tpu.memory_space<semaphore_mem>>) src(%arg6 : memref<1280xi32, #tpu.memory_space<hbm>>) dst(%arg16 : memref<1280xi32, #tpu.memory_space<vmem>>)
      tpu.yield
    }) : () -> ()
    "tpu.region"() ({
      %run_scoped3A = tpu.sem_alloc : memref<!tpu.dma_semaphore, #tpu.memory_space<semaphore_mem>>
      %dma_start3A_294 = tpu.memref_slice %arg4[%mul3A_2] : memref<4096xi32, #tpu.memory_space<hbm>> -> memref<128xi32, #tpu.memory_space<hbm>>
      %dma_start3A_295 = tpu.memref_slice %arg4[%mul3A_2] : memref<4096xi32, #tpu.memory_space<hbm>> -> memref<128xi32, #tpu.memory_space<hbm>>
      tpu.enqueue_dma source(%dma_start3A_295 : memref<128xi32, #tpu.memory_space<hbm>>) target(%arg8 : memref<128xi32, #tpu.memory_space<vmem>>) target_semaphore(%run_scoped3A : memref<!tpu.dma_semaphore, #tpu.memory_space<semaphore_mem>>)
      %dma_wait3A_296 = tpu.memref_slice %arg4[%mul3A_2] : memref<4096xi32, #tpu.memory_space<hbm>> -> memref<128xi32, #tpu.memory_space<hbm>>
      %dma_wait3A_297 = tpu.memref_slice %arg4[%mul3A_2] : memref<4096xi32, #tpu.memory_space<hbm>> -> memref<128xi32, #tpu.memory_space<hbm>>
      tpu.wait_dma2 semaphore(%run_scoped3A : memref<!tpu.dma_semaphore, #tpu.memory_space<semaphore_mem>>) src(%dma_wait3A_297 : memref<128xi32, #tpu.memory_space<hbm>>) dst(%arg8 : memref<128xi32, #tpu.memory_space<vmem>>)
      tpu.yield
    }) : () -> ()
    %dma_start3A = arith.constant 0 : i32
    %dma_start3A_5 = arith.constant 0 : i32
    %dma_start3A_6 = tpu.memref_slice %arg3[%dma_start3A, %dma_start3A_5] : memref<50000x16xi32, #tpu.memory_space<hbm>> -> memref<50000x16xi32, #tpu.memory_space<hbm>>
    tpu.enqueue_indirect_dma source(%dma_start3A_6 : memref<50000x16xi32, #tpu.memory_space<hbm>>) target(%arg9 : memref<128x16xi32, #tpu.memory_space<vmem>>) offsets(%arg8 : memref<128xi32, #tpu.memory_space<vmem>>) semaphore(%arg17 : memref<!tpu.dma_semaphore, #tpu.memory_space<semaphore_mem>>)
    %dma_wait3A = arith.constant 0 : i32
    %dma_wait3A_7 = arith.constant 0 : i32
    %dma_wait3A_8 = tpu.memref_slice %arg3[%dma_wait3A, %dma_wait3A_7] : memref<50000x16xi32, #tpu.memory_space<hbm>> -> memref<50000x16xi32, #tpu.memory_space<hbm>>
    tpu.wait_indirect_dma semaphore(%arg17 : memref<!tpu.dma_semaphore, #tpu.memory_space<semaphore_mem>>) src(%dma_wait3A_8 : memref<50000x16xi32, #tpu.memory_space<hbm>>) dst(%arg9 : memref<128x16xi32, #tpu.memory_space<vmem>>)
    %scan3A = arith.constant 0 : i32
    %scan3A_9 = arith.constant 0 : i32
    %scan3A_10 = arith.constant 80 : i32
    %scan3A_11 = arith.addi %scan3A_9, %scan3A_10 : i32
    %scan3A_12 = arith.constant 1 : i32
    %scan3A_13 = scf.for %scan3A_294 = %scan3A_9 to %scan3A_11 step %scan3A_12 iter_args(%scan3A_295 = %scan3A) -> (i32)  : i32 {
      %mul3A_296 = arith.constant 16 : i32
      %mul3A_297 = arith.muli %scan3A_294, %mul3A_296 : i32
      %multiple_of3A = tpu.assume_multiple %mul3A_297, 16 : i32
      %get3A = arith.index_cast %multiple_of3A : i32 to index
      %get3A_298 = tpu.vector_load %arg15[%get3A] {strides = array<i32>} : memref<1280xi32, #tpu.memory_space<vmem>>, vector<16xi32>,
      %get3A_299 = arith.index_cast %multiple_of3A : i32 to index
      %get3A_300 = tpu.vector_load %arg16[%get3A_299] {strides = array<i32>} : memref<1280xi32, #tpu.memory_space<vmem>>, vector<16xi32>,
      %gather3A = tpu.vector_load_idx %arg9[%get3A_298, %get3A_300] : memref<128x16xi32, #tpu.memory_space<vmem>>[vector<16xi32>, vector<16xi32>], vector<16xi32>,
      %swap3A = arith.index_cast %multiple_of3A : i32 to index
      %swap3A_301 = tpu.vector_load %arg10[%swap3A] {strides = array<i32>} : memref<1280xi32, #tpu.memory_space<vmem>>, vector<16xi32>,
      tpu.vector_store %arg10[%swap3A], %gather3A {strides = array<i32>} : memref<1280xi32, #tpu.memory_space<vmem>>, vector<16xi32>,
      %scan3A_302 = arith.constant 0 : i32
      scf.yield %scan3A_302 : i32
    }
    %scan3A_14 = arith.constant 80 : i32
    %dma_start3A_15 = arith.constant 0 : i32
    %dma_start3A_16 = arith.constant 0 : i32
    %dma_start3A_17 = tpu.memref_slice %arg11[%dma_start3A_15, %dma_start3A_16] : memref<1280x16xi32, #tpu.memory_space<vmem>> -> memref<128x16xi32, #tpu.memory_space<vmem>>
    %dma_start3A_18 = arith.constant 0 : i32
    %dma_start3A_19 = tpu.memref_slice %arg10[%dma_start3A_18] : memref<1280xi32, #tpu.memory_space<vmem>> -> memref<128xi32, #tpu.memory_space<vmem>>
    %dma_start3A_20 = arith.constant 0 : i32
    %dma_start3A_21 = arith.constant 0 : i32
    %dma_start3A_22 = tpu.memref_slice %arg3[%dma_start3A_20, %dma_start3A_21] : memref<50000x16xi32, #tpu.memory_space<hbm>> -> memref<50000x16xi32, #tpu.memory_space<hbm>>
    tpu.enqueue_indirect_dma source(%dma_start3A_22 : memref<50000x16xi32, #tpu.memory_space<hbm>>) target(%dma_start3A_17 : memref<128x16xi32, #tpu.memory_space<vmem>>) offsets(%dma_start3A_19 : memref<128xi32, #tpu.memory_space<vmem>>) semaphore(%arg17 : memref<!tpu.dma_semaphore, #tpu.memory_space<semaphore_mem>>)
    %dma_start3A_23 = arith.constant 128 : i32
    %dma_start3A_24 = arith.constant 0 : i32
    %dma_start3A_25 = tpu.memref_slice %arg11[%dma_start3A_23, %dma_start3A_24] : memref<1280x16xi32, #tpu.memory_space<vmem>> -> memref<128x16xi32, #tpu.memory_space<vmem>>
    %dma_start3A_26 = arith.constant 128 : i32
    %dma_start3A_27 = tpu.memref_slice %arg10[%dma_start3A_26] : memref<1280xi32, #tpu.memory_space<vmem>> -> memref<128xi32, #tpu.memory_space<vmem>>
    %dma_start3A_28 = arith.constant 0 : i32
    %dma_start3A_29 = arith.constant 0 : i32
    %dma_start3A_30 = tpu.memref_slice %arg3[%dma_start3A_28, %dma_start3A_29] : memref<50000x16xi32, #tpu.memory_space<hbm>> -> memref<50000x16xi32, #tpu.memory_space<hbm>>
    tpu.enqueue_indirect_dma source(%dma_start3A_30 : memref<50000x16xi32, #tpu.memory_space<hbm>>) target(%dma_start3A_25 : memref<128x16xi32, #tpu.memory_space<vmem>>) offsets(%dma_start3A_27 : memref<128xi32, #tpu.memory_space<vmem>>) semaphore(%arg17 : memref<!tpu.dma_semaphore, #tpu.memory_space<semaphore_mem>>)
    %dma_start3A_31 = arith.constant 256 : i32
    %dma_start3A_32 = arith.constant 0 : i32
    %dma_start3A_33 = tpu.memref_slice %arg11[%dma_start3A_31, %dma_start3A_32] : memref<1280x16xi32, #tpu.memory_space<vmem>> -> memref<128x16xi32, #tpu.memory_space<vmem>>
    %dma_start3A_34 = arith.constant 256 : i32
    %dma_start3A_35 = tpu.memref_slice %arg10[%dma_start3A_34] : memref<1280xi32, #tpu.memory_space<vmem>> -> memref<128xi32, #tpu.memory_space<vmem>>
    %dma_start3A_36 = arith.constant 0 : i32
    %dma_start3A_37 = arith.constant 0 : i32
    %dma_start3A_38 = tpu.memref_slice %arg3[%dma_start3A_36, %dma_start3A_37] : memref<50000x16xi32, #tpu.memory_space<hbm>> -> memref<50000x16xi32, #tpu.memory_space<hbm>>
    tpu.enqueue_indirect_dma source(%dma_start3A_38 : memref<50000x16xi32, #tpu.memory_space<hbm>>) target(%dma_start3A_33 : memref<128x16xi32, #tpu.memory_space<vmem>>) offsets(%dma_start3A_35 : memref<128xi32, #tpu.memory_space<vmem>>) semaphore(%arg17 : memref<!tpu.dma_semaphore, #tpu.memory_space<semaphore_mem>>)
    %dma_start3A_39 = arith.constant 384 : i32
    %dma_start3A_40 = arith.constant 0 : i32
    %dma_start3A_41 = tpu.memref_slice %arg11[%dma_start3A_39, %dma_start3A_40] : memref<1280x16xi32, #tpu.memory_space<vmem>> -> memref<128x16xi32, #tpu.memory_space<vmem>>
    %dma_start3A_42 = arith.constant 384 : i32
    %dma_start3A_43 = tpu.memref_slice %arg10[%dma_start3A_42] : memref<1280xi32, #tpu.memory_space<vmem>> -> memref<128xi32, #tpu.memory_space<vmem>>
    %dma_start3A_44 = arith.constant 0 : i32
    %dma_start3A_45 = arith.constant 0 : i32
    %dma_start3A_46 = tpu.memref_slice %arg3[%dma_start3A_44, %dma_start3A_45] : memref<50000x16xi32, #tpu.memory_space<hbm>> -> memref<50000x16xi32, #tpu.memory_space<hbm>>
    tpu.enqueue_indirect_dma source(%dma_start3A_46 : memref<50000x16xi32, #tpu.memory_space<hbm>>) target(%dma_start3A_41 : memref<128x16xi32, #tpu.memory_space<vmem>>) offsets(%dma_start3A_43 : memref<128xi32, #tpu.memory_space<vmem>>) semaphore(%arg17 : memref<!tpu.dma_semaphore, #tpu.memory_space<semaphore_mem>>)
    %dma_start3A_47 = arith.constant 512 : i32
    %dma_start3A_48 = arith.constant 0 : i32
    %dma_start3A_49 = tpu.memref_slice %arg11[%dma_start3A_47, %dma_start3A_48] : memref<1280x16xi32, #tpu.memory_space<vmem>> -> memref<128x16xi32, #tpu.memory_space<vmem>>
    %dma_start3A_50 = arith.constant 512 : i32
    %dma_start3A_51 = tpu.memref_slice %arg10[%dma_start3A_50] : memref<1280xi32, #tpu.memory_space<vmem>> -> memref<128xi32, #tpu.memory_space<vmem>>
    %dma_start3A_52 = arith.constant 0 : i32
    %dma_start3A_53 = arith.constant 0 : i32
    %dma_start3A_54 = tpu.memref_slice %arg3[%dma_start3A_52, %dma_start3A_53] : memref<50000x16xi32, #tpu.memory_space<hbm>> -> memref<50000x16xi32, #tpu.memory_space<hbm>>
    tpu.enqueue_indirect_dma source(%dma_start3A_54 : memref<50000x16xi32, #tpu.memory_space<hbm>>) target(%dma_start3A_49 : memref<128x16xi32, #tpu.memory_space<vmem>>) offsets(%dma_start3A_51 : memref<128xi32, #tpu.memory_space<vmem>>) semaphore(%arg17 : memref<!tpu.dma_semaphore, #tpu.memory_space<semaphore_mem>>)
    %dma_start3A_55 = arith.constant 640 : i32
    %dma_start3A_56 = arith.constant 0 : i32
    %dma_start3A_57 = tpu.memref_slice %arg11[%dma_start3A_55, %dma_start3A_56] : memref<1280x16xi32, #tpu.memory_space<vmem>> -> memref<128x16xi32, #tpu.memory_space<vmem>>
    %dma_start3A_58 = arith.constant 640 : i32
    %dma_start3A_59 = tpu.memref_slice %arg10[%dma_start3A_58] : memref<1280xi32, #tpu.memory_space<vmem>> -> memref<128xi32, #tpu.memory_space<vmem>>
    %dma_start3A_60 = arith.constant 0 : i32
    %dma_start3A_61 = arith.constant 0 : i32
    %dma_start3A_62 = tpu.memref_slice %arg3[%dma_start3A_60, %dma_start3A_61] : memref<50000x16xi32, #tpu.memory_space<hbm>> -> memref<50000x16xi32, #tpu.memory_space<hbm>>
    tpu.enqueue_indirect_dma source(%dma_start3A_62 : memref<50000x16xi32, #tpu.memory_space<hbm>>) target(%dma_start3A_57 : memref<128x16xi32, #tpu.memory_space<vmem>>) offsets(%dma_start3A_59 : memref<128xi32, #tpu.memory_space<vmem>>) semaphore(%arg17 : memref<!tpu.dma_semaphore, #tpu.memory_space<semaphore_mem>>)
    %dma_start3A_63 = arith.constant 768 : i32
    %dma_start3A_64 = arith.constant 0 : i32
    %dma_start3A_65 = tpu.memref_slice %arg11[%dma_start3A_63, %dma_start3A_64] : memref<1280x16xi32, #tpu.memory_space<vmem>> -> memref<128x16xi32, #tpu.memory_space<vmem>>
    %dma_start3A_66 = arith.constant 768 : i32
    %dma_start3A_67 = tpu.memref_slice %arg10[%dma_start3A_66] : memref<1280xi32, #tpu.memory_space<vmem>> -> memref<128xi32, #tpu.memory_space<vmem>>
    %dma_start3A_68 = arith.constant 0 : i32
    %dma_start3A_69 = arith.constant 0 : i32
    %dma_start3A_70 = tpu.memref_slice %arg3[%dma_start3A_68, %dma_start3A_69] : memref<50000x16xi32, #tpu.memory_space<hbm>> -> memref<50000x16xi32, #tpu.memory_space<hbm>>
    tpu.enqueue_indirect_dma source(%dma_start3A_70 : memref<50000x16xi32, #tpu.memory_space<hbm>>) target(%dma_start3A_65 : memref<128x16xi32, #tpu.memory_space<vmem>>) offsets(%dma_start3A_67 : memref<128xi32, #tpu.memory_space<vmem>>) semaphore(%arg17 : memref<!tpu.dma_semaphore, #tpu.memory_space<semaphore_mem>>)
    %dma_start3A_71 = arith.constant 896 : i32
    %dma_start3A_72 = arith.constant 0 : i32
    %dma_start3A_73 = tpu.memref_slice %arg11[%dma_start3A_71, %dma_start3A_72] : memref<1280x16xi32, #tpu.memory_space<vmem>> -> memref<128x16xi32, #tpu.memory_space<vmem>>
    %dma_start3A_74 = arith.constant 896 : i32
    %dma_start3A_75 = tpu.memref_slice %arg10[%dma_start3A_74] : memref<1280xi32, #tpu.memory_space<vmem>> -> memref<128xi32, #tpu.memory_space<vmem>>
    %dma_start3A_76 = arith.constant 0 : i32
    %dma_start3A_77 = arith.constant 0 : i32
    %dma_start3A_78 = tpu.memref_slice %arg3[%dma_start3A_76, %dma_start3A_77] : memref<50000x16xi32, #tpu.memory_space<hbm>> -> memref<50000x16xi32, #tpu.memory_space<hbm>>
    tpu.enqueue_indirect_dma source(%dma_start3A_78 : memref<50000x16xi32, #tpu.memory_space<hbm>>) target(%dma_start3A_73 : memref<128x16xi32, #tpu.memory_space<vmem>>) offsets(%dma_start3A_75 : memref<128xi32, #tpu.memory_space<vmem>>) semaphore(%arg17 : memref<!tpu.dma_semaphore, #tpu.memory_space<semaphore_mem>>)
    %dma_start3A_79 = arith.constant 1024 : i32
    %dma_start3A_80 = arith.constant 0 : i32
    %dma_start3A_81 = tpu.memref_slice %arg11[%dma_start3A_79, %dma_start3A_80] : memref<1280x16xi32, #tpu.memory_space<vmem>> -> memref<128x16xi32, #tpu.memory_space<vmem>>
    %dma_start3A_82 = arith.constant 1024 : i32
    %dma_start3A_83 = tpu.memref_slice %arg10[%dma_start3A_82] : memref<1280xi32, #tpu.memory_space<vmem>> -> memref<128xi32, #tpu.memory_space<vmem>>
    %dma_start3A_84 = arith.constant 0 : i32
    %dma_start3A_85 = arith.constant 0 : i32
    %dma_start3A_86 = tpu.memref_slice %arg3[%dma_start3A_84, %dma_start3A_85] : memref<50000x16xi32, #tpu.memory_space<hbm>> -> memref<50000x16xi32, #tpu.memory_space<hbm>>
    tpu.enqueue_indirect_dma source(%dma_start3A_86 : memref<50000x16xi32, #tpu.memory_space<hbm>>) target(%dma_start3A_81 : memref<128x16xi32, #tpu.memory_space<vmem>>) offsets(%dma_start3A_83 : memref<128xi32, #tpu.memory_space<vmem>>) semaphore(%arg17 : memref<!tpu.dma_semaphore, #tpu.memory_space<semaphore_mem>>)
    %dma_start3A_87 = arith.constant 1152 : i32
    %dma_start3A_88 = arith.constant 0 : i32
    %dma_start3A_89 = tpu.memref_slice %arg11[%dma_start3A_87, %dma_start3A_88] : memref<1280x16xi32, #tpu.memory_space<vmem>> -> memref<128x16xi32, #tpu.memory_space<vmem>>
    %dma_start3A_90 = arith.constant 1152 : i32
    %dma_start3A_91 = tpu.memref_slice %arg10[%dma_start3A_90] : memref<1280xi32, #tpu.memory_space<vmem>> -> memref<128xi32, #tpu.memory_space<vmem>>
    %dma_start3A_92 = arith.constant 0 : i32
    %dma_start3A_93 = arith.constant 0 : i32
    %dma_start3A_94 = tpu.memref_slice %arg3[%dma_start3A_92, %dma_start3A_93] : memref<50000x16xi32, #tpu.memory_space<hbm>> -> memref<50000x16xi32, #tpu.memory_space<hbm>>
    tpu.enqueue_indirect_dma source(%dma_start3A_94 : memref<50000x16xi32, #tpu.memory_space<hbm>>) target(%dma_start3A_89 : memref<128x16xi32, #tpu.memory_space<vmem>>) offsets(%dma_start3A_91 : memref<128xi32, #tpu.memory_space<vmem>>) semaphore(%arg17 : memref<!tpu.dma_semaphore, #tpu.memory_space<semaphore_mem>>)
    %dma_wait3A_95 = arith.constant 0 : i32
    %dma_wait3A_96 = arith.constant 0 : i32
    %dma_wait3A_97 = tpu.memref_slice %arg11[%dma_wait3A_95, %dma_wait3A_96] : memref<1280x16xi32, #tpu.memory_space<vmem>> -> memref<128x16xi32, #tpu.memory_space<vmem>>
    %dma_wait3A_98 = arith.constant 0 : i32
    %dma_wait3A_99 = tpu.memref_slice %arg10[%dma_wait3A_98] : memref<1280xi32, #tpu.memory_space<vmem>> -> memref<128xi32, #tpu.memory_space<vmem>>
    %dma_wait3A_100 = arith.constant 0 : i32
    %dma_wait3A_101 = arith.constant 0 : i32
    %dma_wait3A_102 = tpu.memref_slice %arg3[%dma_wait3A_100, %dma_wait3A_101] : memref<50000x16xi32, #tpu.memory_space<hbm>> -> memref<50000x16xi32, #tpu.memory_space<hbm>>
    tpu.wait_indirect_dma semaphore(%arg17 : memref<!tpu.dma_semaphore, #tpu.memory_space<semaphore_mem>>) src(%dma_wait3A_102 : memref<50000x16xi32, #tpu.memory_space<hbm>>) dst(%dma_wait3A_97 : memref<128x16xi32, #tpu.memory_space<vmem>>)
    %dma_wait3A_103 = arith.constant 128 : i32
    %dma_wait3A_104 = arith.constant 0 : i32
    %dma_wait3A_105 = tpu.memref_slice %arg11[%dma_wait3A_103, %dma_wait3A_104] : memref<1280x16xi32, #tpu.memory_space<vmem>> -> memref<128x16xi32, #tpu.memory_space<vmem>>
    %dma_wait3A_106 = arith.constant 128 : i32
    %dma_wait3A_107 = tpu.memref_slice %arg10[%dma_wait3A_106] : memref<1280xi32, #tpu.memory_space<vmem>> -> memref<128xi32, #tpu.memory_space<vmem>>
    %dma_wait3A_108 = arith.constant 0 : i32
    %dma_wait3A_109 = arith.constant 0 : i32
    %dma_wait3A_110 = tpu.memref_slice %arg3[%dma_wait3A_108, %dma_wait3A_109] : memref<50000x16xi32, #tpu.memory_space<hbm>> -> memref<50000x16xi32, #tpu.memory_space<hbm>>
    tpu.wait_indirect_dma semaphore(%arg17 : memref<!tpu.dma_semaphore, #tpu.memory_space<semaphore_mem>>) src(%dma_wait3A_110 : memref<50000x16xi32, #tpu.memory_space<hbm>>) dst(%dma_wait3A_105 : memref<128x16xi32, #tpu.memory_space<vmem>>)
    %dma_wait3A_111 = arith.constant 256 : i32
    %dma_wait3A_112 = arith.constant 0 : i32
    %dma_wait3A_113 = tpu.memref_slice %arg11[%dma_wait3A_111, %dma_wait3A_112] : memref<1280x16xi32, #tpu.memory_space<vmem>> -> memref<128x16xi32, #tpu.memory_space<vmem>>
    %dma_wait3A_114 = arith.constant 256 : i32
    %dma_wait3A_115 = tpu.memref_slice %arg10[%dma_wait3A_114] : memref<1280xi32, #tpu.memory_space<vmem>> -> memref<128xi32, #tpu.memory_space<vmem>>
    %dma_wait3A_116 = arith.constant 0 : i32
    %dma_wait3A_117 = arith.constant 0 : i32
    %dma_wait3A_118 = tpu.memref_slice %arg3[%dma_wait3A_116, %dma_wait3A_117] : memref<50000x16xi32, #tpu.memory_space<hbm>> -> memref<50000x16xi32, #tpu.memory_space<hbm>>
    tpu.wait_indirect_dma semaphore(%arg17 : memref<!tpu.dma_semaphore, #tpu.memory_space<semaphore_mem>>) src(%dma_wait3A_118 : memref<50000x16xi32, #tpu.memory_space<hbm>>) dst(%dma_wait3A_113 : memref<128x16xi32, #tpu.memory_space<vmem>>)
    %dma_wait3A_119 = arith.constant 384 : i32
    %dma_wait3A_120 = arith.constant 0 : i32
    %dma_wait3A_121 = tpu.memref_slice %arg11[%dma_wait3A_119, %dma_wait3A_120] : memref<1280x16xi32, #tpu.memory_space<vmem>> -> memref<128x16xi32, #tpu.memory_space<vmem>>
    %dma_wait3A_122 = arith.constant 384 : i32
    %dma_wait3A_123 = tpu.memref_slice %arg10[%dma_wait3A_122] : memref<1280xi32, #tpu.memory_space<vmem>> -> memref<128xi32, #tpu.memory_space<vmem>>
    %dma_wait3A_124 = arith.constant 0 : i32
    %dma_wait3A_125 = arith.constant 0 : i32
    %dma_wait3A_126 = tpu.memref_slice %arg3[%dma_wait3A_124, %dma_wait3A_125] : memref<50000x16xi32, #tpu.memory_space<hbm>> -> memref<50000x16xi32, #tpu.memory_space<hbm>>
    tpu.wait_indirect_dma semaphore(%arg17 : memref<!tpu.dma_semaphore, #tpu.memory_space<semaphore_mem>>) src(%dma_wait3A_126 : memref<50000x16xi32, #tpu.memory_space<hbm>>) dst(%dma_wait3A_121 : memref<128x16xi32, #tpu.memory_space<vmem>>)
    %dma_wait3A_127 = arith.constant 512 : i32
    %dma_wait3A_128 = arith.constant 0 : i32
    %dma_wait3A_129 = tpu.memref_slice %arg11[%dma_wait3A_127, %dma_wait3A_128] : memref<1280x16xi32, #tpu.memory_space<vmem>> -> memref<128x16xi32, #tpu.memory_space<vmem>>
    %dma_wait3A_130 = arith.constant 512 : i32
    %dma_wait3A_131 = tpu.memref_slice %arg10[%dma_wait3A_130] : memref<1280xi32, #tpu.memory_space<vmem>> -> memref<128xi32, #tpu.memory_space<vmem>>
    %dma_wait3A_132 = arith.constant 0 : i32
    %dma_wait3A_133 = arith.constant 0 : i32
    %dma_wait3A_134 = tpu.memref_slice %arg3[%dma_wait3A_132, %dma_wait3A_133] : memref<50000x16xi32, #tpu.memory_space<hbm>> -> memref<50000x16xi32, #tpu.memory_space<hbm>>
    tpu.wait_indirect_dma semaphore(%arg17 : memref<!tpu.dma_semaphore, #tpu.memory_space<semaphore_mem>>) src(%dma_wait3A_134 : memref<50000x16xi32, #tpu.memory_space<hbm>>) dst(%dma_wait3A_129 : memref<128x16xi32, #tpu.memory_space<vmem>>)
    %dma_wait3A_135 = arith.constant 640 : i32
    %dma_wait3A_136 = arith.constant 0 : i32
    %dma_wait3A_137 = tpu.memref_slice %arg11[%dma_wait3A_135, %dma_wait3A_136] : memref<1280x16xi32, #tpu.memory_space<vmem>> -> memref<128x16xi32, #tpu.memory_space<vmem>>
    %dma_wait3A_138 = arith.constant 640 : i32
    %dma_wait3A_139 = tpu.memref_slice %arg10[%dma_wait3A_138] : memref<1280xi32, #tpu.memory_space<vmem>> -> memref<128xi32, #tpu.memory_space<vmem>>
    %dma_wait3A_140 = arith.constant 0 : i32
    %dma_wait3A_141 = arith.constant 0 : i32
    %dma_wait3A_142 = tpu.memref_slice %arg3[%dma_wait3A_140, %dma_wait3A_141] : memref<50000x16xi32, #tpu.memory_space<hbm>> -> memref<50000x16xi32, #tpu.memory_space<hbm>>
    tpu.wait_indirect_dma semaphore(%arg17 : memref<!tpu.dma_semaphore, #tpu.memory_space<semaphore_mem>>) src(%dma_wait3A_142 : memref<50000x16xi32, #tpu.memory_space<hbm>>) dst(%dma_wait3A_137 : memref<128x16xi32, #tpu.memory_space<vmem>>)
    %dma_wait3A_143 = arith.constant 768 : i32
    %dma_wait3A_144 = arith.constant 0 : i32
    %dma_wait3A_145 = tpu.memref_slice %arg11[%dma_wait3A_143, %dma_wait3A_144] : memref<1280x16xi32, #tpu.memory_space<vmem>> -> memref<128x16xi32, #tpu.memory_space<vmem>>
    %dma_wait3A_146 = arith.constant 768 : i32
    %dma_wait3A_147 = tpu.memref_slice %arg10[%dma_wait3A_146] : memref<1280xi32, #tpu.memory_space<vmem>> -> memref<128xi32, #tpu.memory_space<vmem>>
    %dma_wait3A_148 = arith.constant 0 : i32
    %dma_wait3A_149 = arith.constant 0 : i32
    %dma_wait3A_150 = tpu.memref_slice %arg3[%dma_wait3A_148, %dma_wait3A_149] : memref<50000x16xi32, #tpu.memory_space<hbm>> -> memref<50000x16xi32, #tpu.memory_space<hbm>>
    tpu.wait_indirect_dma semaphore(%arg17 : memref<!tpu.dma_semaphore, #tpu.memory_space<semaphore_mem>>) src(%dma_wait3A_150 : memref<50000x16xi32, #tpu.memory_space<hbm>>) dst(%dma_wait3A_145 : memref<128x16xi32, #tpu.memory_space<vmem>>)
    %dma_wait3A_151 = arith.constant 896 : i32
    %dma_wait3A_152 = arith.constant 0 : i32
    %dma_wait3A_153 = tpu.memref_slice %arg11[%dma_wait3A_151, %dma_wait3A_152] : memref<1280x16xi32, #tpu.memory_space<vmem>> -> memref<128x16xi32, #tpu.memory_space<vmem>>
    %dma_wait3A_154 = arith.constant 896 : i32
    %dma_wait3A_155 = tpu.memref_slice %arg10[%dma_wait3A_154] : memref<1280xi32, #tpu.memory_space<vmem>> -> memref<128xi32, #tpu.memory_space<vmem>>
    %dma_wait3A_156 = arith.constant 0 : i32
    %dma_wait3A_157 = arith.constant 0 : i32
    %dma_wait3A_158 = tpu.memref_slice %arg3[%dma_wait3A_156, %dma_wait3A_157] : memref<50000x16xi32, #tpu.memory_space<hbm>> -> memref<50000x16xi32, #tpu.memory_space<hbm>>
    tpu.wait_indirect_dma semaphore(%arg17 : memref<!tpu.dma_semaphore, #tpu.memory_space<semaphore_mem>>) src(%dma_wait3A_158 : memref<50000x16xi32, #tpu.memory_space<hbm>>) dst(%dma_wait3A_153 : memref<128x16xi32, #tpu.memory_space<vmem>>)
    %dma_wait3A_159 = arith.constant 1024 : i32
    %dma_wait3A_160 = arith.constant 0 : i32
    %dma_wait3A_161 = tpu.memref_slice %arg11[%dma_wait3A_159, %dma_wait3A_160] : memref<1280x16xi32, #tpu.memory_space<vmem>> -> memref<128x16xi32, #tpu.memory_space<vmem>>
    %dma_wait3A_162 = arith.constant 1024 : i32
    %dma_wait3A_163 = tpu.memref_slice %arg10[%dma_wait3A_162] : memref<1280xi32, #tpu.memory_space<vmem>> -> memref<128xi32, #tpu.memory_space<vmem>>
    %dma_wait3A_164 = arith.constant 0 : i32
    %dma_wait3A_165 = arith.constant 0 : i32
    %dma_wait3A_166 = tpu.memref_slice %arg3[%dma_wait3A_164, %dma_wait3A_165] : memref<50000x16xi32, #tpu.memory_space<hbm>> -> memref<50000x16xi32, #tpu.memory_space<hbm>>
    tpu.wait_indirect_dma semaphore(%arg17 : memref<!tpu.dma_semaphore, #tpu.memory_space<semaphore_mem>>) src(%dma_wait3A_166 : memref<50000x16xi32, #tpu.memory_space<hbm>>) dst(%dma_wait3A_161 : memref<128x16xi32, #tpu.memory_space<vmem>>)
    %dma_wait3A_167 = arith.constant 1152 : i32
    %dma_wait3A_168 = arith.constant 0 : i32
    %dma_wait3A_169 = tpu.memref_slice %arg11[%dma_wait3A_167, %dma_wait3A_168] : memref<1280x16xi32, #tpu.memory_space<vmem>> -> memref<128x16xi32, #tpu.memory_space<vmem>>
    %dma_wait3A_170 = arith.constant 1152 : i32
    %dma_wait3A_171 = tpu.memref_slice %arg10[%dma_wait3A_170] : memref<1280xi32, #tpu.memory_space<vmem>> -> memref<128xi32, #tpu.memory_space<vmem>>
    %dma_wait3A_172 = arith.constant 0 : i32
    %dma_wait3A_173 = arith.constant 0 : i32
    %dma_wait3A_174 = tpu.memref_slice %arg3[%dma_wait3A_172, %dma_wait3A_173] : memref<50000x16xi32, #tpu.memory_space<hbm>> -> memref<50000x16xi32, #tpu.memory_space<hbm>>
    tpu.wait_indirect_dma semaphore(%arg17 : memref<!tpu.dma_semaphore, #tpu.memory_space<semaphore_mem>>) src(%dma_wait3A_174 : memref<50000x16xi32, #tpu.memory_space<hbm>>) dst(%dma_wait3A_169 : memref<128x16xi32, #tpu.memory_space<vmem>>)
    %scan3A_175 = arith.constant 0 : i32
    %scan3A_176 = arith.constant 0 : i32
    %scan3A_177 = arith.constant 20 : i32
    %scan3A_178 = arith.addi %scan3A_176, %scan3A_177 : i32
    %scan3A_179 = arith.constant 1 : i32
    %scan3A_180 = scf.for %scan3A_294 = %scan3A_176 to %scan3A_178 step %scan3A_179 iter_args(%scan3A_295 = %scan3A_175) -> (i32)  : i32 {
      %mul3A_296 = arith.constant 16 : i32
      %mul3A_297 = arith.muli %scan3A_294, %mul3A_296 : i32
      %multiple_of3A = tpu.assume_multiple %mul3A_297, 16 : i32
      %get3A = arith.index_cast %multiple_of3A : i32 to index
      %get3A_298 = tpu.vector_load %arg15[%get3A] {strides = array<i32>} : memref<1280xi32, #tpu.memory_space<vmem>>, vector<16xi32>,
      %get3A_299 = arith.index_cast %multiple_of3A : i32 to index
      %get3A_300 = tpu.vector_load %arg16[%get3A_299] {strides = array<i32>} : memref<1280xi32, #tpu.memory_space<vmem>>, vector<16xi32>,
      %add3A_301 = arith.constant 0 : i32
      %add3A_302 = vector.broadcast %add3A_301 : i32 to vector<16xi32>
      %add3A_303 = arith.addi %add3A_302, %get3A_298 : vector<16xi32>
      %gather3A = tpu.vector_load_idx %arg11[%add3A_303, %get3A_300] : memref<1280x16xi32, #tpu.memory_space<vmem>>[vector<16xi32>, vector<16xi32>], vector<16xi32>,
      %swap3A = arith.constant 0 : i32
      %swap3A_304 = arith.index_cast %swap3A : i32 to index
      %swap3A_305 = arith.index_cast %multiple_of3A : i32 to index
      %swap3A_306 = tpu.vector_load %arg12[%swap3A_304, %swap3A_305] {strides = array<i32>} : memref<2x320xi32, #tpu.memory_space<vmem>>, vector<16xi32>,
      tpu.vector_store %arg12[%swap3A_304, %swap3A_305], %gather3A {strides = array<i32>} : memref<2x320xi32, #tpu.memory_space<vmem>>, vector<16xi32>,
      %scan3A_307 = arith.constant 0 : i32
      scf.yield %scan3A_307 : i32
    }
    %scan3A_181 = arith.constant 20 : i32
    %dma_start3A_182 = arith.constant 0 : i32
    %dma_start3A_183 = arith.constant 0 : i32
    %dma_start3A_184 = arith.constant 0 : i32
    %dma_start3A_185 = arith.constant 0 : i32
    %dma_start3A_186 = tpu.memref_slice %arg13[%dma_start3A_183, %dma_start3A_184, %dma_start3A_185] : memref<2x320x128xf32, #tpu.memory_space<vmem>> -> memref<1x128x128xf32, #tpu.memory_space<vmem>>
    %dma_start3A_187 = tpu.memref_squeeze %dma_start3A_186 : memref<1x128x128xf32, #tpu.memory_space<vmem>> -> memref<128x128xf32, #tpu.memory_space<vmem>>
    %dma_start3A_188 = arith.constant 0 : i32
    %dma_start3A_189 = tpu.memref_slice %arg12[%dma_start3A_182, %dma_start3A_188] : memref<2x320xi32, #tpu.memory_space<vmem>> -> memref<1x128xi32, #tpu.memory_space<vmem>>
    %dma_start3A_190 = tpu.memref_squeeze %dma_start3A_189 : memref<1x128xi32, #tpu.memory_space<vmem>> -> memref<128xi32, #tpu.memory_space<vmem>>
    %dma_start3A_191 = arith.constant 0 : i32
    %dma_start3A_192 = arith.constant 0 : i32
    %dma_start3A_193 = tpu.memref_slice %arg2[%dma_start3A_191, %dma_start3A_192] : memref<50000x128xf32, #tpu.memory_space<hbm>> -> memref<50000x128xf32, #tpu.memory_space<hbm>>
    tpu.enqueue_indirect_dma source(%dma_start3A_193 : memref<50000x128xf32, #tpu.memory_space<hbm>>) target(%dma_start3A_187 : memref<128x128xf32, #tpu.memory_space<vmem>>) offsets(%dma_start3A_190 : memref<128xi32, #tpu.memory_space<vmem>>) semaphore(%arg17 : memref<!tpu.dma_semaphore, #tpu.memory_space<semaphore_mem>>)
    %dma_start3A_194 = arith.constant 0 : i32
    %dma_start3A_195 = arith.constant 0 : i32
    %dma_start3A_196 = arith.constant 128 : i32
    %dma_start3A_197 = arith.constant 0 : i32
    %dma_start3A_198 = tpu.memref_slice %arg13[%dma_start3A_195, %dma_start3A_196, %dma_start3A_197] : memref<2x320x128xf32, #tpu.memory_space<vmem>> -> memref<1x128x128xf32, #tpu.memory_space<vmem>>
    %dma_start3A_199 = tpu.memref_squeeze %dma_start3A_198 : memref<1x128x128xf32, #tpu.memory_space<vmem>> -> memref<128x128xf32, #tpu.memory_space<vmem>>
    %dma_start3A_200 = arith.constant 128 : i32
    %dma_start3A_201 = tpu.memref_slice %arg12[%dma_start3A_194, %dma_start3A_200] : memref<2x320xi32, #tpu.memory_space<vmem>> -> memref<1x128xi32, #tpu.memory_space<vmem>>
    %dma_start3A_202 = tpu.memref_squeeze %dma_start3A_201 : memref<1x128xi32, #tpu.memory_space<vmem>> -> memref<128xi32, #tpu.memory_space<vmem>>
    %dma_start3A_203 = arith.constant 0 : i32
    %dma_start3A_204 = arith.constant 0 : i32
    %dma_start3A_205 = tpu.memref_slice %arg2[%dma_start3A_203, %dma_start3A_204] : memref<50000x128xf32, #tpu.memory_space<hbm>> -> memref<50000x128xf32, #tpu.memory_space<hbm>>
    tpu.enqueue_indirect_dma source(%dma_start3A_205 : memref<50000x128xf32, #tpu.memory_space<hbm>>) target(%dma_start3A_199 : memref<128x128xf32, #tpu.memory_space<vmem>>) offsets(%dma_start3A_202 : memref<128xi32, #tpu.memory_space<vmem>>) semaphore(%arg17 : memref<!tpu.dma_semaphore, #tpu.memory_space<semaphore_mem>>)
    %dma_start3A_206 = arith.constant 0 : i32
    %dma_start3A_207 = arith.constant 0 : i32
    %dma_start3A_208 = arith.constant 256 : i32
    %dma_start3A_209 = arith.constant 0 : i32
    %dma_start3A_210 = tpu.memref_slice %arg13[%dma_start3A_207, %dma_start3A_208, %dma_start3A_209] : memref<2x320x128xf32, #tpu.memory_space<vmem>> -> memref<1x64x128xf32, #tpu.memory_space<vmem>>
    %dma_start3A_211 = tpu.memref_squeeze %dma_start3A_210 : memref<1x64x128xf32, #tpu.memory_space<vmem>> -> memref<64x128xf32, #tpu.memory_space<vmem>>
    %dma_start3A_212 = arith.constant 256 : i32
    %dma_start3A_213 = tpu.memref_slice %arg12[%dma_start3A_206, %dma_start3A_212] : memref<2x320xi32, #tpu.memory_space<vmem>> -> memref<1x64xi32, #tpu.memory_space<vmem>>
    %dma_start3A_214 = tpu.memref_squeeze %dma_start3A_213 : memref<1x64xi32, #tpu.memory_space<vmem>> -> memref<64xi32, #tpu.memory_space<vmem>>
    %dma_start3A_215 = arith.constant 0 : i32
    %dma_start3A_216 = arith.constant 0 : i32
    %dma_start3A_217 = tpu.memref_slice %arg2[%dma_start3A_215, %dma_start3A_216] : memref<50000x128xf32, #tpu.memory_space<hbm>> -> memref<50000x128xf32, #tpu.memory_space<hbm>>
    tpu.enqueue_indirect_dma source(%dma_start3A_217 : memref<50000x128xf32, #tpu.memory_space<hbm>>) target(%dma_start3A_211 : memref<64x128xf32, #tpu.memory_space<vmem>>) offsets(%dma_start3A_214 : memref<64xi32, #tpu.memory_space<vmem>>) semaphore(%arg17 : memref<!tpu.dma_semaphore, #tpu.memory_space<semaphore_mem>>)
    %scan3A_218 = arith.constant 0 : i32
    %scan3A_219 = arith.constant 0 : i32
    %scan3A_220 = arith.constant 20 : i32
    %scan3A_221 = arith.addi %scan3A_219, %scan3A_220 : i32
    %scan3A_222 = arith.constant 1 : i32
    %scan3A_223 = scf.for %scan3A_294 = %scan3A_219 to %scan3A_221 step %scan3A_222 iter_args(%scan3A_295 = %scan3A_218) -> (i32)  : i32 {
      %mul3A_296 = arith.constant 16 : i32
      %mul3A_297 = arith.muli %scan3A_294, %mul3A_296 : i32
      %multiple_of3A = tpu.assume_multiple %mul3A_297, 16 : i32
      %get3A = arith.index_cast %multiple_of3A : i32 to index
      %get3A_298 = tpu.vector_load %arg15[%get3A] {strides = array<i32>} : memref<1280xi32, #tpu.memory_space<vmem>>, vector<16xi32>,
      %get3A_299 = arith.index_cast %multiple_of3A : i32 to index
      %get3A_300 = tpu.vector_load %arg16[%get3A_299] {strides = array<i32>} : memref<1280xi32, #tpu.memory_space<vmem>>, vector<16xi32>,
      %add3A_301 = arith.constant 32 : i32
      %add3A_302 = vector.broadcast %add3A_301 : i32 to vector<16xi32>
      %add3A_303 = arith.addi %add3A_302, %get3A_298 : vector<16xi32>
      %gather3A = tpu.vector_load_idx %arg11[%add3A_303, %get3A_300] : memref<1280x16xi32, #tpu.memory_space<vmem>>[vector<16xi32>, vector<16xi32>], vector<16xi32>,
      %swap3A = arith.constant 1 : i32
      %swap3A_304 = arith.index_cast %swap3A : i32 to index
      %swap3A_305 = arith.index_cast %multiple_of3A : i32 to index
      %swap3A_306 = tpu.vector_load %arg12[%swap3A_304, %swap3A_305] {strides = array<i32>} : memref<2x320xi32, #tpu.memory_space<vmem>>, vector<16xi32>,
      tpu.vector_store %arg12[%swap3A_304, %swap3A_305], %gather3A {strides = array<i32>} : memref<2x320xi32, #tpu.memory_space<vmem>>, vector<16xi32>,
      %scan3A_307 = arith.constant 0 : i32
      scf.yield %scan3A_307 : i32
    }
    %scan3A_224 = arith.constant 20 : i32
    %dma_start3A_225 = arith.constant 1 : i32
    %dma_start3A_226 = arith.constant 1 : i32
    %dma_start3A_227 = arith.constant 0 : i32
    %dma_start3A_228 = arith.constant 0 : i32
    %dma_start3A_229 = tpu.memref_slice %arg13[%dma_start3A_226, %dma_start3A_227, %dma_start3A_228] : memref<2x320x128xf32, #tpu.memory_space<vmem>> -> memref<1x128x128xf32, #tpu.memory_space<vmem>>
    %dma_start3A_230 = tpu.memref_squeeze %dma_start3A_229 : memref<1x128x128xf32, #tpu.memory_space<vmem>> -> memref<128x128xf32, #tpu.memory_space<vmem>>
    %dma_start3A_231 = arith.constant 0 : i32
    %dma_start3A_232 = tpu.memref_slice %arg12[%dma_start3A_225, %dma_start3A_231] : memref<2x320xi32, #tpu.memory_space<vmem>> -> memref<1x128xi32, #tpu.memory_space<vmem>>
    %dma_start3A_233 = tpu.memref_squeeze %dma_start3A_232 : memref<1x128xi32, #tpu.memory_space<vmem>> -> memref<128xi32, #tpu.memory_space<vmem>>
    %dma_start3A_234 = arith.constant 0 : i32
    %dma_start3A_235 = arith.constant 0 : i32
    %dma_start3A_236 = tpu.memref_slice %arg2[%dma_start3A_234, %dma_start3A_235] : memref<50000x128xf32, #tpu.memory_space<hbm>> -> memref<50000x128xf32, #tpu.memory_space<hbm>>
    tpu.enqueue_indirect_dma source(%dma_start3A_236 : memref<50000x128xf32, #tpu.memory_space<hbm>>) target(%dma_start3A_230 : memref<128x128xf32, #tpu.memory_space<vmem>>) offsets(%dma_start3A_233 : memref<128xi32, #tpu.memory_space<vmem>>) semaphore(%arg18 : memref<!tpu.dma_semaphore, #tpu.memory_space<semaphore_mem>>)
    %dma_start3A_237 = arith.constant 1 : i32
    %dma_start3A_238 = arith.constant 1 : i32
    %dma_start3A_239 = arith.constant 128 : i32
    %dma_start3A_240 = arith.constant 0 : i32
    %dma_start3A_241 = tpu.memref_slice %arg13[%dma_start3A_238, %dma_start3A_239, %dma_start3A_240] : memref<2x320x128xf32, #tpu.memory_space<vmem>> -> memref<1x128x128xf32, #tpu.memory_space<vmem>>
    %dma_start3A_242 = tpu.memref_squeeze %dma_start3A_241 : memref<1x128x128xf32, #tpu.memory_space<vmem>> -> memref<128x128xf32, #tpu.memory_space<vmem>>
    %dma_start3A_243 = arith.constant 128 : i32
    %dma_start3A_244 = tpu.memref_slice %arg12[%dma_start3A_237, %dma_start3A_243] : memref<2x320xi32, #tpu.memory_space<vmem>> -> memref<1x128xi32, #tpu.memory_space<vmem>>
    %dma_start3A_245 = tpu.memref_squeeze %dma_start3A_244 : memref<1x128xi32, #tpu.memory_space<vmem>> -> memref<128xi32, #tpu.memory_space<vmem>>
    %dma_start3A_246 = arith.constant 0 : i32
    %dma_start3A_247 = arith.constant 0 : i32
    %dma_start3A_248 = tpu.memref_slice %arg2[%dma_start3A_246, %dma_start3A_247] : memref<50000x128xf32, #tpu.memory_space<hbm>> -> memref<50000x128xf32, #tpu.memory_space<hbm>>
    tpu.enqueue_indirect_dma source(%dma_start3A_248 : memref<50000x128xf32, #tpu.memory_space<hbm>>) target(%dma_start3A_242 : memref<128x128xf32, #tpu.memory_space<vmem>>) offsets(%dma_start3A_245 : memref<128xi32, #tpu.memory_space<vmem>>) semaphore(%arg18 : memref<!tpu.dma_semaphore, #tpu.memory_space<semaphore_mem>>)
    %dma_start3A_249 = arith.constant 1 : i32
    %dma_start3A_250 = arith.constant 1 : i32
    %dma_start3A_251 = arith.constant 256 : i32
    %dma_start3A_252 = arith.constant 0 : i32
    %dma_start3A_253 = tpu.memref_slice %arg13[%dma_start3A_250, %dma_start3A_251, %dma_start3A_252] : memref<2x320x128xf32, #tpu.memory_space<vmem>> -> memref<1x64x128xf32, #tpu.memory_space<vmem>>
    %dma_start3A_254 = tpu.memref_squeeze %dma_start3A_253 : memref<1x64x128xf32, #tpu.memory_space<vmem>> -> memref<64x128xf32, #tpu.memory_space<vmem>>
    %dma_start3A_255 = arith.constant 256 : i32
    %dma_start3A_256 = tpu.memref_slice %arg12[%dma_start3A_249, %dma_start3A_255] : memref<2x320xi32, #tpu.memory_space<vmem>> -> memref<1x64xi32, #tpu.memory_space<vmem>>
    %dma_start3A_257 = tpu.memref_squeeze %dma_start3A_256 : memref<1x64xi32, #tpu.memory_space<vmem>> -> memref<64xi32, #tpu.memory_space<vmem>>
    %dma_start3A_258 = arith.constant 0 : i32
    %dma_start3A_259 = arith.constant 0 : i32
    %dma_start3A_260 = tpu.memref_slice %arg2[%dma_start3A_258, %dma_start3A_259] : memref<50000x128xf32, #tpu.memory_space<hbm>> -> memref<50000x128xf32, #tpu.memory_space<hbm>>
    tpu.enqueue_indirect_dma source(%dma_start3A_260 : memref<50000x128xf32, #tpu.memory_space<hbm>>) target(%dma_start3A_254 : memref<64x128xf32, #tpu.memory_space<vmem>>) offsets(%dma_start3A_257 : memref<64xi32, #tpu.memory_space<vmem>>) semaphore(%arg18 : memref<!tpu.dma_semaphore, #tpu.memory_space<semaphore_mem>>)
    %scan3A_261 = arith.constant 0 : i32
    %scan3A_262 = arith.constant 0 : i32
    %scan3A_263 = arith.constant 20 : i32
    %scan3A_264 = arith.addi %scan3A_262, %scan3A_263 : i32
    %scan3A_265 = arith.constant 1 : i32
    %scan3A_266 = scf.for %scan3A_294 = %scan3A_262 to %scan3A_264 step %scan3A_265 iter_args(%scan3A_295 = %scan3A_261) -> (i32)  : i32 {
      %mul3A_296 = arith.constant 2 : i32
      %mul3A_297 = arith.muli %mul3A_296, %scan3A_294 : i32
      %add3A_298 = arith.constant 0 : i32
      %add3A_299 = arith.addi %mul3A_297, %add3A_298 : i32
      %dma_wait3A_300 = arith.constant 0 : i32
      %dma_wait3A_301 = arith.constant 0 : i32
      %dma_wait3A_302 = arith.constant 0 : i32
      %dma_wait3A_303 = arith.constant 0 : i32
      %dma_wait3A_304 = tpu.memref_slice %arg13[%dma_wait3A_301, %dma_wait3A_302, %dma_wait3A_303] : memref<2x320x128xf32, #tpu.memory_space<vmem>> -> memref<1x128x128xf32, #tpu.memory_space<vmem>>
      %dma_wait3A_305 = tpu.memref_squeeze %dma_wait3A_304 : memref<1x128x128xf32, #tpu.memory_space<vmem>> -> memref<128x128xf32, #tpu.memory_space<vmem>>
      %dma_wait3A_306 = arith.constant 0 : i32
      %dma_wait3A_307 = tpu.memref_slice %arg12[%dma_wait3A_300, %dma_wait3A_306] : memref<2x320xi32, #tpu.memory_space<vmem>> -> memref<1x128xi32, #tpu.memory_space<vmem>>
      %dma_wait3A_308 = tpu.memref_squeeze %dma_wait3A_307 : memref<1x128xi32, #tpu.memory_space<vmem>> -> memref<128xi32, #tpu.memory_space<vmem>>
      %dma_wait3A_309 = arith.constant 0 : i32
      %dma_wait3A_310 = arith.constant 0 : i32
      %dma_wait3A_311 = tpu.memref_slice %arg2[%dma_wait3A_309, %dma_wait3A_310] : memref<50000x128xf32, #tpu.memory_space<hbm>> -> memref<50000x128xf32, #tpu.memory_space<hbm>>
      tpu.wait_indirect_dma semaphore(%arg17 : memref<!tpu.dma_semaphore, #tpu.memory_space<semaphore_mem>>) src(%dma_wait3A_311 : memref<50000x128xf32, #tpu.memory_space<hbm>>) dst(%dma_wait3A_305 : memref<128x128xf32, #tpu.memory_space<vmem>>)
      %dma_wait3A_312 = arith.constant 0 : i32
      %dma_wait3A_313 = arith.constant 0 : i32
      %dma_wait3A_314 = arith.constant 128 : i32
      %dma_wait3A_315 = arith.constant 0 : i32
      %dma_wait3A_316 = tpu.memref_slice %arg13[%dma_wait3A_313, %dma_wait3A_314, %dma_wait3A_315] : memref<2x320x128xf32, #tpu.memory_space<vmem>> -> memref<1x128x128xf32, #tpu.memory_space<vmem>>
      %dma_wait3A_317 = tpu.memref_squeeze %dma_wait3A_316 : memref<1x128x128xf32, #tpu.memory_space<vmem>> -> memref<128x128xf32, #tpu.memory_space<vmem>>
      %dma_wait3A_318 = arith.constant 128 : i32
      %dma_wait3A_319 = tpu.memref_slice %arg12[%dma_wait3A_312, %dma_wait3A_318] : memref<2x320xi32, #tpu.memory_space<vmem>> -> memref<1x128xi32, #tpu.memory_space<vmem>>
      %dma_wait3A_320 = tpu.memref_squeeze %dma_wait3A_319 : memref<1x128xi32, #tpu.memory_space<vmem>> -> memref<128xi32, #tpu.memory_space<vmem>>
      %dma_wait3A_321 = arith.constant 0 : i32
      %dma_wait3A_322 = arith.constant 0 : i32
      %dma_wait3A_323 = tpu.memref_slice %arg2[%dma_wait3A_321, %dma_wait3A_322] : memref<50000x128xf32, #tpu.memory_space<hbm>> -> memref<50000x128xf32, #tpu.memory_space<hbm>>
      tpu.wait_indirect_dma semaphore(%arg17 : memref<!tpu.dma_semaphore, #tpu.memory_space<semaphore_mem>>) src(%dma_wait3A_323 : memref<50000x128xf32, #tpu.memory_space<hbm>>) dst(%dma_wait3A_317 : memref<128x128xf32, #tpu.memory_space<vmem>>)
      %dma_wait3A_324 = arith.constant 0 : i32
      %dma_wait3A_325 = arith.constant 0 : i32
      %dma_wait3A_326 = arith.constant 256 : i32
      %dma_wait3A_327 = arith.constant 0 : i32
      %dma_wait3A_328 = tpu.memref_slice %arg13[%dma_wait3A_325, %dma_wait3A_326, %dma_wait3A_327] : memref<2x320x128xf32, #tpu.memory_space<vmem>> -> memref<1x64x128xf32, #tpu.memory_space<vmem>>
      %dma_wait3A_329 = tpu.memref_squeeze %dma_wait3A_328 : memref<1x64x128xf32, #tpu.memory_space<vmem>> -> memref<64x128xf32, #tpu.memory_space<vmem>>
      %dma_wait3A_330 = arith.constant 256 : i32
      %dma_wait3A_331 = tpu.memref_slice %arg12[%dma_wait3A_324, %dma_wait3A_330] : memref<2x320xi32, #tpu.memory_space<vmem>> -> memref<1x64xi32, #tpu.memory_space<vmem>>
      %dma_wait3A_332 = tpu.memref_squeeze %dma_wait3A_331 : memref<1x64xi32, #tpu.memory_space<vmem>> -> memref<64xi32, #tpu.memory_space<vmem>>
      %dma_wait3A_333 = arith.constant 0 : i32
      %dma_wait3A_334 = arith.constant 0 : i32
      %dma_wait3A_335 = tpu.memref_slice %arg2[%dma_wait3A_333, %dma_wait3A_334] : memref<50000x128xf32, #tpu.memory_space<hbm>> -> memref<50000x128xf32, #tpu.memory_space<hbm>>
      tpu.wait_indirect_dma semaphore(%arg17 : memref<!tpu.dma_semaphore, #tpu.memory_space<semaphore_mem>>) src(%dma_wait3A_335 : memref<50000x128xf32, #tpu.memory_space<hbm>>) dst(%dma_wait3A_329 : memref<64x128xf32, #tpu.memory_space<vmem>>)
      %ge3A = arith.constant 1 : i32
      %ge3A_336 = arith.cmpi sge, %scan3A_294, %ge3A : i32
      %convert_element_type3A = arith.extui %ge3A_336 : i1 to i32
      %cond3A = arith.constant 0 : i32
      %cond3A_337 = arith.cmpi ne, %convert_element_type3A, %cond3A : i32
      scf.if %cond3A_337 {
        %dma_wait3A_439 = arith.constant 0 : i32
        %dma_wait3A_440 = arith.constant 0 : i32
        %dma_wait3A_441 = arith.constant 0 : i32
        %dma_wait3A_442 = tpu.memref_slice %arg14[%dma_wait3A_439, %dma_wait3A_440, %dma_wait3A_441] : memref<2x32x128xf32, #tpu.memory_space<vmem>> -> memref<1x32x128xf32, #tpu.memory_space<vmem>>
        %dma_wait3A_443 = tpu.memref_squeeze %dma_wait3A_442 : memref<1x32x128xf32, #tpu.memory_space<vmem>> -> memref<32x128xf32, #tpu.memory_space<vmem>>
        %dma_wait3A_444 = arith.constant 0 : i32
        %dma_wait3A_445 = tpu.memref_slice %arg7[%mul3A_4, %dma_wait3A_444] : memref<40960x128xf32, #tpu.memory_space<hbm>> -> memref<32x128xf32, #tpu.memory_space<hbm>>
        %dma_wait3A_446 = arith.constant 0 : i32
        %dma_wait3A_447 = tpu.memref_slice %arg7[%mul3A_4, %dma_wait3A_446] : memref<40960x128xf32, #tpu.memory_space<hbm>> -> memref<32x128xf32, #tpu.memory_space<hbm>>
        %dma_wait3A_448 = arith.constant 0 : i32
        %dma_wait3A_449 = arith.constant 0 : i32
        %dma_wait3A_450 = tpu.memref_slice %arg14[%dma_wait3A_439, %dma_wait3A_448, %dma_wait3A_449] : memref<2x32x128xf32, #tpu.memory_space<vmem>> -> memref<1x32x128xf32, #tpu.memory_space<vmem>>
        %dma_wait3A_451 = tpu.memref_squeeze %dma_wait3A_450 : memref<1x32x128xf32, #tpu.memory_space<vmem>> -> memref<32x128xf32, #tpu.memory_space<vmem>>
        tpu.wait_dma2 semaphore(%arg19 : memref<!tpu.dma_semaphore, #tpu.memory_space<semaphore_mem>>) src(%dma_wait3A_451 : memref<32x128xf32, #tpu.memory_space<vmem>>) dst(%dma_wait3A_447 : memref<32x128xf32, #tpu.memory_space<hbm>>)
      } else {
      }
      %scan3A_338 = arith.constant 0 : i32
      %scan3A_339 = arith.constant 0 : i32
      %scan3A_340 = arith.constant 32 : i32
      %scan3A_341 = arith.addi %scan3A_339, %scan3A_340 : i32
      %scan3A_342 = arith.constant 1 : i32
      %scan3A_343 = scf.for %scan3A_439 = %scan3A_339 to %scan3A_341 step %scan3A_342 iter_args(%scan3A_440 = %scan3A_338) -> (i32)  : i32 {
        %mul3A_441 = arith.constant 10 : i32
        %mul3A_442 = arith.muli %scan3A_439, %mul3A_441 : i32
        %get3A = arith.constant 0 : i32
        %get3A_443 = arith.index_cast %get3A : i32 to index
        %get3A_444 = arith.index_cast %mul3A_442 : i32 to index
        %get3A_445 = arith.constant 0 : index
        %get3A_446 = tpu.vector_load %arg13[%get3A_443, %get3A_444, %get3A_445] {strides = array<i32>} : memref<2x320x128xf32, #tpu.memory_space<vmem>>, vector<16xf32>,
        %add3A_447 = arith.constant 1 : i32
        %add3A_448 = arith.addi %mul3A_442, %add3A_447 : i32
        %get3A_449 = arith.constant 0 : i32
        %get3A_450 = arith.index_cast %get3A_449 : i32 to index
        %get3A_451 = arith.index_cast %add3A_448 : i32 to index
        %get3A_452 = arith.constant 0 : index
        %get3A_453 = tpu.vector_load %arg13[%get3A_450, %get3A_451, %get3A_452] {strides = array<i32>} : memref<2x320x128xf32, #tpu.memory_space<vmem>>, vector<16xf32>,
        %add3A_454 = arith.addf %get3A_446, %get3A_453 : vector<16xf32>
        %add3A_455 = arith.constant 2 : i32
        %add3A_456 = arith.addi %mul3A_442, %add3A_455 : i32
        %get3A_457 = arith.constant 0 : i32
        %get3A_458 = arith.index_cast %get3A_457 : i32 to index
        %get3A_459 = arith.index_cast %add3A_456 : i32 to index
        %get3A_460 = arith.constant 0 : index
        %get3A_461 = tpu.vector_load %arg13[%get3A_458, %get3A_459, %get3A_460] {strides = array<i32>} : memref<2x320x128xf32, #tpu.memory_space<vmem>>, vector<16xf32>,
        %add3A_462 = arith.addf %add3A_454, %get3A_461 : vector<16xf32>
        %add3A_463 = arith.constant 3 : i32
        %add3A_464 = arith.addi %mul3A_442, %add3A_463 : i32
        %get3A_465 = arith.constant 0 : i32
        %get3A_466 = arith.index_cast %get3A_465 : i32 to index
        %get3A_467 = arith.index_cast %add3A_464 : i32 to index
        %get3A_468 = arith.constant 0 : index
        %get3A_469 = tpu.vector_load %arg13[%get3A_466, %get3A_467, %get3A_468] {strides = array<i32>} : memref<2x320x128xf32, #tpu.memory_space<vmem>>, vector<16xf32>,
        %add3A_470 = arith.addf %add3A_462, %get3A_469 : vector<16xf32>
        %add3A_471 = arith.constant 4 : i32
        %add3A_472 = arith.addi %mul3A_442, %add3A_471 : i32
        %get3A_473 = arith.constant 0 : i32
        %get3A_474 = arith.index_cast %get3A_473 : i32 to index
        %get3A_475 = arith.index_cast %add3A_472 : i32 to index
        %get3A_476 = arith.constant 0 : index
        %get3A_477 = tpu.vector_load %arg13[%get3A_474, %get3A_475, %get3A_476] {strides = array<i32>} : memref<2x320x128xf32, #tpu.memory_space<vmem>>, vector<16xf32>,
        %add3A_478 = arith.addf %add3A_470, %get3A_477 : vector<16xf32>
        %add3A_479 = arith.constant 5 : i32
        %add3A_480 = arith.addi %mul3A_442, %add3A_479 : i32
        %get3A_481 = arith.constant 0 : i32
        %get3A_482 = arith.index_cast %get3A_481 : i32 to index
        %get3A_483 = arith.index_cast %add3A_480 : i32 to index
        %get3A_484 = arith.constant 0 : index
        %get3A_485 = tpu.vector_load %arg13[%get3A_482, %get3A_483, %get3A_484] {strides = array<i32>} : memref<2x320x128xf32, #tpu.memory_space<vmem>>, vector<16xf32>,
        %add3A_486 = arith.addf %add3A_478, %get3A_485 : vector<16xf32>
        %add3A_487 = arith.constant 6 : i32
        %add3A_488 = arith.addi %mul3A_442, %add3A_487 : i32
        %get3A_489 = arith.constant 0 : i32
        %get3A_490 = arith.index_cast %get3A_489 : i32 to index
        %get3A_491 = arith.index_cast %add3A_488 : i32 to index
        %get3A_492 = arith.constant 0 : index
        %get3A_493 = tpu.vector_load %arg13[%get3A_490, %get3A_491, %get3A_492] {strides = array<i32>} : memref<2x320x128xf32, #tpu.memory_space<vmem>>, vector<16xf32>,
        %add3A_494 = arith.addf %add3A_486, %get3A_493 : vector<16xf32>
        %add3A_495 = arith.constant 7 : i32
        %add3A_496 = arith.addi %mul3A_442, %add3A_495 : i32
        %get3A_497 = arith.constant 0 : i32
        %get3A_498 = arith.index_cast %get3A_497 : i32 to index
        %get3A_499 = arith.index_cast %add3A_496 : i32 to index
        %get3A_500 = arith.constant 0 : index
        %get3A_501 = tpu.vector_load %arg13[%get3A_498, %get3A_499, %get3A_500] {strides = array<i32>} : memref<2x320x128xf32, #tpu.memory_space<vmem>>, vector<16xf32>,
        %add3A_502 = arith.addf %add3A_494, %get3A_501 : vector<16xf32>
        %add3A_503 = arith.constant 8 : i32
        %add3A_504 = arith.addi %mul3A_442, %add3A_503 : i32
        %get3A_505 = arith.constant 0 : i32
        %get3A_506 = arith.index_cast %get3A_505 : i32 to index
        %get3A_507 = arith.index_cast %add3A_504 : i32 to index
        %get3A_508 = arith.constant 0 : index
        %get3A_509 = tpu.vector_load %arg13[%get3A_506, %get3A_507, %get3A_508] {strides = array<i32>} : memref<2x320x128xf32, #tpu.memory_space<vmem>>, vector<16xf32>,
        %add3A_510 = arith.addf %add3A_502, %get3A_509 : vector<16xf32>
        %add3A_511 = arith.constant 9 : i32
        %add3A_512 = arith.addi %mul3A_442, %add3A_511 : i32
        %get3A_513 = arith.constant 0 : i32
        %get3A_514 = arith.index_cast %get3A_513 : i32 to index
        %get3A_515 = arith.index_cast %add3A_512 : i32 to index
        %get3A_516 = arith.constant 0 : index
        %get3A_517 = tpu.vector_load %arg13[%get3A_514, %get3A_515, %get3A_516] {strides = array<i32>} : memref<2x320x128xf32, #tpu.memory_space<vmem>>, vector<16xf32>,
        %add3A_518 = arith.addf %add3A_510, %get3A_517 : vector<16xf32>
        %swap3A = arith.constant 0 : i32
        %swap3A_519 = arith.index_cast %swap3A : i32 to index
        %swap3A_520 = arith.index_cast %scan3A_439 : i32 to index
        %swap3A_521 = arith.constant 0 : index
        %swap3A_522 = tpu.vector_load %arg14[%swap3A_519, %swap3A_520, %swap3A_521] {strides = array<i32>} : memref<2x32x128xf32, #tpu.memory_space<vmem>>, vector<16xf32>,
        tpu.vector_store %arg14[%swap3A_519, %swap3A_520, %swap3A_521], %add3A_518 {strides = array<i32>} : memref<2x32x128xf32, #tpu.memory_space<vmem>>, vector<16xf32>,
        %get3A_523 = arith.constant 0 : i32
        %get3A_524 = arith.index_cast %get3A_523 : i32 to index
        %get3A_525 = arith.index_cast %mul3A_442 : i32 to index
        %get3A_526 = arith.constant 16 : index
        %get3A_527 = tpu.vector_load %arg13[%get3A_524, %get3A_525, %get3A_526] {strides = array<i32>} : memref<2x320x128xf32, #tpu.memory_space<vmem>>, vector<16xf32>,
        %add3A_528 = arith.constant 1 : i32
        %add3A_529 = arith.addi %mul3A_442, %add3A_528 : i32
        %get3A_530 = arith.constant 0 : i32
        %get3A_531 = arith.index_cast %get3A_530 : i32 to index
        %get3A_532 = arith.index_cast %add3A_529 : i32 to index
        %get3A_533 = arith.constant 16 : index
        %get3A_534 = tpu.vector_load %arg13[%get3A_531, %get3A_532, %get3A_533] {strides = array<i32>} : memref<2x320x128xf32, #tpu.memory_space<vmem>>, vector<16xf32>,
        %add3A_535 = arith.addf %get3A_527, %get3A_534 : vector<16xf32>
        %add3A_536 = arith.constant 2 : i32
        %add3A_537 = arith.addi %mul3A_442, %add3A_536 : i32
        %get3A_538 = arith.constant 0 : i32
        %get3A_539 = arith.index_cast %get3A_538 : i32 to index
        %get3A_540 = arith.index_cast %add3A_537 : i32 to index
        %get3A_541 = arith.constant 16 : index
        %get3A_542 = tpu.vector_load %arg13[%get3A_539, %get3A_540, %get3A_541] {strides = array<i32>} : memref<2x320x128xf32, #tpu.memory_space<vmem>>, vector<16xf32>,
        %add3A_543 = arith.addf %add3A_535, %get3A_542 : vector<16xf32>
        %add3A_544 = arith.constant 3 : i32
        %add3A_545 = arith.addi %mul3A_442, %add3A_544 : i32
        %get3A_546 = arith.constant 0 : i32
        %get3A_547 = arith.index_cast %get3A_546 : i32 to index
        %get3A_548 = arith.index_cast %add3A_545 : i32 to index
        %get3A_549 = arith.constant 16 : index
        %get3A_550 = tpu.vector_load %arg13[%get3A_547, %get3A_548, %get3A_549] {strides = array<i32>} : memref<2x320x128xf32, #tpu.memory_space<vmem>>, vector<16xf32>,
        %add3A_551 = arith.addf %add3A_543, %get3A_550 : vector<16xf32>
        %add3A_552 = arith.constant 4 : i32
        %add3A_553 = arith.addi %mul3A_442, %add3A_552 : i32
        %get3A_554 = arith.constant 0 : i32
        %get3A_555 = arith.index_cast %get3A_554 : i32 to index
        %get3A_556 = arith.index_cast %add3A_553 : i32 to index
        %get3A_557 = arith.constant 16 : index
        %get3A_558 = tpu.vector_load %arg13[%get3A_555, %get3A_556, %get3A_557] {strides = array<i32>} : memref<2x320x128xf32, #tpu.memory_space<vmem>>, vector<16xf32>,
        %add3A_559 = arith.addf %add3A_551, %get3A_558 : vector<16xf32>
        %add3A_560 = arith.constant 5 : i32
        %add3A_561 = arith.addi %mul3A_442, %add3A_560 : i32
        %get3A_562 = arith.constant 0 : i32
        %get3A_563 = arith.index_cast %get3A_562 : i32 to index
        %get3A_564 = arith.index_cast %add3A_561 : i32 to index
        %get3A_565 = arith.constant 16 : index
        %get3A_566 = tpu.vector_load %arg13[%get3A_563, %get3A_564, %get3A_565] {strides = array<i32>} : memref<2x320x128xf32, #tpu.memory_space<vmem>>, vector<16xf32>,
        %add3A_567 = arith.addf %add3A_559, %get3A_566 : vector<16xf32>
        %add3A_568 = arith.constant 6 : i32
        %add3A_569 = arith.addi %mul3A_442, %add3A_568 : i32
        %get3A_570 = arith.constant 0 : i32
        %get3A_571 = arith.index_cast %get3A_570 : i32 to index
        %get3A_572 = arith.index_cast %add3A_569 : i32 to index
        %get3A_573 = arith.constant 16 : index
        %get3A_574 = tpu.vector_load %arg13[%get3A_571, %get3A_572, %get3A_573] {strides = array<i32>} : memref<2x320x128xf32, #tpu.memory_space<vmem>>, vector<16xf32>,
        %add3A_575 = arith.addf %add3A_567, %get3A_574 : vector<16xf32>
        %add3A_576 = arith.constant 7 : i32
        %add3A_577 = arith.addi %mul3A_442, %add3A_576 : i32
        %get3A_578 = arith.constant 0 : i32
        %get3A_579 = arith.index_cast %get3A_578 : i32 to index
        %get3A_580 = arith.index_cast %add3A_577 : i32 to index
        %get3A_581 = arith.constant 16 : index
        %get3A_582 = tpu.vector_load %arg13[%get3A_579, %get3A_580, %get3A_581] {strides = array<i32>} : memref<2x320x128xf32, #tpu.memory_space<vmem>>, vector<16xf32>,
        %add3A_583 = arith.addf %add3A_575, %get3A_582 : vector<16xf32>
        %add3A_584 = arith.constant 8 : i32
        %add3A_585 = arith.addi %mul3A_442, %add3A_584 : i32
        %get3A_586 = arith.constant 0 : i32
        %get3A_587 = arith.index_cast %get3A_586 : i32 to index
        %get3A_588 = arith.index_cast %add3A_585 : i32 to index
        %get3A_589 = arith.constant 16 : index
        %get3A_590 = tpu.vector_load %arg13[%get3A_587, %get3A_588, %get3A_589] {strides = array<i32>} : memref<2x320x128xf32, #tpu.memory_space<vmem>>, vector<16xf32>,
        %add3A_591 = arith.addf %add3A_583, %get3A_590 : vector<16xf32>
        %add3A_592 = arith.constant 9 : i32
        %add3A_593 = arith.addi %mul3A_442, %add3A_592 : i32
        %get3A_594 = arith.constant 0 : i32
        %get3A_595 = arith.index_cast %get3A_594 : i32 to index
        %get3A_596 = arith.index_cast %add3A_593 : i32 to index
        %get3A_597 = arith.constant 16 : index
        %get3A_598 = tpu.vector_load %arg13[%get3A_595, %get3A_596, %get3A_597] {strides = array<i32>} : memref<2x320x128xf32, #tpu.memory_space<vmem>>, vector<16xf32>,
        %add3A_599 = arith.addf %add3A_591, %get3A_598 : vector<16xf32>
        %swap3A_600 = arith.constant 0 : i32
        %swap3A_601 = arith.index_cast %swap3A_600 : i32 to index
        %swap3A_602 = arith.index_cast %scan3A_439 : i32 to index
        %swap3A_603 = arith.constant 16 : index
        %swap3A_604 = tpu.vector_load %arg14[%swap3A_601, %swap3A_602, %swap3A_603] {strides = array<i32>} : memref<2x32x128xf32, #tpu.memory_space<vmem>>, vector<16xf32>,
        tpu.vector_store %arg14[%swap3A_601, %swap3A_602, %swap3A_603], %add3A_599 {strides = array<i32>} : memref<2x32x128xf32, #tpu.memory_space<vmem>>, vector<16xf32>,
        %get3A_605 = arith.constant 0 : i32
        %get3A_606 = arith.index_cast %get3A_605 : i32 to index
        %get3A_607 = arith.index_cast %mul3A_442 : i32 to index
        %get3A_608 = arith.constant 32 : index
        %get3A_609 = tpu.vector_load %arg13[%get3A_606, %get3A_607, %get3A_608] {strides = array<i32>} : memref<2x320x128xf32, #tpu.memory_space<vmem>>, vector<16xf32>,
        %add3A_610 = arith.constant 1 : i32
        %add3A_611 = arith.addi %mul3A_442, %add3A_610 : i32
        %get3A_612 = arith.constant 0 : i32
        %get3A_613 = arith.index_cast %get3A_612 : i32 to index
        %get3A_614 = arith.index_cast %add3A_611 : i32 to index
        %get3A_615 = arith.constant 32 : index
        %get3A_616 = tpu.vector_load %arg13[%get3A_613, %get3A_614, %get3A_615] {strides = array<i32>} : memref<2x320x128xf32, #tpu.memory_space<vmem>>, vector<16xf32>,
        %add3A_617 = arith.addf %get3A_609, %get3A_616 : vector<16xf32>
        %add3A_618 = arith.constant 2 : i32
        %add3A_619 = arith.addi %mul3A_442, %add3A_618 : i32
        %get3A_620 = arith.constant 0 : i32
        %get3A_621 = arith.index_cast %get3A_620 : i32 to index
        %get3A_622 = arith.index_cast %add3A_619 : i32 to index
        %get3A_623 = arith.constant 32 : index
        %get3A_624 = tpu.vector_load %arg13[%get3A_621, %get3A_622, %get3A_623] {strides = array<i32>} : memref<2x320x128xf32, #tpu.memory_space<vmem>>, vector<16xf32>,
        %add3A_625 = arith.addf %add3A_617, %get3A_624 : vector<16xf32>
        %add3A_626 = arith.constant 3 : i32
        %add3A_627 = arith.addi %mul3A_442, %add3A_626 : i32
        %get3A_628 = arith.constant 0 : i32
        %get3A_629 = arith.index_cast %get3A_628 : i32 to index
        %get3A_630 = arith.index_cast %add3A_627 : i32 to index
        %get3A_631 = arith.constant 32 : index
        %get3A_632 = tpu.vector_load %arg13[%get3A_629, %get3A_630, %get3A_631] {strides = array<i32>} : memref<2x320x128xf32, #tpu.memory_space<vmem>>, vector<16xf32>,
        %add3A_633 = arith.addf %add3A_625, %get3A_632 : vector<16xf32>
        %add3A_634 = arith.constant 4 : i32
        %add3A_635 = arith.addi %mul3A_442, %add3A_634 : i32
        %get3A_636 = arith.constant 0 : i32
        %get3A_637 = arith.index_cast %get3A_636 : i32 to index
        %get3A_638 = arith.index_cast %add3A_635 : i32 to index
        %get3A_639 = arith.constant 32 : index
        %get3A_640 = tpu.vector_load %arg13[%get3A_637, %get3A_638, %get3A_639] {strides = array<i32>} : memref<2x320x128xf32, #tpu.memory_space<vmem>>, vector<16xf32>,
        %add3A_641 = arith.addf %add3A_633, %get3A_640 : vector<16xf32>
        %add3A_642 = arith.constant 5 : i32
        %add3A_643 = arith.addi %mul3A_442, %add3A_642 : i32
        %get3A_644 = arith.constant 0 : i32
        %get3A_645 = arith.index_cast %get3A_644 : i32 to index
        %get3A_646 = arith.index_cast %add3A_643 : i32 to index
        %get3A_647 = arith.constant 32 : index
        %get3A_648 = tpu.vector_load %arg13[%get3A_645, %get3A_646, %get3A_647] {strides = array<i32>} : memref<2x320x128xf32, #tpu.memory_space<vmem>>, vector<16xf32>,
        %add3A_649 = arith.addf %add3A_641, %get3A_648 : vector<16xf32>
        %add3A_650 = arith.constant 6 : i32
        %add3A_651 = arith.addi %mul3A_442, %add3A_650 : i32
        %get3A_652 = arith.constant 0 : i32
        %get3A_653 = arith.index_cast %get3A_652 : i32 to index
        %get3A_654 = arith.index_cast %add3A_651 : i32 to index
        %get3A_655 = arith.constant 32 : index
        %get3A_656 = tpu.vector_load %arg13[%get3A_653, %get3A_654, %get3A_655] {strides = array<i32>} : memref<2x320x128xf32, #tpu.memory_space<vmem>>, vector<16xf32>,
        %add3A_657 = arith.addf %add3A_649, %get3A_656 : vector<16xf32>
        %add3A_658 = arith.constant 7 : i32
        %add3A_659 = arith.addi %mul3A_442, %add3A_658 : i32
        %get3A_660 = arith.constant 0 : i32
        %get3A_661 = arith.index_cast %get3A_660 : i32 to index
        %get3A_662 = arith.index_cast %add3A_659 : i32 to index
        %get3A_663 = arith.constant 32 : index
        %get3A_664 = tpu.vector_load %arg13[%get3A_661, %get3A_662, %get3A_663] {strides = array<i32>} : memref<2x320x128xf32, #tpu.memory_space<vmem>>, vector<16xf32>,
        %add3A_665 = arith.addf %add3A_657, %get3A_664 : vector<16xf32>
        %add3A_666 = arith.constant 8 : i32
        %add3A_667 = arith.addi %mul3A_442, %add3A_666 : i32
        %get3A_668 = arith.constant 0 : i32
        %get3A_669 = arith.index_cast %get3A_668 : i32 to index
        %get3A_670 = arith.index_cast %add3A_667 : i32 to index
        %get3A_671 = arith.constant 32 : index
        %get3A_672 = tpu.vector_load %arg13[%get3A_669, %get3A_670, %get3A_671] {strides = array<i32>} : memref<2x320x128xf32, #tpu.memory_space<vmem>>, vector<16xf32>,
        %add3A_673 = arith.addf %add3A_665, %get3A_672 : vector<16xf32>
        %add3A_674 = arith.constant 9 : i32
        %add3A_675 = arith.addi %mul3A_442, %add3A_674 : i32
        %get3A_676 = arith.constant 0 : i32
        %get3A_677 = arith.index_cast %get3A_676 : i32 to index
        %get3A_678 = arith.index_cast %add3A_675 : i32 to index
        %get3A_679 = arith.constant 32 : index
        %get3A_680 = tpu.vector_load %arg13[%get3A_677, %get3A_678, %get3A_679] {strides = array<i32>} : memref<2x320x128xf32, #tpu.memory_space<vmem>>, vector<16xf32>,
        %add3A_681 = arith.addf %add3A_673, %get3A_680 : vector<16xf32>
        %swap3A_682 = arith.constant 0 : i32
        %swap3A_683 = arith.index_cast %swap3A_682 : i32 to index
        %swap3A_684 = arith.index_cast %scan3A_439 : i32 to index
        %swap3A_685 = arith.constant 32 : index
        %swap3A_686 = tpu.vector_load %arg14[%swap3A_683, %swap3A_684, %swap3A_685] {strides = array<i32>} : memref<2x32x128xf32, #tpu.memory_space<vmem>>, vector<16xf32>,
        tpu.vector_store %arg14[%swap3A_683, %swap3A_684, %swap3A_685], %add3A_681 {strides = array<i32>} : memref<2x32x128xf32, #tpu.memory_space<vmem>>, vector<16xf32>,
        %get3A_687 = arith.constant 0 : i32
        %get3A_688 = arith.index_cast %get3A_687 : i32 to index
        %get3A_689 = arith.index_cast %mul3A_442 : i32 to index
        %get3A_690 = arith.constant 48 : index
        %get3A_691 = tpu.vector_load %arg13[%get3A_688, %get3A_689, %get3A_690] {strides = array<i32>} : memref<2x320x128xf32, #tpu.memory_space<vmem>>, vector<16xf32>,
        %add3A_692 = arith.constant 1 : i32
        %add3A_693 = arith.addi %mul3A_442, %add3A_692 : i32
        %get3A_694 = arith.constant 0 : i32
        %get3A_695 = arith.index_cast %get3A_694 : i32 to index
        %get3A_696 = arith.index_cast %add3A_693 : i32 to index
        %get3A_697 = arith.constant 48 : index
        %get3A_698 = tpu.vector_load %arg13[%get3A_695, %get3A_696, %get3A_697] {strides = array<i32>} : memref<2x320x128xf32, #tpu.memory_space<vmem>>, vector<16xf32>,
        %add3A_699 = arith.addf %get3A_691, %get3A_698 : vector<16xf32>
        %add3A_700 = arith.constant 2 : i32
        %add3A_701 = arith.addi %mul3A_442, %add3A_700 : i32
        %get3A_702 = arith.constant 0 : i32
        %get3A_703 = arith.index_cast %get3A_702 : i32 to index
        %get3A_704 = arith.index_cast %add3A_701 : i32 to index
        %get3A_705 = arith.constant 48 : index
        %get3A_706 = tpu.vector_load %arg13[%get3A_703, %get3A_704, %get3A_705] {strides = array<i32>} : memref<2x320x128xf32, #tpu.memory_space<vmem>>, vector<16xf32>,
        %add3A_707 = arith.addf %add3A_699, %get3A_706 : vector<16xf32>
        %add3A_708 = arith.constant 3 : i32
        %add3A_709 = arith.addi %mul3A_442, %add3A_708 : i32
        %get3A_710 = arith.constant 0 : i32
        %get3A_711 = arith.index_cast %get3A_710 : i32 to index
        %get3A_712 = arith.index_cast %add3A_709 : i32 to index
        %get3A_713 = arith.constant 48 : index
        %get3A_714 = tpu.vector_load %arg13[%get3A_711, %get3A_712, %get3A_713] {strides = array<i32>} : memref<2x320x128xf32, #tpu.memory_space<vmem>>, vector<16xf32>,
        %add3A_715 = arith.addf %add3A_707, %get3A_714 : vector<16xf32>
        %add3A_716 = arith.constant 4 : i32
        %add3A_717 = arith.addi %mul3A_442, %add3A_716 : i32
        %get3A_718 = arith.constant 0 : i32
        %get3A_719 = arith.index_cast %get3A_718 : i32 to index
        %get3A_720 = arith.index_cast %add3A_717 : i32 to index
        %get3A_721 = arith.constant 48 : index
        %get3A_722 = tpu.vector_load %arg13[%get3A_719, %get3A_720, %get3A_721] {strides = array<i32>} : memref<2x320x128xf32, #tpu.memory_space<vmem>>, vector<16xf32>,
        %add3A_723 = arith.addf %add3A_715, %get3A_722 : vector<16xf32>
        %add3A_724 = arith.constant 5 : i32
        %add3A_725 = arith.addi %mul3A_442, %add3A_724 : i32
        %get3A_726 = arith.constant 0 : i32
        %get3A_727 = arith.index_cast %get3A_726 : i32 to index
        %get3A_728 = arith.index_cast %add3A_725 : i32 to index
        %get3A_729 = arith.constant 48 : index
        %get3A_730 = tpu.vector_load %arg13[%get3A_727, %get3A_728, %get3A_729] {strides = array<i32>} : memref<2x320x128xf32, #tpu.memory_space<vmem>>, vector<16xf32>,
        %add3A_731 = arith.addf %add3A_723, %get3A_730 : vector<16xf32>
        %add3A_732 = arith.constant 6 : i32
        %add3A_733 = arith.addi %mul3A_442, %add3A_732 : i32
        %get3A_734 = arith.constant 0 : i32
        %get3A_735 = arith.index_cast %get3A_734 : i32 to index
        %get3A_736 = arith.index_cast %add3A_733 : i32 to index
        %get3A_737 = arith.constant 48 : index
        %get3A_738 = tpu.vector_load %arg13[%get3A_735, %get3A_736, %get3A_737] {strides = array<i32>} : memref<2x320x128xf32, #tpu.memory_space<vmem>>, vector<16xf32>,
        %add3A_739 = arith.addf %add3A_731, %get3A_738 : vector<16xf32>
        %add3A_740 = arith.constant 7 : i32
        %add3A_741 = arith.addi %mul3A_442, %add3A_740 : i32
        %get3A_742 = arith.constant 0 : i32
        %get3A_743 = arith.index_cast %get3A_742 : i32 to index
        %get3A_744 = arith.index_cast %add3A_741 : i32 to index
        %get3A_745 = arith.constant 48 : index
        %get3A_746 = tpu.vector_load %arg13[%get3A_743, %get3A_744, %get3A_745] {strides = array<i32>} : memref<2x320x128xf32, #tpu.memory_space<vmem>>, vector<16xf32>,
        %add3A_747 = arith.addf %add3A_739, %get3A_746 : vector<16xf32>
        %add3A_748 = arith.constant 8 : i32
        %add3A_749 = arith.addi %mul3A_442, %add3A_748 : i32
        %get3A_750 = arith.constant 0 : i32
        %get3A_751 = arith.index_cast %get3A_750 : i32 to index
        %get3A_752 = arith.index_cast %add3A_749 : i32 to index
        %get3A_753 = arith.constant 48 : index
        %get3A_754 = tpu.vector_load %arg13[%get3A_751, %get3A_752, %get3A_753] {strides = array<i32>} : memref<2x320x128xf32, #tpu.memory_space<vmem>>, vector<16xf32>,
        %add3A_755 = arith.addf %add3A_747, %get3A_754 : vector<16xf32>
        %add3A_756 = arith.constant 9 : i32
        %add3A_757 = arith.addi %mul3A_442, %add3A_756 : i32
        %get3A_758 = arith.constant 0 : i32
        %get3A_759 = arith.index_cast %get3A_758 : i32 to index
        %get3A_760 = arith.index_cast %add3A_757 : i32 to index
        %get3A_761 = arith.constant 48 : index
        %get3A_762 = tpu.vector_load %arg13[%get3A_759, %get3A_760, %get3A_761] {strides = array<i32>} : memref<2x320x128xf32, #tpu.memory_space<vmem>>, vector<16xf32>,
        %add3A_763 = arith.addf %add3A_755, %get3A_762 : vector<16xf32>
        %swap3A_764 = arith.constant 0 : i32
        %swap3A_765 = arith.index_cast %swap3A_764 : i32 to index
        %swap3A_766 = arith.index_cast %scan3A_439 : i32 to index
        %swap3A_767 = arith.constant 48 : index
        %swap3A_768 = tpu.vector_load %arg14[%swap3A_765, %swap3A_766, %swap3A_767] {strides = array<i32>} : memref<2x32x128xf32, #tpu.memory_space<vmem>>, vector<16xf32>,
        tpu.vector_store %arg14[%swap3A_765, %swap3A_766, %swap3A_767], %add3A_763 {strides = array<i32>} : memref<2x32x128xf32, #tpu.memory_space<vmem>>, vector<16xf32>,
        %get3A_769 = arith.constant 0 : i32
        %get3A_770 = arith.index_cast %get3A_769 : i32 to index
        %get3A_771 = arith.index_cast %mul3A_442 : i32 to index
        %get3A_772 = arith.constant 64 : index
        %get3A_773 = tpu.vector_load %arg13[%get3A_770, %get3A_771, %get3A_772] {strides = array<i32>} : memref<2x320x128xf32, #tpu.memory_space<vmem>>, vector<16xf32>,
        %add3A_774 = arith.constant 1 : i32
        %add3A_775 = arith.addi %mul3A_442, %add3A_774 : i32
        %get3A_776 = arith.constant 0 : i32
        %get3A_777 = arith.index_cast %get3A_776 : i32 to index
        %get3A_778 = arith.index_cast %add3A_775 : i32 to index
        %get3A_779 = arith.constant 64 : index
        %get3A_780 = tpu.vector_load %arg13[%get3A_777, %get3A_778, %get3A_779] {strides = array<i32>} : memref<2x320x128xf32, #tpu.memory_space<vmem>>, vector<16xf32>,
        %add3A_781 = arith.addf %get3A_773, %get3A_780 : vector<16xf32>
        %add3A_782 = arith.constant 2 : i32
        %add3A_783 = arith.addi %mul3A_442, %add3A_782 : i32
        %get3A_784 = arith.constant 0 : i32
        %get3A_785 = arith.index_cast %get3A_784 : i32 to index
        %get3A_786 = arith.index_cast %add3A_783 : i32 to index
        %get3A_787 = arith.constant 64 : index
        %get3A_788 = tpu.vector_load %arg13[%get3A_785, %get3A_786, %get3A_787] {strides = array<i32>} : memref<2x320x128xf32, #tpu.memory_space<vmem>>, vector<16xf32>,
        %add3A_789 = arith.addf %add3A_781, %get3A_788 : vector<16xf32>
        %add3A_790 = arith.constant 3 : i32
        %add3A_791 = arith.addi %mul3A_442, %add3A_790 : i32
        %get3A_792 = arith.constant 0 : i32
        %get3A_793 = arith.index_cast %get3A_792 : i32 to index
        %get3A_794 = arith.index_cast %add3A_791 : i32 to index
        %get3A_795 = arith.constant 64 : index
        %get3A_796 = tpu.vector_load %arg13[%get3A_793, %get3A_794, %get3A_795] {strides = array<i32>} : memref<2x320x128xf32, #tpu.memory_space<vmem>>, vector<16xf32>,
        %add3A_797 = arith.addf %add3A_789, %get3A_796 : vector<16xf32>
        %add3A_798 = arith.constant 4 : i32
        %add3A_799 = arith.addi %mul3A_442, %add3A_798 : i32
        %get3A_800 = arith.constant 0 : i32
        %get3A_801 = arith.index_cast %get3A_800 : i32 to index
        %get3A_802 = arith.index_cast %add3A_799 : i32 to index
        %get3A_803 = arith.constant 64 : index
        %get3A_804 = tpu.vector_load %arg13[%get3A_801, %get3A_802, %get3A_803] {strides = array<i32>} : memref<2x320x128xf32, #tpu.memory_space<vmem>>, vector<16xf32>,
        %add3A_805 = arith.addf %add3A_797, %get3A_804 : vector<16xf32>
        %add3A_806 = arith.constant 5 : i32
        %add3A_807 = arith.addi %mul3A_442, %add3A_806 : i32
        %get3A_808 = arith.constant 0 : i32
        %get3A_809 = arith.index_cast %get3A_808 : i32 to index
        %get3A_810 = arith.index_cast %add3A_807 : i32 to index
        %get3A_811 = arith.constant 64 : index
        %get3A_812 = tpu.vector_load %arg13[%get3A_809, %get3A_810, %get3A_811] {strides = array<i32>} : memref<2x320x128xf32, #tpu.memory_space<vmem>>, vector<16xf32>,
        %add3A_813 = arith.addf %add3A_805, %get3A_812 : vector<16xf32>
        %add3A_814 = arith.constant 6 : i32
        %add3A_815 = arith.addi %mul3A_442, %add3A_814 : i32
        %get3A_816 = arith.constant 0 : i32
        %get3A_817 = arith.index_cast %get3A_816 : i32 to index
        %get3A_818 = arith.index_cast %add3A_815 : i32 to index
        %get3A_819 = arith.constant 64 : index
        %get3A_820 = tpu.vector_load %arg13[%get3A_817, %get3A_818, %get3A_819] {strides = array<i32>} : memref<2x320x128xf32, #tpu.memory_space<vmem>>, vector<16xf32>,
        %add3A_821 = arith.addf %add3A_813, %get3A_820 : vector<16xf32>
        %add3A_822 = arith.constant 7 : i32
        %add3A_823 = arith.addi %mul3A_442, %add3A_822 : i32
        %get3A_824 = arith.constant 0 : i32
        %get3A_825 = arith.index_cast %get3A_824 : i32 to index
        %get3A_826 = arith.index_cast %add3A_823 : i32 to index
        %get3A_827 = arith.constant 64 : index
        %get3A_828 = tpu.vector_load %arg13[%get3A_825, %get3A_826, %get3A_827] {strides = array<i32>} : memref<2x320x128xf32, #tpu.memory_space<vmem>>, vector<16xf32>,
        %add3A_829 = arith.addf %add3A_821, %get3A_828 : vector<16xf32>
        %add3A_830 = arith.constant 8 : i32
        %add3A_831 = arith.addi %mul3A_442, %add3A_830 : i32
        %get3A_832 = arith.constant 0 : i32
        %get3A_833 = arith.index_cast %get3A_832 : i32 to index
        %get3A_834 = arith.index_cast %add3A_831 : i32 to index
        %get3A_835 = arith.constant 64 : index
        %get3A_836 = tpu.vector_load %arg13[%get3A_833, %get3A_834, %get3A_835] {strides = array<i32>} : memref<2x320x128xf32, #tpu.memory_space<vmem>>, vector<16xf32>,
        %add3A_837 = arith.addf %add3A_829, %get3A_836 : vector<16xf32>
        %add3A_838 = arith.constant 9 : i32
        %add3A_839 = arith.addi %mul3A_442, %add3A_838 : i32
        %get3A_840 = arith.constant 0 : i32
        %get3A_841 = arith.index_cast %get3A_840 : i32 to index
        %get3A_842 = arith.index_cast %add3A_839 : i32 to index
        %get3A_843 = arith.constant 64 : index
        %get3A_844 = tpu.vector_load %arg13[%get3A_841, %get3A_842, %get3A_843] {strides = array<i32>} : memref<2x320x128xf32, #tpu.memory_space<vmem>>, vector<16xf32>,
        %add3A_845 = arith.addf %add3A_837, %get3A_844 : vector<16xf32>
        %swap3A_846 = arith.constant 0 : i32
        %swap3A_847 = arith.index_cast %swap3A_846 : i32 to index
        %swap3A_848 = arith.index_cast %scan3A_439 : i32 to index
        %swap3A_849 = arith.constant 64 : index
        %swap3A_850 = tpu.vector_load %arg14[%swap3A_847, %swap3A_848, %swap3A_849] {strides = array<i32>} : memref<2x32x128xf32, #tpu.memory_space<vmem>>, vector<16xf32>,
        tpu.vector_store %arg14[%swap3A_847, %swap3A_848, %swap3A_849], %add3A_845 {strides = array<i32>} : memref<2x32x128xf32, #tpu.memory_space<vmem>>, vector<16xf32>,
        %get3A_851 = arith.constant 0 : i32
        %get3A_852 = arith.index_cast %get3A_851 : i32 to index
        %get3A_853 = arith.index_cast %mul3A_442 : i32 to index
        %get3A_854 = arith.constant 80 : index
        %get3A_855 = tpu.vector_load %arg13[%get3A_852, %get3A_853, %get3A_854] {strides = array<i32>} : memref<2x320x128xf32, #tpu.memory_space<vmem>>, vector<16xf32>,
        %add3A_856 = arith.constant 1 : i32
        %add3A_857 = arith.addi %mul3A_442, %add3A_856 : i32
        %get3A_858 = arith.constant 0 : i32
        %get3A_859 = arith.index_cast %get3A_858 : i32 to index
        %get3A_860 = arith.index_cast %add3A_857 : i32 to index
        %get3A_861 = arith.constant 80 : index
        %get3A_862 = tpu.vector_load %arg13[%get3A_859, %get3A_860, %get3A_861] {strides = array<i32>} : memref<2x320x128xf32, #tpu.memory_space<vmem>>, vector<16xf32>,
        %add3A_863 = arith.addf %get3A_855, %get3A_862 : vector<16xf32>
        %add3A_864 = arith.constant 2 : i32
        %add3A_865 = arith.addi %mul3A_442, %add3A_864 : i32
        %get3A_866 = arith.constant 0 : i32
        %get3A_867 = arith.index_cast %get3A_866 : i32 to index
        %get3A_868 = arith.index_cast %add3A_865 : i32 to index
        %get3A_869 = arith.constant 80 : index
        %get3A_870 = tpu.vector_load %arg13[%get3A_867, %get3A_868, %get3A_869] {strides = array<i32>} : memref<2x320x128xf32, #tpu.memory_space<vmem>>, vector<16xf32>,
        %add3A_871 = arith.addf %add3A_863, %get3A_870 : vector<16xf32>
        %add3A_872 = arith.constant 3 : i32
        %add3A_873 = arith.addi %mul3A_442, %add3A_872 : i32
        %get3A_874 = arith.constant 0 : i32
        %get3A_875 = arith.index_cast %get3A_874 : i32 to index
        %get3A_876 = arith.index_cast %add3A_873 : i32 to index
        %get3A_877 = arith.constant 80 : index
        %get3A_878 = tpu.vector_load %arg13[%get3A_875, %get3A_876, %get3A_877] {strides = array<i32>} : memref<2x320x128xf32, #tpu.memory_space<vmem>>, vector<16xf32>,
        %add3A_879 = arith.addf %add3A_871, %get3A_878 : vector<16xf32>
        %add3A_880 = arith.constant 4 : i32
        %add3A_881 = arith.addi %mul3A_442, %add3A_880 : i32
        %get3A_882 = arith.constant 0 : i32
        %get3A_883 = arith.index_cast %get3A_882 : i32 to index
        %get3A_884 = arith.index_cast %add3A_881 : i32 to index
        %get3A_885 = arith.constant 80 : index
        %get3A_886 = tpu.vector_load %arg13[%get3A_883, %get3A_884, %get3A_885] {strides = array<i32>} : memref<2x320x128xf32, #tpu.memory_space<vmem>>, vector<16xf32>,
        %add3A_887 = arith.addf %add3A_879, %get3A_886 : vector<16xf32>
        %add3A_888 = arith.constant 5 : i32
        %add3A_889 = arith.addi %mul3A_442, %add3A_888 : i32
        %get3A_890 = arith.constant 0 : i32
        %get3A_891 = arith.index_cast %get3A_890 : i32 to index
        %get3A_892 = arith.index_cast %add3A_889 : i32 to index
        %get3A_893 = arith.constant 80 : index
        %get3A_894 = tpu.vector_load %arg13[%get3A_891, %get3A_892, %get3A_893] {strides = array<i32>} : memref<2x320x128xf32, #tpu.memory_space<vmem>>, vector<16xf32>,
        %add3A_895 = arith.addf %add3A_887, %get3A_894 : vector<16xf32>
        %add3A_896 = arith.constant 6 : i32
        %add3A_897 = arith.addi %mul3A_442, %add3A_896 : i32
        %get3A_898 = arith.constant 0 : i32
        %get3A_899 = arith.index_cast %get3A_898 : i32 to index
        %get3A_900 = arith.index_cast %add3A_897 : i32 to index
        %get3A_901 = arith.constant 80 : index
        %get3A_902 = tpu.vector_load %arg13[%get3A_899, %get3A_900, %get3A_901] {strides = array<i32>} : memref<2x320x128xf32, #tpu.memory_space<vmem>>, vector<16xf32>,
        %add3A_903 = arith.addf %add3A_895, %get3A_902 : vector<16xf32>
        %add3A_904 = arith.constant 7 : i32
        %add3A_905 = arith.addi %mul3A_442, %add3A_904 : i32
        %get3A_906 = arith.constant 0 : i32
        %get3A_907 = arith.index_cast %get3A_906 : i32 to index
        %get3A_908 = arith.index_cast %add3A_905 : i32 to index
        %get3A_909 = arith.constant 80 : index
        %get3A_910 = tpu.vector_load %arg13[%get3A_907, %get3A_908, %get3A_909] {strides = array<i32>} : memref<2x320x128xf32, #tpu.memory_space<vmem>>, vector<16xf32>,
        %add3A_911 = arith.addf %add3A_903, %get3A_910 : vector<16xf32>
        %add3A_912 = arith.constant 8 : i32
        %add3A_913 = arith.addi %mul3A_442, %add3A_912 : i32
        %get3A_914 = arith.constant 0 : i32
        %get3A_915 = arith.index_cast %get3A_914 : i32 to index
        %get3A_916 = arith.index_cast %add3A_913 : i32 to index
        %get3A_917 = arith.constant 80 : index
        %get3A_918 = tpu.vector_load %arg13[%get3A_915, %get3A_916, %get3A_917] {strides = array<i32>} : memref<2x320x128xf32, #tpu.memory_space<vmem>>, vector<16xf32>,
        %add3A_919 = arith.addf %add3A_911, %get3A_918 : vector<16xf32>
        %add3A_920 = arith.constant 9 : i32
        %add3A_921 = arith.addi %mul3A_442, %add3A_920 : i32
        %get3A_922 = arith.constant 0 : i32
        %get3A_923 = arith.index_cast %get3A_922 : i32 to index
        %get3A_924 = arith.index_cast %add3A_921 : i32 to index
        %get3A_925 = arith.constant 80 : index
        %get3A_926 = tpu.vector_load %arg13[%get3A_923, %get3A_924, %get3A_925] {strides = array<i32>} : memref<2x320x128xf32, #tpu.memory_space<vmem>>, vector<16xf32>,
        %add3A_927 = arith.addf %add3A_919, %get3A_926 : vector<16xf32>
        %swap3A_928 = arith.constant 0 : i32
        %swap3A_929 = arith.index_cast %swap3A_928 : i32 to index
        %swap3A_930 = arith.index_cast %scan3A_439 : i32 to index
        %swap3A_931 = arith.constant 80 : index
        %swap3A_932 = tpu.vector_load %arg14[%swap3A_929, %swap3A_930, %swap3A_931] {strides = array<i32>} : memref<2x32x128xf32, #tpu.memory_space<vmem>>, vector<16xf32>,
        tpu.vector_store %arg14[%swap3A_929, %swap3A_930, %swap3A_931], %add3A_927 {strides = array<i32>} : memref<2x32x128xf32, #tpu.memory_space<vmem>>, vector<16xf32>,
        %get3A_933 = arith.constant 0 : i32
        %get3A_934 = arith.index_cast %get3A_933 : i32 to index
        %get3A_935 = arith.index_cast %mul3A_442 : i32 to index
        %get3A_936 = arith.constant 96 : index
        %get3A_937 = tpu.vector_load %arg13[%get3A_934, %get3A_935, %get3A_936] {strides = array<i32>} : memref<2x320x128xf32, #tpu.memory_space<vmem>>, vector<16xf32>,
        %add3A_938 = arith.constant 1 : i32
        %add3A_939 = arith.addi %mul3A_442, %add3A_938 : i32
        %get3A_940 = arith.constant 0 : i32
        %get3A_941 = arith.index_cast %get3A_940 : i32 to index
        %get3A_942 = arith.index_cast %add3A_939 : i32 to index
        %get3A_943 = arith.constant 96 : index
        %get3A_944 = tpu.vector_load %arg13[%get3A_941, %get3A_942, %get3A_943] {strides = array<i32>} : memref<2x320x128xf32, #tpu.memory_space<vmem>>, vector<16xf32>,
        %add3A_945 = arith.addf %get3A_937, %get3A_944 : vector<16xf32>
        %add3A_946 = arith.constant 2 : i32
        %add3A_947 = arith.addi %mul3A_442, %add3A_946 : i32
        %get3A_948 = arith.constant 0 : i32
        %get3A_949 = arith.index_cast %get3A_948 : i32 to index
        %get3A_950 = arith.index_cast %add3A_947 : i32 to index
        %get3A_951 = arith.constant 96 : index
        %get3A_952 = tpu.vector_load %arg13[%get3A_949, %get3A_950, %get3A_951] {strides = array<i32>} : memref<2x320x128xf32, #tpu.memory_space<vmem>>, vector<16xf32>,
        %add3A_953 = arith.addf %add3A_945, %get3A_952 : vector<16xf32>
        %add3A_954 = arith.constant 3 : i32
        %add3A_955 = arith.addi %mul3A_442, %add3A_954 : i32
        %get3A_956 = arith.constant 0 : i32
        %get3A_957 = arith.index_cast %get3A_956 : i32 to index
        %get3A_958 = arith.index_cast %add3A_955 : i32 to index
        %get3A_959 = arith.constant 96 : index
        %get3A_960 = tpu.vector_load %arg13[%get3A_957, %get3A_958, %get3A_959] {strides = array<i32>} : memref<2x320x128xf32, #tpu.memory_space<vmem>>, vector<16xf32>,
        %add3A_961 = arith.addf %add3A_953, %get3A_960 : vector<16xf32>
        %add3A_962 = arith.constant 4 : i32
        %add3A_963 = arith.addi %mul3A_442, %add3A_962 : i32
        %get3A_964 = arith.constant 0 : i32
        %get3A_965 = arith.index_cast %get3A_964 : i32 to index
        %get3A_966 = arith.index_cast %add3A_963 : i32 to index
        %get3A_967 = arith.constant 96 : index
        %get3A_968 = tpu.vector_load %arg13[%get3A_965, %get3A_966, %get3A_967] {strides = array<i32>} : memref<2x320x128xf32, #tpu.memory_space<vmem>>, vector<16xf32>,
        %add3A_969 = arith.addf %add3A_961, %get3A_968 : vector<16xf32>
        %add3A_970 = arith.constant 5 : i32
        %add3A_971 = arith.addi %mul3A_442, %add3A_970 : i32
        %get3A_972 = arith.constant 0 : i32
        %get3A_973 = arith.index_cast %get3A_972 : i32 to index
        %get3A_974 = arith.index_cast %add3A_971 : i32 to index
        %get3A_975 = arith.constant 96 : index
        %get3A_976 = tpu.vector_load %arg13[%get3A_973, %get3A_974, %get3A_975] {strides = array<i32>} : memref<2x320x128xf32, #tpu.memory_space<vmem>>, vector<16xf32>,
        %add3A_977 = arith.addf %add3A_969, %get3A_976 : vector<16xf32>
        %add3A_978 = arith.constant 6 : i32
        %add3A_979 = arith.addi %mul3A_442, %add3A_978 : i32
        %get3A_980 = arith.constant 0 : i32
        %get3A_981 = arith.index_cast %get3A_980 : i32 to index
        %get3A_982 = arith.index_cast %add3A_979 : i32 to index
        %get3A_983 = arith.constant 96 : index
        %get3A_984 = tpu.vector_load %arg13[%get3A_981, %get3A_982, %get3A_983] {strides = array<i32>} : memref<2x320x128xf32, #tpu.memory_space<vmem>>, vector<16xf32>,
        %add3A_985 = arith.addf %add3A_977, %get3A_984 : vector<16xf32>
        %add3A_986 = arith.constant 7 : i32
        %add3A_987 = arith.addi %mul3A_442, %add3A_986 : i32
        %get3A_988 = arith.constant 0 : i32
        %get3A_989 = arith.index_cast %get3A_988 : i32 to index
        %get3A_990 = arith.index_cast %add3A_987 : i32 to index
        %get3A_991 = arith.constant 96 : index
        %get3A_992 = tpu.vector_load %arg13[%get3A_989, %get3A_990, %get3A_991] {strides = array<i32>} : memref<2x320x128xf32, #tpu.memory_space<vmem>>, vector<16xf32>,
        %add3A_993 = arith.addf %add3A_985, %get3A_992 : vector<16xf32>
        %add3A_994 = arith.constant 8 : i32
        %add3A_995 = arith.addi %mul3A_442, %add3A_994 : i32
        %get3A_996 = arith.constant 0 : i32
        %get3A_997 = arith.index_cast %get3A_996 : i32 to index
        %get3A_998 = arith.index_cast %add3A_995 : i32 to index
        %get3A_999 = arith.constant 96 : index
        %get3A_1000 = tpu.vector_load %arg13[%get3A_997, %get3A_998, %get3A_999] {strides = array<i32>} : memref<2x320x128xf32, #tpu.memory_space<vmem>>, vector<16xf32>,
        %add3A_1001 = arith.addf %add3A_993, %get3A_1000 : vector<16xf32>
        %add3A_1002 = arith.constant 9 : i32
        %add3A_1003 = arith.addi %mul3A_442, %add3A_1002 : i32
        %get3A_1004 = arith.constant 0 : i32
        %get3A_1005 = arith.index_cast %get3A_1004 : i32 to index
        %get3A_1006 = arith.index_cast %add3A_1003 : i32 to index
        %get3A_1007 = arith.constant 96 : index
        %get3A_1008 = tpu.vector_load %arg13[%get3A_1005, %get3A_1006, %get3A_1007] {strides = array<i32>} : memref<2x320x128xf32, #tpu.memory_space<vmem>>, vector<16xf32>,
        %add3A_1009 = arith.addf %add3A_1001, %get3A_1008 : vector<16xf32>
        %swap3A_1010 = arith.constant 0 : i32
        %swap3A_1011 = arith.index_cast %swap3A_1010 : i32 to index
        %swap3A_1012 = arith.index_cast %scan3A_439 : i32 to index
        %swap3A_1013 = arith.constant 96 : index
        %swap3A_1014 = tpu.vector_load %arg14[%swap3A_1011, %swap3A_1012, %swap3A_1013] {strides = array<i32>} : memref<2x32x128xf32, #tpu.memory_space<vmem>>, vector<16xf32>,
        tpu.vector_store %arg14[%swap3A_1011, %swap3A_1012, %swap3A_1013], %add3A_1009 {strides = array<i32>} : memref<2x32x128xf32, #tpu.memory_space<vmem>>, vector<16xf32>,
        %get3A_1015 = arith.constant 0 : i32
        %get3A_1016 = arith.index_cast %get3A_1015 : i32 to index
        %get3A_1017 = arith.index_cast %mul3A_442 : i32 to index
        %get3A_1018 = arith.constant 112 : index
        %get3A_1019 = tpu.vector_load %arg13[%get3A_1016, %get3A_1017, %get3A_1018] {strides = array<i32>} : memref<2x320x128xf32, #tpu.memory_space<vmem>>, vector<16xf32>,
        %add3A_1020 = arith.constant 1 : i32
        %add3A_1021 = arith.addi %mul3A_442, %add3A_1020 : i32
        %get3A_1022 = arith.constant 0 : i32
        %get3A_1023 = arith.index_cast %get3A_1022 : i32 to index
        %get3A_1024 = arith.index_cast %add3A_1021 : i32 to index
        %get3A_1025 = arith.constant 112 : index
        %get3A_1026 = tpu.vector_load %arg13[%get3A_1023, %get3A_1024, %get3A_1025] {strides = array<i32>} : memref<2x320x128xf32, #tpu.memory_space<vmem>>, vector<16xf32>,
        %add3A_1027 = arith.addf %get3A_1019, %get3A_1026 : vector<16xf32>
        %add3A_1028 = arith.constant 2 : i32
        %add3A_1029 = arith.addi %mul3A_442, %add3A_1028 : i32
        %get3A_1030 = arith.constant 0 : i32
        %get3A_1031 = arith.index_cast %get3A_1030 : i32 to index
        %get3A_1032 = arith.index_cast %add3A_1029 : i32 to index
        %get3A_1033 = arith.constant 112 : index
        %get3A_1034 = tpu.vector_load %arg13[%get3A_1031, %get3A_1032, %get3A_1033] {strides = array<i32>} : memref<2x320x128xf32, #tpu.memory_space<vmem>>, vector<16xf32>,
        %add3A_1035 = arith.addf %add3A_1027, %get3A_1034 : vector<16xf32>
        %add3A_1036 = arith.constant 3 : i32
        %add3A_1037 = arith.addi %mul3A_442, %add3A_1036 : i32
        %get3A_1038 = arith.constant 0 : i32
        %get3A_1039 = arith.index_cast %get3A_1038 : i32 to index
        %get3A_1040 = arith.index_cast %add3A_1037 : i32 to index
        %get3A_1041 = arith.constant 112 : index
        %get3A_1042 = tpu.vector_load %arg13[%get3A_1039, %get3A_1040, %get3A_1041] {strides = array<i32>} : memref<2x320x128xf32, #tpu.memory_space<vmem>>, vector<16xf32>,
        %add3A_1043 = arith.addf %add3A_1035, %get3A_1042 : vector<16xf32>
        %add3A_1044 = arith.constant 4 : i32
        %add3A_1045 = arith.addi %mul3A_442, %add3A_1044 : i32
        %get3A_1046 = arith.constant 0 : i32
        %get3A_1047 = arith.index_cast %get3A_1046 : i32 to index
        %get3A_1048 = arith.index_cast %add3A_1045 : i32 to index
        %get3A_1049 = arith.constant 112 : index
        %get3A_1050 = tpu.vector_load %arg13[%get3A_1047, %get3A_1048, %get3A_1049] {strides = array<i32>} : memref<2x320x128xf32, #tpu.memory_space<vmem>>, vector<16xf32>,
        %add3A_1051 = arith.addf %add3A_1043, %get3A_1050 : vector<16xf32>
        %add3A_1052 = arith.constant 5 : i32
        %add3A_1053 = arith.addi %mul3A_442, %add3A_1052 : i32
        %get3A_1054 = arith.constant 0 : i32
        %get3A_1055 = arith.index_cast %get3A_1054 : i32 to index
        %get3A_1056 = arith.index_cast %add3A_1053 : i32 to index
        %get3A_1057 = arith.constant 112 : index
        %get3A_1058 = tpu.vector_load %arg13[%get3A_1055, %get3A_1056, %get3A_1057] {strides = array<i32>} : memref<2x320x128xf32, #tpu.memory_space<vmem>>, vector<16xf32>,
        %add3A_1059 = arith.addf %add3A_1051, %get3A_1058 : vector<16xf32>
        %add3A_1060 = arith.constant 6 : i32
        %add3A_1061 = arith.addi %mul3A_442, %add3A_1060 : i32
        %get3A_1062 = arith.constant 0 : i32
        %get3A_1063 = arith.index_cast %get3A_1062 : i32 to index
        %get3A_1064 = arith.index_cast %add3A_1061 : i32 to index
        %get3A_1065 = arith.constant 112 : index
        %get3A_1066 = tpu.vector_load %arg13[%get3A_1063, %get3A_1064, %get3A_1065] {strides = array<i32>} : memref<2x320x128xf32, #tpu.memory_space<vmem>>, vector<16xf32>,
        %add3A_1067 = arith.addf %add3A_1059, %get3A_1066 : vector<16xf32>
        %add3A_1068 = arith.constant 7 : i32
        %add3A_1069 = arith.addi %mul3A_442, %add3A_1068 : i32
        %get3A_1070 = arith.constant 0 : i32
        %get3A_1071 = arith.index_cast %get3A_1070 : i32 to index
        %get3A_1072 = arith.index_cast %add3A_1069 : i32 to index
        %get3A_1073 = arith.constant 112 : index
        %get3A_1074 = tpu.vector_load %arg13[%get3A_1071, %get3A_1072, %get3A_1073] {strides = array<i32>} : memref<2x320x128xf32, #tpu.memory_space<vmem>>, vector<16xf32>,
        %add3A_1075 = arith.addf %add3A_1067, %get3A_1074 : vector<16xf32>
        %add3A_1076 = arith.constant 8 : i32
        %add3A_1077 = arith.addi %mul3A_442, %add3A_1076 : i32
        %get3A_1078 = arith.constant 0 : i32
        %get3A_1079 = arith.index_cast %get3A_1078 : i32 to index
        %get3A_1080 = arith.index_cast %add3A_1077 : i32 to index
        %get3A_1081 = arith.constant 112 : index
        %get3A_1082 = tpu.vector_load %arg13[%get3A_1079, %get3A_1080, %get3A_1081] {strides = array<i32>} : memref<2x320x128xf32, #tpu.memory_space<vmem>>, vector<16xf32>,
        %add3A_1083 = arith.addf %add3A_1075, %get3A_1082 : vector<16xf32>
        %add3A_1084 = arith.constant 9 : i32
        %add3A_1085 = arith.addi %mul3A_442, %add3A_1084 : i32
        %get3A_1086 = arith.constant 0 : i32
        %get3A_1087 = arith.index_cast %get3A_1086 : i32 to index
        %get3A_1088 = arith.index_cast %add3A_1085 : i32 to index
        %get3A_1089 = arith.constant 112 : index
        %get3A_1090 = tpu.vector_load %arg13[%get3A_1087, %get3A_1088, %get3A_1089] {strides = array<i32>} : memref<2x320x128xf32, #tpu.memory_space<vmem>>, vector<16xf32>,
        %add3A_1091 = arith.addf %add3A_1083, %get3A_1090 : vector<16xf32>
        %swap3A_1092 = arith.constant 0 : i32
        %swap3A_1093 = arith.index_cast %swap3A_1092 : i32 to index
        %swap3A_1094 = arith.index_cast %scan3A_439 : i32 to index
        %swap3A_1095 = arith.constant 112 : index
        %swap3A_1096 = tpu.vector_load %arg14[%swap3A_1093, %swap3A_1094, %swap3A_1095] {strides = array<i32>} : memref<2x32x128xf32, #tpu.memory_space<vmem>>, vector<16xf32>,
        tpu.vector_store %arg14[%swap3A_1093, %swap3A_1094, %swap3A_1095], %add3A_1091 {strides = array<i32>} : memref<2x32x128xf32, #tpu.memory_space<vmem>>, vector<16xf32>,
        %scan3A_1097 = arith.constant 0 : i32
        scf.yield %scan3A_1097 : i32
      }
      %scan3A_344 = arith.constant 32 : i32
      %mul3A_345 = arith.constant 32 : i32
      %mul3A_346 = arith.muli %add3A_299, %mul3A_345 : i32
      %add3A_347 = arith.addi %mul3A_4, %mul3A_346 : i32
      %dma_start3A_348 = arith.constant 0 : i32
      %dma_start3A_349 = arith.constant 0 : i32
      %dma_start3A_350 = arith.constant 0 : i32
      %dma_start3A_351 = tpu.memref_slice %arg14[%dma_start3A_348, %dma_start3A_349, %dma_start3A_350] : memref<2x32x128xf32, #tpu.memory_space<vmem>> -> memref<1x32x128xf32, #tpu.memory_space<vmem>>
      %dma_start3A_352 = tpu.memref_squeeze %dma_start3A_351 : memref<1x32x128xf32, #tpu.memory_space<vmem>> -> memref<32x128xf32, #tpu.memory_space<vmem>>
      %dma_start3A_353 = arith.constant 0 : i32
      %dma_start3A_354 = tpu.memref_slice %arg7[%add3A_347, %dma_start3A_353] : memref<40960x128xf32, #tpu.memory_space<hbm>> -> memref<32x128xf32, #tpu.memory_space<hbm>>
      %dma_start3A_355 = arith.constant 0 : i32
      %dma_start3A_356 = tpu.memref_slice %arg7[%add3A_347, %dma_start3A_355] : memref<40960x128xf32, #tpu.memory_space<hbm>> -> memref<32x128xf32, #tpu.memory_space<hbm>>
      %dma_start3A_357 = arith.constant 0 : i32
      %dma_start3A_358 = arith.constant 0 : i32
      %dma_start3A_359 = tpu.memref_slice %arg14[%dma_start3A_348, %dma_start3A_357, %dma_start3A_358] : memref<2x32x128xf32, #tpu.memory_space<vmem>> -> memref<1x32x128xf32, #tpu.memory_space<vmem>>
      %dma_start3A_360 = tpu.memref_squeeze %dma_start3A_359 : memref<1x32x128xf32, #tpu.memory_space<vmem>> -> memref<32x128xf32, #tpu.memory_space<vmem>>
      tpu.enqueue_dma source(%dma_start3A_360 : memref<32x128xf32, #tpu.memory_space<vmem>>) target(%dma_start3A_356 : memref<32x128xf32, #tpu.memory_space<hbm>>) target_semaphore(%arg19 : memref<!tpu.dma_semaphore, #tpu.memory_space<semaphore_mem>>)
      %lt3A = arith.constant 19 : i32
      %lt3A_361 = arith.cmpi slt, %scan3A_294, %lt3A : i32
      %convert_element_type3A_362 = arith.extui %lt3A_361 : i1 to i32
      %cond3A_363 = arith.constant 0 : i32
      %cond3A_364 = arith.cmpi ne, %convert_element_type3A_362, %cond3A_363 : i32
      scf.if %cond3A_364 {
        %add3A_439 = arith.constant 2 : i32
        %add3A_440 = arith.addi %add3A_299, %add3A_439 : i32
        %mul3A_441 = arith.constant 32 : i32
        %mul3A_442 = arith.muli %add3A_440, %mul3A_441 : i32
        %scan3A_443 = arith.constant 0 : i32
        %scan3A_444 = arith.constant 0 : i32
        %scan3A_445 = arith.constant 20 : i32
        %scan3A_446 = arith.addi %scan3A_444, %scan3A_445 : i32
        %scan3A_447 = arith.constant 1 : i32
        %scan3A_448 = scf.for %scan3A_486 = %scan3A_444 to %scan3A_446 step %scan3A_447 iter_args(%scan3A_487 = %scan3A_443) -> (i32)  : i32 {
          %mul3A_488 = arith.constant 16 : i32
          %mul3A_489 = arith.muli %scan3A_486, %mul3A_488 : i32
          %multiple_of3A = tpu.assume_multiple %mul3A_489, 16 : i32
          %get3A = arith.index_cast %multiple_of3A : i32 to index
          %get3A_490 = tpu.vector_load %arg15[%get3A] {strides = array<i32>} : memref<1280xi32, #tpu.memory_space<vmem>>, vector<16xi32>,
          %get3A_491 = arith.index_cast %multiple_of3A : i32 to index
          %get3A_492 = tpu.vector_load %arg16[%get3A_491] {strides = array<i32>} : memref<1280xi32, #tpu.memory_space<vmem>>, vector<16xi32>,
          %add3A_493 = vector.broadcast %mul3A_442 : i32 to vector<16xi32>
          %add3A_494 = arith.addi %add3A_493, %get3A_490 : vector<16xi32>
          %gather3A = tpu.vector_load_idx %arg11[%add3A_494, %get3A_492] : memref<1280x16xi32, #tpu.memory_space<vmem>>[vector<16xi32>, vector<16xi32>], vector<16xi32>,
          %swap3A = arith.constant 0 : i32
          %swap3A_495 = arith.index_cast %swap3A : i32 to index
          %swap3A_496 = arith.index_cast %multiple_of3A : i32 to index
          %swap3A_497 = tpu.vector_load %arg12[%swap3A_495, %swap3A_496] {strides = array<i32>} : memref<2x320xi32, #tpu.memory_space<vmem>>, vector<16xi32>,
          tpu.vector_store %arg12[%swap3A_495, %swap3A_496], %gather3A {strides = array<i32>} : memref<2x320xi32, #tpu.memory_space<vmem>>, vector<16xi32>,
          %scan3A_498 = arith.constant 0 : i32
          scf.yield %scan3A_498 : i32
        }
        %scan3A_449 = arith.constant 20 : i32
        %dma_start3A_450 = arith.constant 0 : i32
        %dma_start3A_451 = arith.constant 0 : i32
        %dma_start3A_452 = arith.constant 0 : i32
        %dma_start3A_453 = arith.constant 0 : i32
        %dma_start3A_454 = tpu.memref_slice %arg13[%dma_start3A_451, %dma_start3A_452, %dma_start3A_453] : memref<2x320x128xf32, #tpu.memory_space<vmem>> -> memref<1x128x128xf32, #tpu.memory_space<vmem>>
        %dma_start3A_455 = tpu.memref_squeeze %dma_start3A_454 : memref<1x128x128xf32, #tpu.memory_space<vmem>> -> memref<128x128xf32, #tpu.memory_space<vmem>>
        %dma_start3A_456 = arith.constant 0 : i32
        %dma_start3A_457 = tpu.memref_slice %arg12[%dma_start3A_450, %dma_start3A_456] : memref<2x320xi32, #tpu.memory_space<vmem>> -> memref<1x128xi32, #tpu.memory_space<vmem>>
        %dma_start3A_458 = tpu.memref_squeeze %dma_start3A_457 : memref<1x128xi32, #tpu.memory_space<vmem>> -> memref<128xi32, #tpu.memory_space<vmem>>
        %dma_start3A_459 = arith.constant 0 : i32
        %dma_start3A_460 = arith.constant 0 : i32
        %dma_start3A_461 = tpu.memref_slice %arg2[%dma_start3A_459, %dma_start3A_460] : memref<50000x128xf32, #tpu.memory_space<hbm>> -> memref<50000x128xf32, #tpu.memory_space<hbm>>
        tpu.enqueue_indirect_dma source(%dma_start3A_461 : memref<50000x128xf32, #tpu.memory_space<hbm>>) target(%dma_start3A_455 : memref<128x128xf32, #tpu.memory_space<vmem>>) offsets(%dma_start3A_458 : memref<128xi32, #tpu.memory_space<vmem>>) semaphore(%arg17 : memref<!tpu.dma_semaphore, #tpu.memory_space<semaphore_mem>>)
        %dma_start3A_462 = arith.constant 0 : i32
        %dma_start3A_463 = arith.constant 0 : i32
        %dma_start3A_464 = arith.constant 128 : i32
        %dma_start3A_465 = arith.constant 0 : i32
        %dma_start3A_466 = tpu.memref_slice %arg13[%dma_start3A_463, %dma_start3A_464, %dma_start3A_465] : memref<2x320x128xf32, #tpu.memory_space<vmem>> -> memref<1x128x128xf32, #tpu.memory_space<vmem>>
        %dma_start3A_467 = tpu.memref_squeeze %dma_start3A_466 : memref<1x128x128xf32, #tpu.memory_space<vmem>> -> memref<128x128xf32, #tpu.memory_space<vmem>>
        %dma_start3A_468 = arith.constant 128 : i32
        %dma_start3A_469 = tpu.memref_slice %arg12[%dma_start3A_462, %dma_start3A_468] : memref<2x320xi32, #tpu.memory_space<vmem>> -> memref<1x128xi32, #tpu.memory_space<vmem>>
        %dma_start3A_470 = tpu.memref_squeeze %dma_start3A_469 : memref<1x128xi32, #tpu.memory_space<vmem>> -> memref<128xi32, #tpu.memory_space<vmem>>
        %dma_start3A_471 = arith.constant 0 : i32
        %dma_start3A_472 = arith.constant 0 : i32
        %dma_start3A_473 = tpu.memref_slice %arg2[%dma_start3A_471, %dma_start3A_472] : memref<50000x128xf32, #tpu.memory_space<hbm>> -> memref<50000x128xf32, #tpu.memory_space<hbm>>
        tpu.enqueue_indirect_dma source(%dma_start3A_473 : memref<50000x128xf32, #tpu.memory_space<hbm>>) target(%dma_start3A_467 : memref<128x128xf32, #tpu.memory_space<vmem>>) offsets(%dma_start3A_470 : memref<128xi32, #tpu.memory_space<vmem>>) semaphore(%arg17 : memref<!tpu.dma_semaphore, #tpu.memory_space<semaphore_mem>>)
        %dma_start3A_474 = arith.constant 0 : i32
        %dma_start3A_475 = arith.constant 0 : i32
        %dma_start3A_476 = arith.constant 256 : i32
        %dma_start3A_477 = arith.constant 0 : i32
        %dma_start3A_478 = tpu.memref_slice %arg13[%dma_start3A_475, %dma_start3A_476, %dma_start3A_477] : memref<2x320x128xf32, #tpu.memory_space<vmem>> -> memref<1x64x128xf32, #tpu.memory_space<vmem>>
        %dma_start3A_479 = tpu.memref_squeeze %dma_start3A_478 : memref<1x64x128xf32, #tpu.memory_space<vmem>> -> memref<64x128xf32, #tpu.memory_space<vmem>>
        %dma_start3A_480 = arith.constant 256 : i32
        %dma_start3A_481 = tpu.memref_slice %arg12[%dma_start3A_474, %dma_start3A_480] : memref<2x320xi32, #tpu.memory_space<vmem>> -> memref<1x64xi32, #tpu.memory_space<vmem>>
        %dma_start3A_482 = tpu.memref_squeeze %dma_start3A_481 : memref<1x64xi32, #tpu.memory_space<vmem>> -> memref<64xi32, #tpu.memory_space<vmem>>
        %dma_start3A_483 = arith.constant 0 : i32
        %dma_start3A_484 = arith.constant 0 : i32
        %dma_start3A_485 = tpu.memref_slice %arg2[%dma_start3A_483, %dma_start3A_484] : memref<50000x128xf32, #tpu.memory_space<hbm>> -> memref<50000x128xf32, #tpu.memory_space<hbm>>
        tpu.enqueue_indirect_dma source(%dma_start3A_485 : memref<50000x128xf32, #tpu.memory_space<hbm>>) target(%dma_start3A_479 : memref<64x128xf32, #tpu.memory_space<vmem>>) offsets(%dma_start3A_482 : memref<64xi32, #tpu.memory_space<vmem>>) semaphore(%arg17 : memref<!tpu.dma_semaphore, #tpu.memory_space<semaphore_mem>>)
      } else {
      }
      %mul3A_365 = arith.constant 2 : i32
      %mul3A_366 = arith.muli %mul3A_365, %scan3A_294 : i32
      %add3A_367 = arith.constant 1 : i32
      %add3A_368 = arith.addi %mul3A_366, %add3A_367 : i32
      %dma_wait3A_369 = arith.constant 1 : i32
      %dma_wait3A_370 = arith.constant 1 : i32
      %dma_wait3A_371 = arith.constant 0 : i32
      %dma_wait3A_372 = arith.constant 0 : i32
      %dma_wait3A_373 = tpu.memref_slice %arg13[%dma_wait3A_370, %dma_wait3A_371, %dma_wait3A_372] : memref<2x320x128xf32, #tpu.memory_space<vmem>> -> memref<1x128x128xf32, #tpu.memory_space<vmem>>
      %dma_wait3A_374 = tpu.memref_squeeze %dma_wait3A_373 : memref<1x128x128xf32, #tpu.memory_space<vmem>> -> memref<128x128xf32, #tpu.memory_space<vmem>>
      %dma_wait3A_375 = arith.constant 0 : i32
      %dma_wait3A_376 = tpu.memref_slice %arg12[%dma_wait3A_369, %dma_wait3A_375] : memref<2x320xi32, #tpu.memory_space<vmem>> -> memref<1x128xi32, #tpu.memory_space<vmem>>
      %dma_wait3A_377 = tpu.memref_squeeze %dma_wait3A_376 : memref<1x128xi32, #tpu.memory_space<vmem>> -> memref<128xi32, #tpu.memory_space<vmem>>
      %dma_wait3A_378 = arith.constant 0 : i32
      %dma_wait3A_379 = arith.constant 0 : i32
      %dma_wait3A_380 = tpu.memref_slice %arg2[%dma_wait3A_378, %dma_wait3A_379] : memref<50000x128xf32, #tpu.memory_space<hbm>> -> memref<50000x128xf32, #tpu.memory_space<hbm>>
      tpu.wait_indirect_dma semaphore(%arg18 : memref<!tpu.dma_semaphore, #tpu.memory_space<semaphore_mem>>) src(%dma_wait3A_380 : memref<50000x128xf32, #tpu.memory_space<hbm>>) dst(%dma_wait3A_374 : memref<128x128xf32, #tpu.memory_space<vmem>>)
      %dma_wait3A_381 = arith.constant 1 : i32
      %dma_wait3A_382 = arith.constant 1 : i32
      %dma_wait3A_383 = arith.constant 128 : i32
      %dma_wait3A_384 = arith.constant 0 : i32
      %dma_wait3A_385 = tpu.memref_slice %arg13[%dma_wait3A_382, %dma_wait3A_383, %dma_wait3A_384] : memref<2x320x128xf32, #tpu.memory_space<vmem>> -> memref<1x128x128xf32, #tpu.memory_space<vmem>>
      %dma_wait3A_386 = tpu.memref_squeeze %dma_wait3A_385 : memref<1x128x128xf32, #tpu.memory_space<vmem>> -> memref<128x128xf32, #tpu.memory_space<vmem>>
      %dma_wait3A_387 = arith.constant 128 : i32
      %dma_wait3A_388 = tpu.memref_slice %arg12[%dma_wait3A_381, %dma_wait3A_387] : memref<2x320xi32, #tpu.memory_space<vmem>> -> memref<1x128xi32, #tpu.memory_space<vmem>>
      %dma_wait3A_389 = tpu.memref_squeeze %dma_wait3A_388 : memref<1x128xi32, #tpu.memory_space<vmem>> -> memref<128xi32, #tpu.memory_space<vmem>>
      %dma_wait3A_390 = arith.constant 0 : i32
      %dma_wait3A_391 = arith.constant 0 : i32
      %dma_wait3A_392 = tpu.memref_slice %arg2[%dma_wait3A_390, %dma_wait3A_391] : memref<50000x128xf32, #tpu.memory_space<hbm>> -> memref<50000x128xf32, #tpu.memory_space<hbm>>
      tpu.wait_indirect_dma semaphore(%arg18 : memref<!tpu.dma_semaphore, #tpu.memory_space<semaphore_mem>>) src(%dma_wait3A_392 : memref<50000x128xf32, #tpu.memory_space<hbm>>) dst(%dma_wait3A_386 : memref<128x128xf32, #tpu.memory_space<vmem>>)
      %dma_wait3A_393 = arith.constant 1 : i32
      %dma_wait3A_394 = arith.constant 1 : i32
      %dma_wait3A_395 = arith.constant 256 : i32
      %dma_wait3A_396 = arith.constant 0 : i32
      %dma_wait3A_397 = tpu.memref_slice %arg13[%dma_wait3A_394, %dma_wait3A_395, %dma_wait3A_396] : memref<2x320x128xf32, #tpu.memory_space<vmem>> -> memref<1x64x128xf32, #tpu.memory_space<vmem>>
      %dma_wait3A_398 = tpu.memref_squeeze %dma_wait3A_397 : memref<1x64x128xf32, #tpu.memory_space<vmem>> -> memref<64x128xf32, #tpu.memory_space<vmem>>
      %dma_wait3A_399 = arith.constant 256 : i32
      %dma_wait3A_400 = tpu.memref_slice %arg12[%dma_wait3A_393, %dma_wait3A_399] : memref<2x320xi32, #tpu.memory_space<vmem>> -> memref<1x64xi32, #tpu.memory_space<vmem>>
      %dma_wait3A_401 = tpu.memref_squeeze %dma_wait3A_400 : memref<1x64xi32, #tpu.memory_space<vmem>> -> memref<64xi32, #tpu.memory_space<vmem>>
      %dma_wait3A_402 = arith.constant 0 : i32
      %dma_wait3A_403 = arith.constant 0 : i32
      %dma_wait3A_404 = tpu.memref_slice %arg2[%dma_wait3A_402, %dma_wait3A_403] : memref<50000x128xf32, #tpu.memory_space<hbm>> -> memref<50000x128xf32, #tpu.memory_space<hbm>>
      tpu.wait_indirect_dma semaphore(%arg18 : memref<!tpu.dma_semaphore, #tpu.memory_space<semaphore_mem>>) src(%dma_wait3A_404 : memref<50000x128xf32, #tpu.memory_space<hbm>>) dst(%dma_wait3A_398 : memref<64x128xf32, #tpu.memory_space<vmem>>)
      %ge3A_405 = arith.constant 1 : i32
      %ge3A_406 = arith.cmpi sge, %scan3A_294, %ge3A_405 : i32
      %convert_element_type3A_407 = arith.extui %ge3A_406 : i1 to i32
      %cond3A_408 = arith.constant 0 : i32
      %cond3A_409 = arith.cmpi ne, %convert_element_type3A_407, %cond3A_408 : i32
      scf.if %cond3A_409 {
        %dma_wait3A_439 = arith.constant 1 : i32
        %dma_wait3A_440 = arith.constant 0 : i32
        %dma_wait3A_441 = arith.constant 0 : i32
        %dma_wait3A_442 = tpu.memref_slice %arg14[%dma_wait3A_439, %dma_wait3A_440, %dma_wait3A_441] : memref<2x32x128xf32, #tpu.memory_space<vmem>> -> memref<1x32x128xf32, #tpu.memory_space<vmem>>
        %dma_wait3A_443 = tpu.memref_squeeze %dma_wait3A_442 : memref<1x32x128xf32, #tpu.memory_space<vmem>> -> memref<32x128xf32, #tpu.memory_space<vmem>>
        %dma_wait3A_444 = arith.constant 0 : i32
        %dma_wait3A_445 = tpu.memref_slice %arg7[%mul3A_4, %dma_wait3A_444] : memref<40960x128xf32, #tpu.memory_space<hbm>> -> memref<32x128xf32, #tpu.memory_space<hbm>>
        %dma_wait3A_446 = arith.constant 0 : i32
        %dma_wait3A_447 = tpu.memref_slice %arg7[%mul3A_4, %dma_wait3A_446] : memref<40960x128xf32, #tpu.memory_space<hbm>> -> memref<32x128xf32, #tpu.memory_space<hbm>>
        %dma_wait3A_448 = arith.constant 0 : i32
        %dma_wait3A_449 = arith.constant 0 : i32
        %dma_wait3A_450 = tpu.memref_slice %arg14[%dma_wait3A_439, %dma_wait3A_448, %dma_wait3A_449] : memref<2x32x128xf32, #tpu.memory_space<vmem>> -> memref<1x32x128xf32, #tpu.memory_space<vmem>>
        %dma_wait3A_451 = tpu.memref_squeeze %dma_wait3A_450 : memref<1x32x128xf32, #tpu.memory_space<vmem>> -> memref<32x128xf32, #tpu.memory_space<vmem>>
        tpu.wait_dma2 semaphore(%arg20 : memref<!tpu.dma_semaphore, #tpu.memory_space<semaphore_mem>>) src(%dma_wait3A_451 : memref<32x128xf32, #tpu.memory_space<vmem>>) dst(%dma_wait3A_447 : memref<32x128xf32, #tpu.memory_space<hbm>>)
      } else {
      }
      %scan3A_410 = arith.constant 0 : i32
      %scan3A_411 = arith.constant 0 : i32
      %scan3A_412 = arith.constant 32 : i32
      %scan3A_413 = arith.addi %scan3A_411, %scan3A_412 : i32
      %scan3A_414 = arith.constant 1 : i32
      %scan3A_415 = scf.for %scan3A_439 = %scan3A_411 to %scan3A_413 step %scan3A_414 iter_args(%scan3A_440 = %scan3A_410) -> (i32)  : i32 {
        %mul3A_441 = arith.constant 10 : i32
        %mul3A_442 = arith.muli %scan3A_439, %mul3A_441 : i32
        %get3A = arith.constant 1 : i32
        %get3A_443 = arith.index_cast %get3A : i32 to index
        %get3A_444 = arith.index_cast %mul3A_442 : i32 to index
        %get3A_445 = arith.constant 0 : index
        %get3A_446 = tpu.vector_load %arg13[%get3A_443, %get3A_444, %get3A_445] {strides = array<i32>} : memref<2x320x128xf32, #tpu.memory_space<vmem>>, vector<16xf32>,
        %add3A_447 = arith.constant 1 : i32
        %add3A_448 = arith.addi %mul3A_442, %add3A_447 : i32
        %get3A_449 = arith.constant 1 : i32
        %get3A_450 = arith.index_cast %get3A_449 : i32 to index
        %get3A_451 = arith.index_cast %add3A_448 : i32 to index
        %get3A_452 = arith.constant 0 : index
        %get3A_453 = tpu.vector_load %arg13[%get3A_450, %get3A_451, %get3A_452] {strides = array<i32>} : memref<2x320x128xf32, #tpu.memory_space<vmem>>, vector<16xf32>,
        %add3A_454 = arith.addf %get3A_446, %get3A_453 : vector<16xf32>
        %add3A_455 = arith.constant 2 : i32
        %add3A_456 = arith.addi %mul3A_442, %add3A_455 : i32
        %get3A_457 = arith.constant 1 : i32
        %get3A_458 = arith.index_cast %get3A_457 : i32 to index
        %get3A_459 = arith.index_cast %add3A_456 : i32 to index
        %get3A_460 = arith.constant 0 : index
        %get3A_461 = tpu.vector_load %arg13[%get3A_458, %get3A_459, %get3A_460] {strides = array<i32>} : memref<2x320x128xf32, #tpu.memory_space<vmem>>, vector<16xf32>,
        %add3A_462 = arith.addf %add3A_454, %get3A_461 : vector<16xf32>
        %add3A_463 = arith.constant 3 : i32
        %add3A_464 = arith.addi %mul3A_442, %add3A_463 : i32
        %get3A_465 = arith.constant 1 : i32
        %get3A_466 = arith.index_cast %get3A_465 : i32 to index
        %get3A_467 = arith.index_cast %add3A_464 : i32 to index
        %get3A_468 = arith.constant 0 : index
        %get3A_469 = tpu.vector_load %arg13[%get3A_466, %get3A_467, %get3A_468] {strides = array<i32>} : memref<2x320x128xf32, #tpu.memory_space<vmem>>, vector<16xf32>,
        %add3A_470 = arith.addf %add3A_462, %get3A_469 : vector<16xf32>
        %add3A_471 = arith.constant 4 : i32
        %add3A_472 = arith.addi %mul3A_442, %add3A_471 : i32
        %get3A_473 = arith.constant 1 : i32
        %get3A_474 = arith.index_cast %get3A_473 : i32 to index
        %get3A_475 = arith.index_cast %add3A_472 : i32 to index
        %get3A_476 = arith.constant 0 : index
        %get3A_477 = tpu.vector_load %arg13[%get3A_474, %get3A_475, %get3A_476] {strides = array<i32>} : memref<2x320x128xf32, #tpu.memory_space<vmem>>, vector<16xf32>,
        %add3A_478 = arith.addf %add3A_470, %get3A_477 : vector<16xf32>
        %add3A_479 = arith.constant 5 : i32
        %add3A_480 = arith.addi %mul3A_442, %add3A_479 : i32
        %get3A_481 = arith.constant 1 : i32
        %get3A_482 = arith.index_cast %get3A_481 : i32 to index
        %get3A_483 = arith.index_cast %add3A_480 : i32 to index
        %get3A_484 = arith.constant 0 : index
        %get3A_485 = tpu.vector_load %arg13[%get3A_482, %get3A_483, %get3A_484] {strides = array<i32>} : memref<2x320x128xf32, #tpu.memory_space<vmem>>, vector<16xf32>,
        %add3A_486 = arith.addf %add3A_478, %get3A_485 : vector<16xf32>
        %add3A_487 = arith.constant 6 : i32
        %add3A_488 = arith.addi %mul3A_442, %add3A_487 : i32
        %get3A_489 = arith.constant 1 : i32
        %get3A_490 = arith.index_cast %get3A_489 : i32 to index
        %get3A_491 = arith.index_cast %add3A_488 : i32 to index
        %get3A_492 = arith.constant 0 : index
        %get3A_493 = tpu.vector_load %arg13[%get3A_490, %get3A_491, %get3A_492] {strides = array<i32>} : memref<2x320x128xf32, #tpu.memory_space<vmem>>, vector<16xf32>,
        %add3A_494 = arith.addf %add3A_486, %get3A_493 : vector<16xf32>
        %add3A_495 = arith.constant 7 : i32
        %add3A_496 = arith.addi %mul3A_442, %add3A_495 : i32
        %get3A_497 = arith.constant 1 : i32
        %get3A_498 = arith.index_cast %get3A_497 : i32 to index
        %get3A_499 = arith.index_cast %add3A_496 : i32 to index
        %get3A_500 = arith.constant 0 : index
        %get3A_501 = tpu.vector_load %arg13[%get3A_498, %get3A_499, %get3A_500] {strides = array<i32>} : memref<2x320x128xf32, #tpu.memory_space<vmem>>, vector<16xf32>,
        %add3A_502 = arith.addf %add3A_494, %get3A_501 : vector<16xf32>
        %add3A_503 = arith.constant 8 : i32
        %add3A_504 = arith.addi %mul3A_442, %add3A_503 : i32
        %get3A_505 = arith.constant 1 : i32
        %get3A_506 = arith.index_cast %get3A_505 : i32 to index
        %get3A_507 = arith.index_cast %add3A_504 : i32 to index
        %get3A_508 = arith.constant 0 : index
        %get3A_509 = tpu.vector_load %arg13[%get3A_506, %get3A_507, %get3A_508] {strides = array<i32>} : memref<2x320x128xf32, #tpu.memory_space<vmem>>, vector<16xf32>,
        %add3A_510 = arith.addf %add3A_502, %get3A_509 : vector<16xf32>
        %add3A_511 = arith.constant 9 : i32
        %add3A_512 = arith.addi %mul3A_442, %add3A_511 : i32
        %get3A_513 = arith.constant 1 : i32
        %get3A_514 = arith.index_cast %get3A_513 : i32 to index
        %get3A_515 = arith.index_cast %add3A_512 : i32 to index
        %get3A_516 = arith.constant 0 : index
        %get3A_517 = tpu.vector_load %arg13[%get3A_514, %get3A_515, %get3A_516] {strides = array<i32>} : memref<2x320x128xf32, #tpu.memory_space<vmem>>, vector<16xf32>,
        %add3A_518 = arith.addf %add3A_510, %get3A_517 : vector<16xf32>
        %swap3A = arith.constant 1 : i32
        %swap3A_519 = arith.index_cast %swap3A : i32 to index
        %swap3A_520 = arith.index_cast %scan3A_439 : i32 to index
        %swap3A_521 = arith.constant 0 : index
        %swap3A_522 = tpu.vector_load %arg14[%swap3A_519, %swap3A_520, %swap3A_521] {strides = array<i32>} : memref<2x32x128xf32, #tpu.memory_space<vmem>>, vector<16xf32>,
        tpu.vector_store %arg14[%swap3A_519, %swap3A_520, %swap3A_521], %add3A_518 {strides = array<i32>} : memref<2x32x128xf32, #tpu.memory_space<vmem>>, vector<16xf32>,
        %get3A_523 = arith.constant 1 : i32
        %get3A_524 = arith.index_cast %get3A_523 : i32 to index
        %get3A_525 = arith.index_cast %mul3A_442 : i32 to index
        %get3A_526 = arith.constant 16 : index
        %get3A_527 = tpu.vector_load %arg13[%get3A_524, %get3A_525, %get3A_526] {strides = array<i32>} : memref<2x320x128xf32, #tpu.memory_space<vmem>>, vector<16xf32>,
        %add3A_528 = arith.constant 1 : i32
        %add3A_529 = arith.addi %mul3A_442, %add3A_528 : i32
        %get3A_530 = arith.constant 1 : i32
        %get3A_531 = arith.index_cast %get3A_530 : i32 to index
        %get3A_532 = arith.index_cast %add3A_529 : i32 to index
        %get3A_533 = arith.constant 16 : index
        %get3A_534 = tpu.vector_load %arg13[%get3A_531, %get3A_532, %get3A_533] {strides = array<i32>} : memref<2x320x128xf32, #tpu.memory_space<vmem>>, vector<16xf32>,
        %add3A_535 = arith.addf %get3A_527, %get3A_534 : vector<16xf32>
        %add3A_536 = arith.constant 2 : i32
        %add3A_537 = arith.addi %mul3A_442, %add3A_536 : i32
        %get3A_538 = arith.constant 1 : i32
        %get3A_539 = arith.index_cast %get3A_538 : i32 to index
        %get3A_540 = arith.index_cast %add3A_537 : i32 to index
        %get3A_541 = arith.constant 16 : index
        %get3A_542 = tpu.vector_load %arg13[%get3A_539, %get3A_540, %get3A_541] {strides = array<i32>} : memref<2x320x128xf32, #tpu.memory_space<vmem>>, vector<16xf32>,
        %add3A_543 = arith.addf %add3A_535, %get3A_542 : vector<16xf32>
        %add3A_544 = arith.constant 3 : i32
        %add3A_545 = arith.addi %mul3A_442, %add3A_544 : i32
        %get3A_546 = arith.constant 1 : i32
        %get3A_547 = arith.index_cast %get3A_546 : i32 to index
        %get3A_548 = arith.index_cast %add3A_545 : i32 to index
        %get3A_549 = arith.constant 16 : index
        %get3A_550 = tpu.vector_load %arg13[%get3A_547, %get3A_548, %get3A_549] {strides = array<i32>} : memref<2x320x128xf32, #tpu.memory_space<vmem>>, vector<16xf32>,
        %add3A_551 = arith.addf %add3A_543, %get3A_550 : vector<16xf32>
        %add3A_552 = arith.constant 4 : i32
        %add3A_553 = arith.addi %mul3A_442, %add3A_552 : i32
        %get3A_554 = arith.constant 1 : i32
        %get3A_555 = arith.index_cast %get3A_554 : i32 to index
        %get3A_556 = arith.index_cast %add3A_553 : i32 to index
        %get3A_557 = arith.constant 16 : index
        %get3A_558 = tpu.vector_load %arg13[%get3A_555, %get3A_556, %get3A_557] {strides = array<i32>} : memref<2x320x128xf32, #tpu.memory_space<vmem>>, vector<16xf32>,
        %add3A_559 = arith.addf %add3A_551, %get3A_558 : vector<16xf32>
        %add3A_560 = arith.constant 5 : i32
        %add3A_561 = arith.addi %mul3A_442, %add3A_560 : i32
        %get3A_562 = arith.constant 1 : i32
        %get3A_563 = arith.index_cast %get3A_562 : i32 to index
        %get3A_564 = arith.index_cast %add3A_561 : i32 to index
        %get3A_565 = arith.constant 16 : index
        %get3A_566 = tpu.vector_load %arg13[%get3A_563, %get3A_564, %get3A_565] {strides = array<i32>} : memref<2x320x128xf32, #tpu.memory_space<vmem>>, vector<16xf32>,
        %add3A_567 = arith.addf %add3A_559, %get3A_566 : vector<16xf32>
        %add3A_568 = arith.constant 6 : i32
        %add3A_569 = arith.addi %mul3A_442, %add3A_568 : i32
        %get3A_570 = arith.constant 1 : i32
        %get3A_571 = arith.index_cast %get3A_570 : i32 to index
        %get3A_572 = arith.index_cast %add3A_569 : i32 to index
        %get3A_573 = arith.constant 16 : index
        %get3A_574 = tpu.vector_load %arg13[%get3A_571, %get3A_572, %get3A_573] {strides = array<i32>} : memref<2x320x128xf32, #tpu.memory_space<vmem>>, vector<16xf32>,
        %add3A_575 = arith.addf %add3A_567, %get3A_574 : vector<16xf32>
        %add3A_576 = arith.constant 7 : i32
        %add3A_577 = arith.addi %mul3A_442, %add3A_576 : i32
        %get3A_578 = arith.constant 1 : i32
        %get3A_579 = arith.index_cast %get3A_578 : i32 to index
        %get3A_580 = arith.index_cast %add3A_577 : i32 to index
        %get3A_581 = arith.constant 16 : index
        %get3A_582 = tpu.vector_load %arg13[%get3A_579, %get3A_580, %get3A_581] {strides = array<i32>} : memref<2x320x128xf32, #tpu.memory_space<vmem>>, vector<16xf32>,
        %add3A_583 = arith.addf %add3A_575, %get3A_582 : vector<16xf32>
        %add3A_584 = arith.constant 8 : i32
        %add3A_585 = arith.addi %mul3A_442, %add3A_584 : i32
        %get3A_586 = arith.constant 1 : i32
        %get3A_587 = arith.index_cast %get3A_586 : i32 to index
        %get3A_588 = arith.index_cast %add3A_585 : i32 to index
        %get3A_589 = arith.constant 16 : index
        %get3A_590 = tpu.vector_load %arg13[%get3A_587, %get3A_588, %get3A_589] {strides = array<i32>} : memref<2x320x128xf32, #tpu.memory_space<vmem>>, vector<16xf32>,
        %add3A_591 = arith.addf %add3A_583, %get3A_590 : vector<16xf32>
        %add3A_592 = arith.constant 9 : i32
        %add3A_593 = arith.addi %mul3A_442, %add3A_592 : i32
        %get3A_594 = arith.constant 1 : i32
        %get3A_595 = arith.index_cast %get3A_594 : i32 to index
        %get3A_596 = arith.index_cast %add3A_593 : i32 to index
        %get3A_597 = arith.constant 16 : index
        %get3A_598 = tpu.vector_load %arg13[%get3A_595, %get3A_596, %get3A_597] {strides = array<i32>} : memref<2x320x128xf32, #tpu.memory_space<vmem>>, vector<16xf32>,
        %add3A_599 = arith.addf %add3A_591, %get3A_598 : vector<16xf32>
        %swap3A_600 = arith.constant 1 : i32
        %swap3A_601 = arith.index_cast %swap3A_600 : i32 to index
        %swap3A_602 = arith.index_cast %scan3A_439 : i32 to index
        %swap3A_603 = arith.constant 16 : index
        %swap3A_604 = tpu.vector_load %arg14[%swap3A_601, %swap3A_602, %swap3A_603] {strides = array<i32>} : memref<2x32x128xf32, #tpu.memory_space<vmem>>, vector<16xf32>,
        tpu.vector_store %arg14[%swap3A_601, %swap3A_602, %swap3A_603], %add3A_599 {strides = array<i32>} : memref<2x32x128xf32, #tpu.memory_space<vmem>>, vector<16xf32>,
        %get3A_605 = arith.constant 1 : i32
        %get3A_606 = arith.index_cast %get3A_605 : i32 to index
        %get3A_607 = arith.index_cast %mul3A_442 : i32 to index
        %get3A_608 = arith.constant 32 : index
        %get3A_609 = tpu.vector_load %arg13[%get3A_606, %get3A_607, %get3A_608] {strides = array<i32>} : memref<2x320x128xf32, #tpu.memory_space<vmem>>, vector<16xf32>,
        %add3A_610 = arith.constant 1 : i32
        %add3A_611 = arith.addi %mul3A_442, %add3A_610 : i32
        %get3A_612 = arith.constant 1 : i32
        %get3A_613 = arith.index_cast %get3A_612 : i32 to index
        %get3A_614 = arith.index_cast %add3A_611 : i32 to index
        %get3A_615 = arith.constant 32 : index
        %get3A_616 = tpu.vector_load %arg13[%get3A_613, %get3A_614, %get3A_615] {strides = array<i32>} : memref<2x320x128xf32, #tpu.memory_space<vmem>>, vector<16xf32>,
        %add3A_617 = arith.addf %get3A_609, %get3A_616 : vector<16xf32>
        %add3A_618 = arith.constant 2 : i32
        %add3A_619 = arith.addi %mul3A_442, %add3A_618 : i32
        %get3A_620 = arith.constant 1 : i32
        %get3A_621 = arith.index_cast %get3A_620 : i32 to index
        %get3A_622 = arith.index_cast %add3A_619 : i32 to index
        %get3A_623 = arith.constant 32 : index
        %get3A_624 = tpu.vector_load %arg13[%get3A_621, %get3A_622, %get3A_623] {strides = array<i32>} : memref<2x320x128xf32, #tpu.memory_space<vmem>>, vector<16xf32>,
        %add3A_625 = arith.addf %add3A_617, %get3A_624 : vector<16xf32>
        %add3A_626 = arith.constant 3 : i32
        %add3A_627 = arith.addi %mul3A_442, %add3A_626 : i32
        %get3A_628 = arith.constant 1 : i32
        %get3A_629 = arith.index_cast %get3A_628 : i32 to index
        %get3A_630 = arith.index_cast %add3A_627 : i32 to index
        %get3A_631 = arith.constant 32 : index
        %get3A_632 = tpu.vector_load %arg13[%get3A_629, %get3A_630, %get3A_631] {strides = array<i32>} : memref<2x320x128xf32, #tpu.memory_space<vmem>>, vector<16xf32>,
        %add3A_633 = arith.addf %add3A_625, %get3A_632 : vector<16xf32>
        %add3A_634 = arith.constant 4 : i32
        %add3A_635 = arith.addi %mul3A_442, %add3A_634 : i32
        %get3A_636 = arith.constant 1 : i32
        %get3A_637 = arith.index_cast %get3A_636 : i32 to index
        %get3A_638 = arith.index_cast %add3A_635 : i32 to index
        %get3A_639 = arith.constant 32 : index
        %get3A_640 = tpu.vector_load %arg13[%get3A_637, %get3A_638, %get3A_639] {strides = array<i32>} : memref<2x320x128xf32, #tpu.memory_space<vmem>>, vector<16xf32>,
        %add3A_641 = arith.addf %add3A_633, %get3A_640 : vector<16xf32>
        %add3A_642 = arith.constant 5 : i32
        %add3A_643 = arith.addi %mul3A_442, %add3A_642 : i32
        %get3A_644 = arith.constant 1 : i32
        %get3A_645 = arith.index_cast %get3A_644 : i32 to index
        %get3A_646 = arith.index_cast %add3A_643 : i32 to index
        %get3A_647 = arith.constant 32 : index
        %get3A_648 = tpu.vector_load %arg13[%get3A_645, %get3A_646, %get3A_647] {strides = array<i32>} : memref<2x320x128xf32, #tpu.memory_space<vmem>>, vector<16xf32>,
        %add3A_649 = arith.addf %add3A_641, %get3A_648 : vector<16xf32>
        %add3A_650 = arith.constant 6 : i32
        %add3A_651 = arith.addi %mul3A_442, %add3A_650 : i32
        %get3A_652 = arith.constant 1 : i32
        %get3A_653 = arith.index_cast %get3A_652 : i32 to index
        %get3A_654 = arith.index_cast %add3A_651 : i32 to index
        %get3A_655 = arith.constant 32 : index
        %get3A_656 = tpu.vector_load %arg13[%get3A_653, %get3A_654, %get3A_655] {strides = array<i32>} : memref<2x320x128xf32, #tpu.memory_space<vmem>>, vector<16xf32>,
        %add3A_657 = arith.addf %add3A_649, %get3A_656 : vector<16xf32>
        %add3A_658 = arith.constant 7 : i32
        %add3A_659 = arith.addi %mul3A_442, %add3A_658 : i32
        %get3A_660 = arith.constant 1 : i32
        %get3A_661 = arith.index_cast %get3A_660 : i32 to index
        %get3A_662 = arith.index_cast %add3A_659 : i32 to index
        %get3A_663 = arith.constant 32 : index
        %get3A_664 = tpu.vector_load %arg13[%get3A_661, %get3A_662, %get3A_663] {strides = array<i32>} : memref<2x320x128xf32, #tpu.memory_space<vmem>>, vector<16xf32>,
        %add3A_665 = arith.addf %add3A_657, %get3A_664 : vector<16xf32>
        %add3A_666 = arith.constant 8 : i32
        %add3A_667 = arith.addi %mul3A_442, %add3A_666 : i32
        %get3A_668 = arith.constant 1 : i32
        %get3A_669 = arith.index_cast %get3A_668 : i32 to index
        %get3A_670 = arith.index_cast %add3A_667 : i32 to index
        %get3A_671 = arith.constant 32 : index
        %get3A_672 = tpu.vector_load %arg13[%get3A_669, %get3A_670, %get3A_671] {strides = array<i32>} : memref<2x320x128xf32, #tpu.memory_space<vmem>>, vector<16xf32>,
        %add3A_673 = arith.addf %add3A_665, %get3A_672 : vector<16xf32>
        %add3A_674 = arith.constant 9 : i32
        %add3A_675 = arith.addi %mul3A_442, %add3A_674 : i32
        %get3A_676 = arith.constant 1 : i32
        %get3A_677 = arith.index_cast %get3A_676 : i32 to index
        %get3A_678 = arith.index_cast %add3A_675 : i32 to index
        %get3A_679 = arith.constant 32 : index
        %get3A_680 = tpu.vector_load %arg13[%get3A_677, %get3A_678, %get3A_679] {strides = array<i32>} : memref<2x320x128xf32, #tpu.memory_space<vmem>>, vector<16xf32>,
        %add3A_681 = arith.addf %add3A_673, %get3A_680 : vector<16xf32>
        %swap3A_682 = arith.constant 1 : i32
        %swap3A_683 = arith.index_cast %swap3A_682 : i32 to index
        %swap3A_684 = arith.index_cast %scan3A_439 : i32 to index
        %swap3A_685 = arith.constant 32 : index
        %swap3A_686 = tpu.vector_load %arg14[%swap3A_683, %swap3A_684, %swap3A_685] {strides = array<i32>} : memref<2x32x128xf32, #tpu.memory_space<vmem>>, vector<16xf32>,
        tpu.vector_store %arg14[%swap3A_683, %swap3A_684, %swap3A_685], %add3A_681 {strides = array<i32>} : memref<2x32x128xf32, #tpu.memory_space<vmem>>, vector<16xf32>,
        %get3A_687 = arith.constant 1 : i32
        %get3A_688 = arith.index_cast %get3A_687 : i32 to index
        %get3A_689 = arith.index_cast %mul3A_442 : i32 to index
        %get3A_690 = arith.constant 48 : index
        %get3A_691 = tpu.vector_load %arg13[%get3A_688, %get3A_689, %get3A_690] {strides = array<i32>} : memref<2x320x128xf32, #tpu.memory_space<vmem>>, vector<16xf32>,
        %add3A_692 = arith.constant 1 : i32
        %add3A_693 = arith.addi %mul3A_442, %add3A_692 : i32
        %get3A_694 = arith.constant 1 : i32
        %get3A_695 = arith.index_cast %get3A_694 : i32 to index
        %get3A_696 = arith.index_cast %add3A_693 : i32 to index
        %get3A_697 = arith.constant 48 : index
        %get3A_698 = tpu.vector_load %arg13[%get3A_695, %get3A_696, %get3A_697] {strides = array<i32>} : memref<2x320x128xf32, #tpu.memory_space<vmem>>, vector<16xf32>,
        %add3A_699 = arith.addf %get3A_691, %get3A_698 : vector<16xf32>
        %add3A_700 = arith.constant 2 : i32
        %add3A_701 = arith.addi %mul3A_442, %add3A_700 : i32
        %get3A_702 = arith.constant 1 : i32
        %get3A_703 = arith.index_cast %get3A_702 : i32 to index
        %get3A_704 = arith.index_cast %add3A_701 : i32 to index
        %get3A_705 = arith.constant 48 : index
        %get3A_706 = tpu.vector_load %arg13[%get3A_703, %get3A_704, %get3A_705] {strides = array<i32>} : memref<2x320x128xf32, #tpu.memory_space<vmem>>, vector<16xf32>,
        %add3A_707 = arith.addf %add3A_699, %get3A_706 : vector<16xf32>
        %add3A_708 = arith.constant 3 : i32
        %add3A_709 = arith.addi %mul3A_442, %add3A_708 : i32
        %get3A_710 = arith.constant 1 : i32
        %get3A_711 = arith.index_cast %get3A_710 : i32 to index
        %get3A_712 = arith.index_cast %add3A_709 : i32 to index
        %get3A_713 = arith.constant 48 : index
        %get3A_714 = tpu.vector_load %arg13[%get3A_711, %get3A_712, %get3A_713] {strides = array<i32>} : memref<2x320x128xf32, #tpu.memory_space<vmem>>, vector<16xf32>,
        %add3A_715 = arith.addf %add3A_707, %get3A_714 : vector<16xf32>
        %add3A_716 = arith.constant 4 : i32
        %add3A_717 = arith.addi %mul3A_442, %add3A_716 : i32
        %get3A_718 = arith.constant 1 : i32
        %get3A_719 = arith.index_cast %get3A_718 : i32 to index
        %get3A_720 = arith.index_cast %add3A_717 : i32 to index
        %get3A_721 = arith.constant 48 : index
        %get3A_722 = tpu.vector_load %arg13[%get3A_719, %get3A_720, %get3A_721] {strides = array<i32>} : memref<2x320x128xf32, #tpu.memory_space<vmem>>, vector<16xf32>,
        %add3A_723 = arith.addf %add3A_715, %get3A_722 : vector<16xf32>
        %add3A_724 = arith.constant 5 : i32
        %add3A_725 = arith.addi %mul3A_442, %add3A_724 : i32
        %get3A_726 = arith.constant 1 : i32
        %get3A_727 = arith.index_cast %get3A_726 : i32 to index
        %get3A_728 = arith.index_cast %add3A_725 : i32 to index
        %get3A_729 = arith.constant 48 : index
        %get3A_730 = tpu.vector_load %arg13[%get3A_727, %get3A_728, %get3A_729] {strides = array<i32>} : memref<2x320x128xf32, #tpu.memory_space<vmem>>, vector<16xf32>,
        %add3A_731 = arith.addf %add3A_723, %get3A_730 : vector<16xf32>
        %add3A_732 = arith.constant 6 : i32
        %add3A_733 = arith.addi %mul3A_442, %add3A_732 : i32
        %get3A_734 = arith.constant 1 : i32
        %get3A_735 = arith.index_cast %get3A_734 : i32 to index
        %get3A_736 = arith.index_cast %add3A_733 : i32 to index
        %get3A_737 = arith.constant 48 : index
        %get3A_738 = tpu.vector_load %arg13[%get3A_735, %get3A_736, %get3A_737] {strides = array<i32>} : memref<2x320x128xf32, #tpu.memory_space<vmem>>, vector<16xf32>,
        %add3A_739 = arith.addf %add3A_731, %get3A_738 : vector<16xf32>
        %add3A_740 = arith.constant 7 : i32
        %add3A_741 = arith.addi %mul3A_442, %add3A_740 : i32
        %get3A_742 = arith.constant 1 : i32
        %get3A_743 = arith.index_cast %get3A_742 : i32 to index
        %get3A_744 = arith.index_cast %add3A_741 : i32 to index
        %get3A_745 = arith.constant 48 : index
        %get3A_746 = tpu.vector_load %arg13[%get3A_743, %get3A_744, %get3A_745] {strides = array<i32>} : memref<2x320x128xf32, #tpu.memory_space<vmem>>, vector<16xf32>,
        %add3A_747 = arith.addf %add3A_739, %get3A_746 : vector<16xf32>
        %add3A_748 = arith.constant 8 : i32
        %add3A_749 = arith.addi %mul3A_442, %add3A_748 : i32
        %get3A_750 = arith.constant 1 : i32
        %get3A_751 = arith.index_cast %get3A_750 : i32 to index
        %get3A_752 = arith.index_cast %add3A_749 : i32 to index
        %get3A_753 = arith.constant 48 : index
        %get3A_754 = tpu.vector_load %arg13[%get3A_751, %get3A_752, %get3A_753] {strides = array<i32>} : memref<2x320x128xf32, #tpu.memory_space<vmem>>, vector<16xf32>,
        %add3A_755 = arith.addf %add3A_747, %get3A_754 : vector<16xf32>
        %add3A_756 = arith.constant 9 : i32
        %add3A_757 = arith.addi %mul3A_442, %add3A_756 : i32
        %get3A_758 = arith.constant 1 : i32
        %get3A_759 = arith.index_cast %get3A_758 : i32 to index
        %get3A_760 = arith.index_cast %add3A_757 : i32 to index
        %get3A_761 = arith.constant 48 : index
        %get3A_762 = tpu.vector_load %arg13[%get3A_759, %get3A_760, %get3A_761] {strides = array<i32>} : memref<2x320x128xf32, #tpu.memory_space<vmem>>, vector<16xf32>,
        %add3A_763 = arith.addf %add3A_755, %get3A_762 : vector<16xf32>
        %swap3A_764 = arith.constant 1 : i32
        %swap3A_765 = arith.index_cast %swap3A_764 : i32 to index
        %swap3A_766 = arith.index_cast %scan3A_439 : i32 to index
        %swap3A_767 = arith.constant 48 : index
        %swap3A_768 = tpu.vector_load %arg14[%swap3A_765, %swap3A_766, %swap3A_767] {strides = array<i32>} : memref<2x32x128xf32, #tpu.memory_space<vmem>>, vector<16xf32>,
        tpu.vector_store %arg14[%swap3A_765, %swap3A_766, %swap3A_767], %add3A_763 {strides = array<i32>} : memref<2x32x128xf32, #tpu.memory_space<vmem>>, vector<16xf32>,
        %get3A_769 = arith.constant 1 : i32
        %get3A_770 = arith.index_cast %get3A_769 : i32 to index
        %get3A_771 = arith.index_cast %mul3A_442 : i32 to index
        %get3A_772 = arith.constant 64 : index
        %get3A_773 = tpu.vector_load %arg13[%get3A_770, %get3A_771, %get3A_772] {strides = array<i32>} : memref<2x320x128xf32, #tpu.memory_space<vmem>>, vector<16xf32>,
        %add3A_774 = arith.constant 1 : i32
        %add3A_775 = arith.addi %mul3A_442, %add3A_774 : i32
        %get3A_776 = arith.constant 1 : i32
        %get3A_777 = arith.index_cast %get3A_776 : i32 to index
        %get3A_778 = arith.index_cast %add3A_775 : i32 to index
        %get3A_779 = arith.constant 64 : index
        %get3A_780 = tpu.vector_load %arg13[%get3A_777, %get3A_778, %get3A_779] {strides = array<i32>} : memref<2x320x128xf32, #tpu.memory_space<vmem>>, vector<16xf32>,
        %add3A_781 = arith.addf %get3A_773, %get3A_780 : vector<16xf32>
        %add3A_782 = arith.constant 2 : i32
        %add3A_783 = arith.addi %mul3A_442, %add3A_782 : i32
        %get3A_784 = arith.constant 1 : i32
        %get3A_785 = arith.index_cast %get3A_784 : i32 to index
        %get3A_786 = arith.index_cast %add3A_783 : i32 to index
        %get3A_787 = arith.constant 64 : index
        %get3A_788 = tpu.vector_load %arg13[%get3A_785, %get3A_786, %get3A_787] {strides = array<i32>} : memref<2x320x128xf32, #tpu.memory_space<vmem>>, vector<16xf32>,
        %add3A_789 = arith.addf %add3A_781, %get3A_788 : vector<16xf32>
        %add3A_790 = arith.constant 3 : i32
        %add3A_791 = arith.addi %mul3A_442, %add3A_790 : i32
        %get3A_792 = arith.constant 1 : i32
        %get3A_793 = arith.index_cast %get3A_792 : i32 to index
        %get3A_794 = arith.index_cast %add3A_791 : i32 to index
        %get3A_795 = arith.constant 64 : index
        %get3A_796 = tpu.vector_load %arg13[%get3A_793, %get3A_794, %get3A_795] {strides = array<i32>} : memref<2x320x128xf32, #tpu.memory_space<vmem>>, vector<16xf32>,
        %add3A_797 = arith.addf %add3A_789, %get3A_796 : vector<16xf32>
        %add3A_798 = arith.constant 4 : i32
        %add3A_799 = arith.addi %mul3A_442, %add3A_798 : i32
        %get3A_800 = arith.constant 1 : i32
        %get3A_801 = arith.index_cast %get3A_800 : i32 to index
        %get3A_802 = arith.index_cast %add3A_799 : i32 to index
        %get3A_803 = arith.constant 64 : index
        %get3A_804 = tpu.vector_load %arg13[%get3A_801, %get3A_802, %get3A_803] {strides = array<i32>} : memref<2x320x128xf32, #tpu.memory_space<vmem>>, vector<16xf32>,
        %add3A_805 = arith.addf %add3A_797, %get3A_804 : vector<16xf32>
        %add3A_806 = arith.constant 5 : i32
        %add3A_807 = arith.addi %mul3A_442, %add3A_806 : i32
        %get3A_808 = arith.constant 1 : i32
        %get3A_809 = arith.index_cast %get3A_808 : i32 to index
        %get3A_810 = arith.index_cast %add3A_807 : i32 to index
        %get3A_811 = arith.constant 64 : index
        %get3A_812 = tpu.vector_load %arg13[%get3A_809, %get3A_810, %get3A_811] {strides = array<i32>} : memref<2x320x128xf32, #tpu.memory_space<vmem>>, vector<16xf32>,
        %add3A_813 = arith.addf %add3A_805, %get3A_812 : vector<16xf32>
        %add3A_814 = arith.constant 6 : i32
        %add3A_815 = arith.addi %mul3A_442, %add3A_814 : i32
        %get3A_816 = arith.constant 1 : i32
        %get3A_817 = arith.index_cast %get3A_816 : i32 to index
        %get3A_818 = arith.index_cast %add3A_815 : i32 to index
        %get3A_819 = arith.constant 64 : index
        %get3A_820 = tpu.vector_load %arg13[%get3A_817, %get3A_818, %get3A_819] {strides = array<i32>} : memref<2x320x128xf32, #tpu.memory_space<vmem>>, vector<16xf32>,
        %add3A_821 = arith.addf %add3A_813, %get3A_820 : vector<16xf32>
        %add3A_822 = arith.constant 7 : i32
        %add3A_823 = arith.addi %mul3A_442, %add3A_822 : i32
        %get3A_824 = arith.constant 1 : i32
        %get3A_825 = arith.index_cast %get3A_824 : i32 to index
        %get3A_826 = arith.index_cast %add3A_823 : i32 to index
        %get3A_827 = arith.constant 64 : index
        %get3A_828 = tpu.vector_load %arg13[%get3A_825, %get3A_826, %get3A_827] {strides = array<i32>} : memref<2x320x128xf32, #tpu.memory_space<vmem>>, vector<16xf32>,
        %add3A_829 = arith.addf %add3A_821, %get3A_828 : vector<16xf32>
        %add3A_830 = arith.constant 8 : i32
        %add3A_831 = arith.addi %mul3A_442, %add3A_830 : i32
        %get3A_832 = arith.constant 1 : i32
        %get3A_833 = arith.index_cast %get3A_832 : i32 to index
        %get3A_834 = arith.index_cast %add3A_831 : i32 to index
        %get3A_835 = arith.constant 64 : index
        %get3A_836 = tpu.vector_load %arg13[%get3A_833, %get3A_834, %get3A_835] {strides = array<i32>} : memref<2x320x128xf32, #tpu.memory_space<vmem>>, vector<16xf32>,
        %add3A_837 = arith.addf %add3A_829, %get3A_836 : vector<16xf32>
        %add3A_838 = arith.constant 9 : i32
        %add3A_839 = arith.addi %mul3A_442, %add3A_838 : i32
        %get3A_840 = arith.constant 1 : i32
        %get3A_841 = arith.index_cast %get3A_840 : i32 to index
        %get3A_842 = arith.index_cast %add3A_839 : i32 to index
        %get3A_843 = arith.constant 64 : index
        %get3A_844 = tpu.vector_load %arg13[%get3A_841, %get3A_842, %get3A_843] {strides = array<i32>} : memref<2x320x128xf32, #tpu.memory_space<vmem>>, vector<16xf32>,
        %add3A_845 = arith.addf %add3A_837, %get3A_844 : vector<16xf32>
        %swap3A_846 = arith.constant 1 : i32
        %swap3A_847 = arith.index_cast %swap3A_846 : i32 to index
        %swap3A_848 = arith.index_cast %scan3A_439 : i32 to index
        %swap3A_849 = arith.constant 64 : index
        %swap3A_850 = tpu.vector_load %arg14[%swap3A_847, %swap3A_848, %swap3A_849] {strides = array<i32>} : memref<2x32x128xf32, #tpu.memory_space<vmem>>, vector<16xf32>,
        tpu.vector_store %arg14[%swap3A_847, %swap3A_848, %swap3A_849], %add3A_845 {strides = array<i32>} : memref<2x32x128xf32, #tpu.memory_space<vmem>>, vector<16xf32>,
        %get3A_851 = arith.constant 1 : i32
        %get3A_852 = arith.index_cast %get3A_851 : i32 to index
        %get3A_853 = arith.index_cast %mul3A_442 : i32 to index
        %get3A_854 = arith.constant 80 : index
        %get3A_855 = tpu.vector_load %arg13[%get3A_852, %get3A_853, %get3A_854] {strides = array<i32>} : memref<2x320x128xf32, #tpu.memory_space<vmem>>, vector<16xf32>,
        %add3A_856 = arith.constant 1 : i32
        %add3A_857 = arith.addi %mul3A_442, %add3A_856 : i32
        %get3A_858 = arith.constant 1 : i32
        %get3A_859 = arith.index_cast %get3A_858 : i32 to index
        %get3A_860 = arith.index_cast %add3A_857 : i32 to index
        %get3A_861 = arith.constant 80 : index
        %get3A_862 = tpu.vector_load %arg13[%get3A_859, %get3A_860, %get3A_861] {strides = array<i32>} : memref<2x320x128xf32, #tpu.memory_space<vmem>>, vector<16xf32>,
        %add3A_863 = arith.addf %get3A_855, %get3A_862 : vector<16xf32>
        %add3A_864 = arith.constant 2 : i32
        %add3A_865 = arith.addi %mul3A_442, %add3A_864 : i32
        %get3A_866 = arith.constant 1 : i32
        %get3A_867 = arith.index_cast %get3A_866 : i32 to index
        %get3A_868 = arith.index_cast %add3A_865 : i32 to index
        %get3A_869 = arith.constant 80 : index
        %get3A_870 = tpu.vector_load %arg13[%get3A_867, %get3A_868, %get3A_869] {strides = array<i32>} : memref<2x320x128xf32, #tpu.memory_space<vmem>>, vector<16xf32>,
        %add3A_871 = arith.addf %add3A_863, %get3A_870 : vector<16xf32>
        %add3A_872 = arith.constant 3 : i32
        %add3A_873 = arith.addi %mul3A_442, %add3A_872 : i32
        %get3A_874 = arith.constant 1 : i32
        %get3A_875 = arith.index_cast %get3A_874 : i32 to index
        %get3A_876 = arith.index_cast %add3A_873 : i32 to index
        %get3A_877 = arith.constant 80 : index
        %get3A_878 = tpu.vector_load %arg13[%get3A_875, %get3A_876, %get3A_877] {strides = array<i32>} : memref<2x320x128xf32, #tpu.memory_space<vmem>>, vector<16xf32>,
        %add3A_879 = arith.addf %add3A_871, %get3A_878 : vector<16xf32>
        %add3A_880 = arith.constant 4 : i32
        %add3A_881 = arith.addi %mul3A_442, %add3A_880 : i32
        %get3A_882 = arith.constant 1 : i32
        %get3A_883 = arith.index_cast %get3A_882 : i32 to index
        %get3A_884 = arith.index_cast %add3A_881 : i32 to index
        %get3A_885 = arith.constant 80 : index
        %get3A_886 = tpu.vector_load %arg13[%get3A_883, %get3A_884, %get3A_885] {strides = array<i32>} : memref<2x320x128xf32, #tpu.memory_space<vmem>>, vector<16xf32>,
        %add3A_887 = arith.addf %add3A_879, %get3A_886 : vector<16xf32>
        %add3A_888 = arith.constant 5 : i32
        %add3A_889 = arith.addi %mul3A_442, %add3A_888 : i32
        %get3A_890 = arith.constant 1 : i32
        %get3A_891 = arith.index_cast %get3A_890 : i32 to index
        %get3A_892 = arith.index_cast %add3A_889 : i32 to index
        %get3A_893 = arith.constant 80 : index
        %get3A_894 = tpu.vector_load %arg13[%get3A_891, %get3A_892, %get3A_893] {strides = array<i32>} : memref<2x320x128xf32, #tpu.memory_space<vmem>>, vector<16xf32>,
        %add3A_895 = arith.addf %add3A_887, %get3A_894 : vector<16xf32>
        %add3A_896 = arith.constant 6 : i32
        %add3A_897 = arith.addi %mul3A_442, %add3A_896 : i32
        %get3A_898 = arith.constant 1 : i32
        %get3A_899 = arith.index_cast %get3A_898 : i32 to index
        %get3A_900 = arith.index_cast %add3A_897 : i32 to index
        %get3A_901 = arith.constant 80 : index
        %get3A_902 = tpu.vector_load %arg13[%get3A_899, %get3A_900, %get3A_901] {strides = array<i32>} : memref<2x320x128xf32, #tpu.memory_space<vmem>>, vector<16xf32>,
        %add3A_903 = arith.addf %add3A_895, %get3A_902 : vector<16xf32>
        %add3A_904 = arith.constant 7 : i32
        %add3A_905 = arith.addi %mul3A_442, %add3A_904 : i32
        %get3A_906 = arith.constant 1 : i32
        %get3A_907 = arith.index_cast %get3A_906 : i32 to index
        %get3A_908 = arith.index_cast %add3A_905 : i32 to index
        %get3A_909 = arith.constant 80 : index
        %get3A_910 = tpu.vector_load %arg13[%get3A_907, %get3A_908, %get3A_909] {strides = array<i32>} : memref<2x320x128xf32, #tpu.memory_space<vmem>>, vector<16xf32>,
        %add3A_911 = arith.addf %add3A_903, %get3A_910 : vector<16xf32>
        %add3A_912 = arith.constant 8 : i32
        %add3A_913 = arith.addi %mul3A_442, %add3A_912 : i32
        %get3A_914 = arith.constant 1 : i32
        %get3A_915 = arith.index_cast %get3A_914 : i32 to index
        %get3A_916 = arith.index_cast %add3A_913 : i32 to index
        %get3A_917 = arith.constant 80 : index
        %get3A_918 = tpu.vector_load %arg13[%get3A_915, %get3A_916, %get3A_917] {strides = array<i32>} : memref<2x320x128xf32, #tpu.memory_space<vmem>>, vector<16xf32>,
        %add3A_919 = arith.addf %add3A_911, %get3A_918 : vector<16xf32>
        %add3A_920 = arith.constant 9 : i32
        %add3A_921 = arith.addi %mul3A_442, %add3A_920 : i32
        %get3A_922 = arith.constant 1 : i32
        %get3A_923 = arith.index_cast %get3A_922 : i32 to index
        %get3A_924 = arith.index_cast %add3A_921 : i32 to index
        %get3A_925 = arith.constant 80 : index
        %get3A_926 = tpu.vector_load %arg13[%get3A_923, %get3A_924, %get3A_925] {strides = array<i32>} : memref<2x320x128xf32, #tpu.memory_space<vmem>>, vector<16xf32>,
        %add3A_927 = arith.addf %add3A_919, %get3A_926 : vector<16xf32>
        %swap3A_928 = arith.constant 1 : i32
        %swap3A_929 = arith.index_cast %swap3A_928 : i32 to index
        %swap3A_930 = arith.index_cast %scan3A_439 : i32 to index
        %swap3A_931 = arith.constant 80 : index
        %swap3A_932 = tpu.vector_load %arg14[%swap3A_929, %swap3A_930, %swap3A_931] {strides = array<i32>} : memref<2x32x128xf32, #tpu.memory_space<vmem>>, vector<16xf32>,
        tpu.vector_store %arg14[%swap3A_929, %swap3A_930, %swap3A_931], %add3A_927 {strides = array<i32>} : memref<2x32x128xf32, #tpu.memory_space<vmem>>, vector<16xf32>,
        %get3A_933 = arith.constant 1 : i32
        %get3A_934 = arith.index_cast %get3A_933 : i32 to index
        %get3A_935 = arith.index_cast %mul3A_442 : i32 to index
        %get3A_936 = arith.constant 96 : index
        %get3A_937 = tpu.vector_load %arg13[%get3A_934, %get3A_935, %get3A_936] {strides = array<i32>} : memref<2x320x128xf32, #tpu.memory_space<vmem>>, vector<16xf32>,
        %add3A_938 = arith.constant 1 : i32
        %add3A_939 = arith.addi %mul3A_442, %add3A_938 : i32
        %get3A_940 = arith.constant 1 : i32
        %get3A_941 = arith.index_cast %get3A_940 : i32 to index
        %get3A_942 = arith.index_cast %add3A_939 : i32 to index
        %get3A_943 = arith.constant 96 : index
        %get3A_944 = tpu.vector_load %arg13[%get3A_941, %get3A_942, %get3A_943] {strides = array<i32>} : memref<2x320x128xf32, #tpu.memory_space<vmem>>, vector<16xf32>,
        %add3A_945 = arith.addf %get3A_937, %get3A_944 : vector<16xf32>
        %add3A_946 = arith.constant 2 : i32
        %add3A_947 = arith.addi %mul3A_442, %add3A_946 : i32
        %get3A_948 = arith.constant 1 : i32
        %get3A_949 = arith.index_cast %get3A_948 : i32 to index
        %get3A_950 = arith.index_cast %add3A_947 : i32 to index
        %get3A_951 = arith.constant 96 : index
        %get3A_952 = tpu.vector_load %arg13[%get3A_949, %get3A_950, %get3A_951] {strides = array<i32>} : memref<2x320x128xf32, #tpu.memory_space<vmem>>, vector<16xf32>,
        %add3A_953 = arith.addf %add3A_945, %get3A_952 : vector<16xf32>
        %add3A_954 = arith.constant 3 : i32
        %add3A_955 = arith.addi %mul3A_442, %add3A_954 : i32
        %get3A_956 = arith.constant 1 : i32
        %get3A_957 = arith.index_cast %get3A_956 : i32 to index
        %get3A_958 = arith.index_cast %add3A_955 : i32 to index
        %get3A_959 = arith.constant 96 : index
        %get3A_960 = tpu.vector_load %arg13[%get3A_957, %get3A_958, %get3A_959] {strides = array<i32>} : memref<2x320x128xf32, #tpu.memory_space<vmem>>, vector<16xf32>,
        %add3A_961 = arith.addf %add3A_953, %get3A_960 : vector<16xf32>
        %add3A_962 = arith.constant 4 : i32
        %add3A_963 = arith.addi %mul3A_442, %add3A_962 : i32
        %get3A_964 = arith.constant 1 : i32
        %get3A_965 = arith.index_cast %get3A_964 : i32 to index
        %get3A_966 = arith.index_cast %add3A_963 : i32 to index
        %get3A_967 = arith.constant 96 : index
        %get3A_968 = tpu.vector_load %arg13[%get3A_965, %get3A_966, %get3A_967] {strides = array<i32>} : memref<2x320x128xf32, #tpu.memory_space<vmem>>, vector<16xf32>,
        %add3A_969 = arith.addf %add3A_961, %get3A_968 : vector<16xf32>
        %add3A_970 = arith.constant 5 : i32
        %add3A_971 = arith.addi %mul3A_442, %add3A_970 : i32
        %get3A_972 = arith.constant 1 : i32
        %get3A_973 = arith.index_cast %get3A_972 : i32 to index
        %get3A_974 = arith.index_cast %add3A_971 : i32 to index
        %get3A_975 = arith.constant 96 : index
        %get3A_976 = tpu.vector_load %arg13[%get3A_973, %get3A_974, %get3A_975] {strides = array<i32>} : memref<2x320x128xf32, #tpu.memory_space<vmem>>, vector<16xf32>,
        %add3A_977 = arith.addf %add3A_969, %get3A_976 : vector<16xf32>
        %add3A_978 = arith.constant 6 : i32
        %add3A_979 = arith.addi %mul3A_442, %add3A_978 : i32
        %get3A_980 = arith.constant 1 : i32
        %get3A_981 = arith.index_cast %get3A_980 : i32 to index
        %get3A_982 = arith.index_cast %add3A_979 : i32 to index
        %get3A_983 = arith.constant 96 : index
        %get3A_984 = tpu.vector_load %arg13[%get3A_981, %get3A_982, %get3A_983] {strides = array<i32>} : memref<2x320x128xf32, #tpu.memory_space<vmem>>, vector<16xf32>,
        %add3A_985 = arith.addf %add3A_977, %get3A_984 : vector<16xf32>
        %add3A_986 = arith.constant 7 : i32
        %add3A_987 = arith.addi %mul3A_442, %add3A_986 : i32
        %get3A_988 = arith.constant 1 : i32
        %get3A_989 = arith.index_cast %get3A_988 : i32 to index
        %get3A_990 = arith.index_cast %add3A_987 : i32 to index
        %get3A_991 = arith.constant 96 : index
        %get3A_992 = tpu.vector_load %arg13[%get3A_989, %get3A_990, %get3A_991] {strides = array<i32>} : memref<2x320x128xf32, #tpu.memory_space<vmem>>, vector<16xf32>,
        %add3A_993 = arith.addf %add3A_985, %get3A_992 : vector<16xf32>
        %add3A_994 = arith.constant 8 : i32
        %add3A_995 = arith.addi %mul3A_442, %add3A_994 : i32
        %get3A_996 = arith.constant 1 : i32
        %get3A_997 = arith.index_cast %get3A_996 : i32 to index
        %get3A_998 = arith.index_cast %add3A_995 : i32 to index
        %get3A_999 = arith.constant 96 : index
        %get3A_1000 = tpu.vector_load %arg13[%get3A_997, %get3A_998, %get3A_999] {strides = array<i32>} : memref<2x320x128xf32, #tpu.memory_space<vmem>>, vector<16xf32>,
        %add3A_1001 = arith.addf %add3A_993, %get3A_1000 : vector<16xf32>
        %add3A_1002 = arith.constant 9 : i32
        %add3A_1003 = arith.addi %mul3A_442, %add3A_1002 : i32
        %get3A_1004 = arith.constant 1 : i32
        %get3A_1005 = arith.index_cast %get3A_1004 : i32 to index
        %get3A_1006 = arith.index_cast %add3A_1003 : i32 to index
        %get3A_1007 = arith.constant 96 : index
        %get3A_1008 = tpu.vector_load %arg13[%get3A_1005, %get3A_1006, %get3A_1007] {strides = array<i32>} : memref<2x320x128xf32, #tpu.memory_space<vmem>>, vector<16xf32>,
        %add3A_1009 = arith.addf %add3A_1001, %get3A_1008 : vector<16xf32>
        %swap3A_1010 = arith.constant 1 : i32
        %swap3A_1011 = arith.index_cast %swap3A_1010 : i32 to index
        %swap3A_1012 = arith.index_cast %scan3A_439 : i32 to index
        %swap3A_1013 = arith.constant 96 : index
        %swap3A_1014 = tpu.vector_load %arg14[%swap3A_1011, %swap3A_1012, %swap3A_1013] {strides = array<i32>} : memref<2x32x128xf32, #tpu.memory_space<vmem>>, vector<16xf32>,
        tpu.vector_store %arg14[%swap3A_1011, %swap3A_1012, %swap3A_1013], %add3A_1009 {strides = array<i32>} : memref<2x32x128xf32, #tpu.memory_space<vmem>>, vector<16xf32>,
        %get3A_1015 = arith.constant 1 : i32
        %get3A_1016 = arith.index_cast %get3A_1015 : i32 to index
        %get3A_1017 = arith.index_cast %mul3A_442 : i32 to index
        %get3A_1018 = arith.constant 112 : index
        %get3A_1019 = tpu.vector_load %arg13[%get3A_1016, %get3A_1017, %get3A_1018] {strides = array<i32>} : memref<2x320x128xf32, #tpu.memory_space<vmem>>, vector<16xf32>,
        %add3A_1020 = arith.constant 1 : i32
        %add3A_1021 = arith.addi %mul3A_442, %add3A_1020 : i32
        %get3A_1022 = arith.constant 1 : i32
        %get3A_1023 = arith.index_cast %get3A_1022 : i32 to index
        %get3A_1024 = arith.index_cast %add3A_1021 : i32 to index
        %get3A_1025 = arith.constant 112 : index
        %get3A_1026 = tpu.vector_load %arg13[%get3A_1023, %get3A_1024, %get3A_1025] {strides = array<i32>} : memref<2x320x128xf32, #tpu.memory_space<vmem>>, vector<16xf32>,
        %add3A_1027 = arith.addf %get3A_1019, %get3A_1026 : vector<16xf32>
        %add3A_1028 = arith.constant 2 : i32
        %add3A_1029 = arith.addi %mul3A_442, %add3A_1028 : i32
        %get3A_1030 = arith.constant 1 : i32
        %get3A_1031 = arith.index_cast %get3A_1030 : i32 to index
        %get3A_1032 = arith.index_cast %add3A_1029 : i32 to index
        %get3A_1033 = arith.constant 112 : index
        %get3A_1034 = tpu.vector_load %arg13[%get3A_1031, %get3A_1032, %get3A_1033] {strides = array<i32>} : memref<2x320x128xf32, #tpu.memory_space<vmem>>, vector<16xf32>,
        %add3A_1035 = arith.addf %add3A_1027, %get3A_1034 : vector<16xf32>
        %add3A_1036 = arith.constant 3 : i32
        %add3A_1037 = arith.addi %mul3A_442, %add3A_1036 : i32
        %get3A_1038 = arith.constant 1 : i32
        %get3A_1039 = arith.index_cast %get3A_1038 : i32 to index
        %get3A_1040 = arith.index_cast %add3A_1037 : i32 to index
        %get3A_1041 = arith.constant 112 : index
        %get3A_1042 = tpu.vector_load %arg13[%get3A_1039, %get3A_1040, %get3A_1041] {strides = array<i32>} : memref<2x320x128xf32, #tpu.memory_space<vmem>>, vector<16xf32>,
        %add3A_1043 = arith.addf %add3A_1035, %get3A_1042 : vector<16xf32>
        %add3A_1044 = arith.constant 4 : i32
        %add3A_1045 = arith.addi %mul3A_442, %add3A_1044 : i32
        %get3A_1046 = arith.constant 1 : i32
        %get3A_1047 = arith.index_cast %get3A_1046 : i32 to index
        %get3A_1048 = arith.index_cast %add3A_1045 : i32 to index
        %get3A_1049 = arith.constant 112 : index
        %get3A_1050 = tpu.vector_load %arg13[%get3A_1047, %get3A_1048, %get3A_1049] {strides = array<i32>} : memref<2x320x128xf32, #tpu.memory_space<vmem>>, vector<16xf32>,
        %add3A_1051 = arith.addf %add3A_1043, %get3A_1050 : vector<16xf32>
        %add3A_1052 = arith.constant 5 : i32
        %add3A_1053 = arith.addi %mul3A_442, %add3A_1052 : i32
        %get3A_1054 = arith.constant 1 : i32
        %get3A_1055 = arith.index_cast %get3A_1054 : i32 to index
        %get3A_1056 = arith.index_cast %add3A_1053 : i32 to index
        %get3A_1057 = arith.constant 112 : index
        %get3A_1058 = tpu.vector_load %arg13[%get3A_1055, %get3A_1056, %get3A_1057] {strides = array<i32>} : memref<2x320x128xf32, #tpu.memory_space<vmem>>, vector<16xf32>,
        %add3A_1059 = arith.addf %add3A_1051, %get3A_1058 : vector<16xf32>
        %add3A_1060 = arith.constant 6 : i32
        %add3A_1061 = arith.addi %mul3A_442, %add3A_1060 : i32
        %get3A_1062 = arith.constant 1 : i32
        %get3A_1063 = arith.index_cast %get3A_1062 : i32 to index
        %get3A_1064 = arith.index_cast %add3A_1061 : i32 to index
        %get3A_1065 = arith.constant 112 : index
        %get3A_1066 = tpu.vector_load %arg13[%get3A_1063, %get3A_1064, %get3A_1065] {strides = array<i32>} : memref<2x320x128xf32, #tpu.memory_space<vmem>>, vector<16xf32>,
        %add3A_1067 = arith.addf %add3A_1059, %get3A_1066 : vector<16xf32>
        %add3A_1068 = arith.constant 7 : i32
        %add3A_1069 = arith.addi %mul3A_442, %add3A_1068 : i32
        %get3A_1070 = arith.constant 1 : i32
        %get3A_1071 = arith.index_cast %get3A_1070 : i32 to index
        %get3A_1072 = arith.index_cast %add3A_1069 : i32 to index
        %get3A_1073 = arith.constant 112 : index
        %get3A_1074 = tpu.vector_load %arg13[%get3A_1071, %get3A_1072, %get3A_1073] {strides = array<i32>} : memref<2x320x128xf32, #tpu.memory_space<vmem>>, vector<16xf32>,
        %add3A_1075 = arith.addf %add3A_1067, %get3A_1074 : vector<16xf32>
        %add3A_1076 = arith.constant 8 : i32
        %add3A_1077 = arith.addi %mul3A_442, %add3A_1076 : i32
        %get3A_1078 = arith.constant 1 : i32
        %get3A_1079 = arith.index_cast %get3A_1078 : i32 to index
        %get3A_1080 = arith.index_cast %add3A_1077 : i32 to index
        %get3A_1081 = arith.constant 112 : index
        %get3A_1082 = tpu.vector_load %arg13[%get3A_1079, %get3A_1080, %get3A_1081] {strides = array<i32>} : memref<2x320x128xf32, #tpu.memory_space<vmem>>, vector<16xf32>,
        %add3A_1083 = arith.addf %add3A_1075, %get3A_1082 : vector<16xf32>
        %add3A_1084 = arith.constant 9 : i32
        %add3A_1085 = arith.addi %mul3A_442, %add3A_1084 : i32
        %get3A_1086 = arith.constant 1 : i32
        %get3A_1087 = arith.index_cast %get3A_1086 : i32 to index
        %get3A_1088 = arith.index_cast %add3A_1085 : i32 to index
        %get3A_1089 = arith.constant 112 : index
        %get3A_1090 = tpu.vector_load %arg13[%get3A_1087, %get3A_1088, %get3A_1089] {strides = array<i32>} : memref<2x320x128xf32, #tpu.memory_space<vmem>>, vector<16xf32>,
        %add3A_1091 = arith.addf %add3A_1083, %get3A_1090 : vector<16xf32>
        %swap3A_1092 = arith.constant 1 : i32
        %swap3A_1093 = arith.index_cast %swap3A_1092 : i32 to index
        %swap3A_1094 = arith.index_cast %scan3A_439 : i32 to index
        %swap3A_1095 = arith.constant 112 : index
        %swap3A_1096 = tpu.vector_load %arg14[%swap3A_1093, %swap3A_1094, %swap3A_1095] {strides = array<i32>} : memref<2x32x128xf32, #tpu.memory_space<vmem>>, vector<16xf32>,
        tpu.vector_store %arg14[%swap3A_1093, %swap3A_1094, %swap3A_1095], %add3A_1091 {strides = array<i32>} : memref<2x32x128xf32, #tpu.memory_space<vmem>>, vector<16xf32>,
        %scan3A_1097 = arith.constant 0 : i32
        scf.yield %scan3A_1097 : i32
      }
      %scan3A_416 = arith.constant 32 : i32
      %mul3A_417 = arith.constant 32 : i32
      %mul3A_418 = arith.muli %add3A_368, %mul3A_417 : i32
      %add3A_419 = arith.addi %mul3A_4, %mul3A_418 : i32
      %dma_start3A_420 = arith.constant 1 : i32
      %dma_start3A_421 = arith.constant 0 : i32
      %dma_start3A_422 = arith.constant 0 : i32
      %dma_start3A_423 = tpu.memref_slice %arg14[%dma_start3A_420, %dma_start3A_421, %dma_start3A_422] : memref<2x32x128xf32, #tpu.memory_space<vmem>> -> memref<1x32x128xf32, #tpu.memory_space<vmem>>
      %dma_start3A_424 = tpu.memref_squeeze %dma_start3A_423 : memref<1x32x128xf32, #tpu.memory_space<vmem>> -> memref<32x128xf32, #tpu.memory_space<vmem>>
      %dma_start3A_425 = arith.constant 0 : i32
      %dma_start3A_426 = tpu.memref_slice %arg7[%add3A_419, %dma_start3A_425] : memref<40960x128xf32, #tpu.memory_space<hbm>> -> memref<32x128xf32, #tpu.memory_space<hbm>>
      %dma_start3A_427 = arith.constant 0 : i32
      %dma_start3A_428 = tpu.memref_slice %arg7[%add3A_419, %dma_start3A_427] : memref<40960x128xf32, #tpu.memory_space<hbm>> -> memref<32x128xf32, #tpu.memory_space<hbm>>
      %dma_start3A_429 = arith.constant 0 : i32
      %dma_start3A_430 = arith.constant 0 : i32
      %dma_start3A_431 = tpu.memref_slice %arg14[%dma_start3A_420, %dma_start3A_429, %dma_start3A_430] : memref<2x32x128xf32, #tpu.memory_space<vmem>> -> memref<1x32x128xf32, #tpu.memory_space<vmem>>
      %dma_start3A_432 = tpu.memref_squeeze %dma_start3A_431 : memref<1x32x128xf32, #tpu.memory_space<vmem>> -> memref<32x128xf32, #tpu.memory_space<vmem>>
      tpu.enqueue_dma source(%dma_start3A_432 : memref<32x128xf32, #tpu.memory_space<vmem>>) target(%dma_start3A_428 : memref<32x128xf32, #tpu.memory_space<hbm>>) target_semaphore(%arg20 : memref<!tpu.dma_semaphore, #tpu.memory_space<semaphore_mem>>)
      %lt3A_433 = arith.constant 19 : i32
      %lt3A_434 = arith.cmpi slt, %scan3A_294, %lt3A_433 : i32
      %convert_element_type3A_435 = arith.extui %lt3A_434 : i1 to i32
      %cond3A_436 = arith.constant 0 : i32
      %cond3A_437 = arith.cmpi ne, %convert_element_type3A_435, %cond3A_436 : i32
      scf.if %cond3A_437 {
        %add3A_439 = arith.constant 2 : i32
        %add3A_440 = arith.addi %add3A_368, %add3A_439 : i32
        %mul3A_441 = arith.constant 32 : i32
        %mul3A_442 = arith.muli %add3A_440, %mul3A_441 : i32
        %scan3A_443 = arith.constant 0 : i32
        %scan3A_444 = arith.constant 0 : i32
        %scan3A_445 = arith.constant 20 : i32
        %scan3A_446 = arith.addi %scan3A_444, %scan3A_445 : i32
        %scan3A_447 = arith.constant 1 : i32
        %scan3A_448 = scf.for %scan3A_486 = %scan3A_444 to %scan3A_446 step %scan3A_447 iter_args(%scan3A_487 = %scan3A_443) -> (i32)  : i32 {
          %mul3A_488 = arith.constant 16 : i32
          %mul3A_489 = arith.muli %scan3A_486, %mul3A_488 : i32
          %multiple_of3A = tpu.assume_multiple %mul3A_489, 16 : i32
          %get3A = arith.index_cast %multiple_of3A : i32 to index
          %get3A_490 = tpu.vector_load %arg15[%get3A] {strides = array<i32>} : memref<1280xi32, #tpu.memory_space<vmem>>, vector<16xi32>,
          %get3A_491 = arith.index_cast %multiple_of3A : i32 to index
          %get3A_492 = tpu.vector_load %arg16[%get3A_491] {strides = array<i32>} : memref<1280xi32, #tpu.memory_space<vmem>>, vector<16xi32>,
          %add3A_493 = vector.broadcast %mul3A_442 : i32 to vector<16xi32>
          %add3A_494 = arith.addi %add3A_493, %get3A_490 : vector<16xi32>
          %gather3A = tpu.vector_load_idx %arg11[%add3A_494, %get3A_492] : memref<1280x16xi32, #tpu.memory_space<vmem>>[vector<16xi32>, vector<16xi32>], vector<16xi32>,
          %swap3A = arith.constant 1 : i32
          %swap3A_495 = arith.index_cast %swap3A : i32 to index
          %swap3A_496 = arith.index_cast %multiple_of3A : i32 to index
          %swap3A_497 = tpu.vector_load %arg12[%swap3A_495, %swap3A_496] {strides = array<i32>} : memref<2x320xi32, #tpu.memory_space<vmem>>, vector<16xi32>,
          tpu.vector_store %arg12[%swap3A_495, %swap3A_496], %gather3A {strides = array<i32>} : memref<2x320xi32, #tpu.memory_space<vmem>>, vector<16xi32>,
          %scan3A_498 = arith.constant 0 : i32
          scf.yield %scan3A_498 : i32
        }
        %scan3A_449 = arith.constant 20 : i32
        %dma_start3A_450 = arith.constant 1 : i32
        %dma_start3A_451 = arith.constant 1 : i32
        %dma_start3A_452 = arith.constant 0 : i32
        %dma_start3A_453 = arith.constant 0 : i32
        %dma_start3A_454 = tpu.memref_slice %arg13[%dma_start3A_451, %dma_start3A_452, %dma_start3A_453] : memref<2x320x128xf32, #tpu.memory_space<vmem>> -> memref<1x128x128xf32, #tpu.memory_space<vmem>>
        %dma_start3A_455 = tpu.memref_squeeze %dma_start3A_454 : memref<1x128x128xf32, #tpu.memory_space<vmem>> -> memref<128x128xf32, #tpu.memory_space<vmem>>
        %dma_start3A_456 = arith.constant 0 : i32
        %dma_start3A_457 = tpu.memref_slice %arg12[%dma_start3A_450, %dma_start3A_456] : memref<2x320xi32, #tpu.memory_space<vmem>> -> memref<1x128xi32, #tpu.memory_space<vmem>>
        %dma_start3A_458 = tpu.memref_squeeze %dma_start3A_457 : memref<1x128xi32, #tpu.memory_space<vmem>> -> memref<128xi32, #tpu.memory_space<vmem>>
        %dma_start3A_459 = arith.constant 0 : i32
        %dma_start3A_460 = arith.constant 0 : i32
        %dma_start3A_461 = tpu.memref_slice %arg2[%dma_start3A_459, %dma_start3A_460] : memref<50000x128xf32, #tpu.memory_space<hbm>> -> memref<50000x128xf32, #tpu.memory_space<hbm>>
        tpu.enqueue_indirect_dma source(%dma_start3A_461 : memref<50000x128xf32, #tpu.memory_space<hbm>>) target(%dma_start3A_455 : memref<128x128xf32, #tpu.memory_space<vmem>>) offsets(%dma_start3A_458 : memref<128xi32, #tpu.memory_space<vmem>>) semaphore(%arg18 : memref<!tpu.dma_semaphore, #tpu.memory_space<semaphore_mem>>)
        %dma_start3A_462 = arith.constant 1 : i32
        %dma_start3A_463 = arith.constant 1 : i32
        %dma_start3A_464 = arith.constant 128 : i32
        %dma_start3A_465 = arith.constant 0 : i32
        %dma_start3A_466 = tpu.memref_slice %arg13[%dma_start3A_463, %dma_start3A_464, %dma_start3A_465] : memref<2x320x128xf32, #tpu.memory_space<vmem>> -> memref<1x128x128xf32, #tpu.memory_space<vmem>>
        %dma_start3A_467 = tpu.memref_squeeze %dma_start3A_466 : memref<1x128x128xf32, #tpu.memory_space<vmem>> -> memref<128x128xf32, #tpu.memory_space<vmem>>
        %dma_start3A_468 = arith.constant 128 : i32
        %dma_start3A_469 = tpu.memref_slice %arg12[%dma_start3A_462, %dma_start3A_468] : memref<2x320xi32, #tpu.memory_space<vmem>> -> memref<1x128xi32, #tpu.memory_space<vmem>>
        %dma_start3A_470 = tpu.memref_squeeze %dma_start3A_469 : memref<1x128xi32, #tpu.memory_space<vmem>> -> memref<128xi32, #tpu.memory_space<vmem>>
        %dma_start3A_471 = arith.constant 0 : i32
        %dma_start3A_472 = arith.constant 0 : i32
        %dma_start3A_473 = tpu.memref_slice %arg2[%dma_start3A_471, %dma_start3A_472] : memref<50000x128xf32, #tpu.memory_space<hbm>> -> memref<50000x128xf32, #tpu.memory_space<hbm>>
        tpu.enqueue_indirect_dma source(%dma_start3A_473 : memref<50000x128xf32, #tpu.memory_space<hbm>>) target(%dma_start3A_467 : memref<128x128xf32, #tpu.memory_space<vmem>>) offsets(%dma_start3A_470 : memref<128xi32, #tpu.memory_space<vmem>>) semaphore(%arg18 : memref<!tpu.dma_semaphore, #tpu.memory_space<semaphore_mem>>)
        %dma_start3A_474 = arith.constant 1 : i32
        %dma_start3A_475 = arith.constant 1 : i32
        %dma_start3A_476 = arith.constant 256 : i32
        %dma_start3A_477 = arith.constant 0 : i32
        %dma_start3A_478 = tpu.memref_slice %arg13[%dma_start3A_475, %dma_start3A_476, %dma_start3A_477] : memref<2x320x128xf32, #tpu.memory_space<vmem>> -> memref<1x64x128xf32, #tpu.memory_space<vmem>>
        %dma_start3A_479 = tpu.memref_squeeze %dma_start3A_478 : memref<1x64x128xf32, #tpu.memory_space<vmem>> -> memref<64x128xf32, #tpu.memory_space<vmem>>
        %dma_start3A_480 = arith.constant 256 : i32
        %dma_start3A_481 = tpu.memref_slice %arg12[%dma_start3A_474, %dma_start3A_480] : memref<2x320xi32, #tpu.memory_space<vmem>> -> memref<1x64xi32, #tpu.memory_space<vmem>>
        %dma_start3A_482 = tpu.memref_squeeze %dma_start3A_481 : memref<1x64xi32, #tpu.memory_space<vmem>> -> memref<64xi32, #tpu.memory_space<vmem>>
        %dma_start3A_483 = arith.constant 0 : i32
        %dma_start3A_484 = arith.constant 0 : i32
        %dma_start3A_485 = tpu.memref_slice %arg2[%dma_start3A_483, %dma_start3A_484] : memref<50000x128xf32, #tpu.memory_space<hbm>> -> memref<50000x128xf32, #tpu.memory_space<hbm>>
        tpu.enqueue_indirect_dma source(%dma_start3A_485 : memref<50000x128xf32, #tpu.memory_space<hbm>>) target(%dma_start3A_479 : memref<64x128xf32, #tpu.memory_space<vmem>>) offsets(%dma_start3A_482 : memref<64xi32, #tpu.memory_space<vmem>>) semaphore(%arg18 : memref<!tpu.dma_semaphore, #tpu.memory_space<semaphore_mem>>)
      } else {
      }
      %scan3A_438 = arith.constant 0 : i32
      scf.yield %scan3A_438 : i32
    }
    %scan3A_267 = arith.constant 20 : i32
    %dma_wait3A_268 = arith.constant 0 : i32
    %dma_wait3A_269 = arith.constant 0 : i32
    %dma_wait3A_270 = arith.constant 0 : i32
    %dma_wait3A_271 = tpu.memref_slice %arg14[%dma_wait3A_268, %dma_wait3A_269, %dma_wait3A_270] : memref<2x32x128xf32, #tpu.memory_space<vmem>> -> memref<1x32x128xf32, #tpu.memory_space<vmem>>
    %dma_wait3A_272 = tpu.memref_squeeze %dma_wait3A_271 : memref<1x32x128xf32, #tpu.memory_space<vmem>> -> memref<32x128xf32, #tpu.memory_space<vmem>>
    %dma_wait3A_273 = arith.constant 0 : i32
    %dma_wait3A_274 = tpu.memref_slice %arg7[%mul3A_4, %dma_wait3A_273] : memref<40960x128xf32, #tpu.memory_space<hbm>> -> memref<32x128xf32, #tpu.memory_space<hbm>>
    %dma_wait3A_275 = arith.constant 0 : i32
    %dma_wait3A_276 = tpu.memref_slice %arg7[%mul3A_4, %dma_wait3A_275] : memref<40960x128xf32, #tpu.memory_space<hbm>> -> memref<32x128xf32, #tpu.memory_space<hbm>>
    %dma_wait3A_277 = arith.constant 0 : i32
    %dma_wait3A_278 = arith.constant 0 : i32
    %dma_wait3A_279 = tpu.memref_slice %arg14[%dma_wait3A_268, %dma_wait3A_277, %dma_wait3A_278] : memref<2x32x128xf32, #tpu.memory_space<vmem>> -> memref<1x32x128xf32, #tpu.memory_space<vmem>>
    %dma_wait3A_280 = tpu.memref_squeeze %dma_wait3A_279 : memref<1x32x128xf32, #tpu.memory_space<vmem>> -> memref<32x128xf32, #tpu.memory_space<vmem>>
    tpu.wait_dma2 semaphore(%arg19 : memref<!tpu.dma_semaphore, #tpu.memory_space<semaphore_mem>>) src(%dma_wait3A_280 : memref<32x128xf32, #tpu.memory_space<vmem>>) dst(%dma_wait3A_276 : memref<32x128xf32, #tpu.memory_space<hbm>>)
    %dma_wait3A_281 = arith.constant 1 : i32
    %dma_wait3A_282 = arith.constant 0 : i32
    %dma_wait3A_283 = arith.constant 0 : i32
    %dma_wait3A_284 = tpu.memref_slice %arg14[%dma_wait3A_281, %dma_wait3A_282, %dma_wait3A_283] : memref<2x32x128xf32, #tpu.memory_space<vmem>> -> memref<1x32x128xf32, #tpu.memory_space<vmem>>
    %dma_wait3A_285 = tpu.memref_squeeze %dma_wait3A_284 : memref<1x32x128xf32, #tpu.memory_space<vmem>> -> memref<32x128xf32, #tpu.memory_space<vmem>>
    %dma_wait3A_286 = arith.constant 0 : i32
    %dma_wait3A_287 = tpu.memref_slice %arg7[%mul3A_4, %dma_wait3A_286] : memref<40960x128xf32, #tpu.memory_space<hbm>> -> memref<32x128xf32, #tpu.memory_space<hbm>>
    %dma_wait3A_288 = arith.constant 0 : i32
    %dma_wait3A_289 = tpu.memref_slice %arg7[%mul3A_4, %dma_wait3A_288] : memref<40960x128xf32, #tpu.memory_space<hbm>> -> memref<32x128xf32, #tpu.memory_space<hbm>>
    %dma_wait3A_290 = arith.constant 0 : i32
    %dma_wait3A_291 = arith.constant 0 : i32
    %dma_wait3A_292 = tpu.memref_slice %arg14[%dma_wait3A_281, %dma_wait3A_290, %dma_wait3A_291] : memref<2x32x128xf32, #tpu.memory_space<vmem>> -> memref<1x32x128xf32, #tpu.memory_space<vmem>>
    %dma_wait3A_293 = tpu.memref_squeeze %dma_wait3A_292 : memref<1x32x128xf32, #tpu.memory_space<vmem>> -> memref<32x128xf32, #tpu.memory_space<vmem>>
    tpu.wait_dma2 semaphore(%arg20 : memref<!tpu.dma_semaphore, #tpu.memory_space<semaphore_mem>>) src(%dma_wait3A_293 : memref<32x128xf32, #tpu.memory_space<vmem>>) dst(%dma_wait3A_289 : memref<32x128xf32, #tpu.memory_space<hbm>>)
    return
  }
}

module attributes {stable_mosaic.version = 14 : i64} {
  func.func @body(%arg0: i32, %arg1: memref<2560x128xf32, #tpu.memory_space<vmem>>, %arg2: memref<128x128xf32, #tpu.memory_space<vmem>>, %arg3: memref<128x128xf32, #tpu.memory_space<vmem>>, %arg4: memref<2x128xf32, #tpu.memory_space<vmem>>, %arg5: memref<128x2xf32, #tpu.memory_space<vmem>>) attributes {dimension_semantics = [#tpu.dimension_semantics<arbitrary>], iteration_bounds = array<i64: 16>, scalar_prefetch = 0 : i64, scratch_operands = 0 : i64, tpu.core_type = #tpu.core_type<tc>, window_params = [{transform_indices = @transform_0, window_bounds = array<i64: 2560, 128>}, {pipeline_mode = #tpu.pipeline_mode<synchronous>, transform_indices = @transform_1, window_bounds = array<i64: 128, 128>}, {pipeline_mode = #tpu.pipeline_mode<synchronous>, transform_indices = @transform_2, window_bounds = array<i64: 128, 128>}, {pipeline_mode = #tpu.pipeline_mode<synchronous>, transform_indices = @transform_3, window_bounds = array<i64: 2, 128>}, {transform_indices = @transform_4, window_bounds = array<i64: 128, 2>}]} {
    %get3A = arith.constant 0 : index
    %get3A_0 = arith.constant 0 : index
    %get3A_1 = vector.load %arg1[%get3A, %get3A_0] : memref<2560x128xf32, #tpu.memory_space<vmem>>, vector<2560x128xf32>
    %get3A_2 = arith.constant 0 : index
    %get3A_3 = arith.constant 0 : index
    %get3A_4 = vector.load %arg2[%get3A_2, %get3A_3] : memref<128x128xf32, #tpu.memory_space<vmem>>, vector<128x128xf32>
    %dot_general3A = arith.constant dense<0.000000e+00> : vector<2560x128xf32>
    %dot_general3A_5 = tpu.matmul %get3A_1, %get3A_4, %dot_general3A {dimension_numbers = #tpu.dot_dimension_numbers<[1], [1], [0], [0], [0, 0, 1, 0], [], []>, transpose_lhs_hint = false} : vector<2560x128xf32>, vector<128x128xf32>, vector<2560x128xf32> -> vector<2560x128xf32>
    %max3A = arith.constant 0.000000e+00 : f32
    %max3A_6 = vector.broadcast %max3A : f32 to vector<2560x128xf32>
    %max3A_7 = arith.maximumf %dot_general3A_5, %max3A_6 : vector<2560x128xf32>
    %iota3A = tpu.iota {dimensions = array<i32: 0>} : vector<256x2560xi32>
    %iota3A_8 = tpu.iota {dimensions = array<i32: 1>} : vector<256x2560xi32>
    %jit3A = arith.constant 10 : i32
    %div3A = vector.broadcast %jit3A : i32 to vector<256x2560xi32>
    %div3A_9 = arith.divsi %iota3A_8, %div3A : vector<256x2560xi32>
    %sign3A = arith.constant 0 : i32
    %sign3A_10 = vector.broadcast %sign3A : i32 to vector<256x2560xi32>
    %sign3A_11 = arith.cmpi sgt, %iota3A_8, %sign3A_10 : vector<256x2560xi32>
    %sign3A_12 = arith.extui %sign3A_11 : vector<256x2560xi1> to vector<256x2560xi32>
    %sign3A_13 = arith.constant 0 : i32
    %sign3A_14 = vector.broadcast %sign3A_13 : i32 to vector<256x2560xi32>
    %sign3A_15 = arith.cmpi slt, %iota3A_8, %sign3A_14 : vector<256x2560xi32>
    %sign3A_16 = arith.extui %sign3A_15 : vector<256x2560xi1> to vector<256x2560xi32>
    %sign3A_17 = arith.subi %sign3A_12, %sign3A_16 : vector<256x2560xi32>
    %sign3A_18 = arith.constant 0 : i32
    %sign3A_19 = arith.cmpi sgt, %jit3A, %sign3A_18 : i32
    %sign3A_20 = arith.extui %sign3A_19 : i1 to i32
    %sign3A_21 = arith.constant 0 : i32
    %sign3A_22 = arith.cmpi slt, %jit3A, %sign3A_21 : i32
    %sign3A_23 = arith.extui %sign3A_22 : i1 to i32
    %sign3A_24 = arith.subi %sign3A_20, %sign3A_23 : i32
    %ne3A = vector.broadcast %sign3A_24 : i32 to vector<256x2560xi32>
    %ne3A_25 = arith.cmpi ne, %sign3A_17, %ne3A : vector<256x2560xi32>
    %rem3A = vector.broadcast %jit3A : i32 to vector<256x2560xi32>
    %rem3A_26 = arith.remsi %iota3A_8, %rem3A : vector<256x2560xi32>
    %ne3A_27 = arith.constant 0 : i32
    %ne3A_28 = vector.broadcast %ne3A_27 : i32 to vector<256x2560xi32>
    %ne3A_29 = arith.cmpi ne, %rem3A_26, %ne3A_28 : vector<256x2560xi32>
    %and3A = arith.andi %ne3A_25, %ne3A_29 : vector<256x2560xi1>
    %sub3A = arith.constant 1 : i32
    %sub3A_30 = vector.broadcast %sub3A : i32 to vector<256x2560xi32>
    %sub3A_31 = arith.subi %div3A_9, %sub3A_30 : vector<256x2560xi32>
    %select_n3A = arith.select %and3A, %sub3A_31, %div3A_9 : vector<256x2560xi1>, vector<256x2560xi32>
    %eq3A = arith.cmpi eq, %iota3A, %select_n3A : vector<256x2560xi32>
    %convert_element_type3A = arith.extui %eq3A : vector<256x2560xi1> to vector<256x2560xi32>
    %convert_element_type3A_32 = arith.sitofp %convert_element_type3A : vector<256x2560xi32> to vector<256x2560xf32>
    %dot_general3A_33 = arith.constant dense<0.000000e+00> : vector<256x128xf32>
    %dot_general3A_34 = tpu.matmul %convert_element_type3A_32, %max3A_7, %dot_general3A_33 {dimension_numbers = #tpu.dot_dimension_numbers<[1], [0], [0], [1], [0, 0, 1, 1], [], []>, transpose_lhs_hint = false} : vector<256x2560xf32>, vector<2560x128xf32>, vector<256x128xf32> -> vector<256x128xf32>
    %get3A_35 = arith.constant 0 : index
    %get3A_36 = arith.constant 0 : index
    %get3A_37 = vector.load %arg3[%get3A_35, %get3A_36] : memref<128x128xf32, #tpu.memory_space<vmem>>, vector<128x128xf32>
    %dot_general3A_38 = arith.constant dense<0.000000e+00> : vector<256x128xf32>
    %dot_general3A_39 = tpu.matmul %dot_general3A_34, %get3A_37, %dot_general3A_38 {dimension_numbers = #tpu.dot_dimension_numbers<[1], [1], [0], [0], [0, 0, 1, 0], [], []>, transpose_lhs_hint = false} : vector<256x128xf32>, vector<128x128xf32>, vector<256x128xf32> -> vector<256x128xf32>
    %iota3A_40 = tpu.iota {dimensions = array<i32: 0>} : vector<128x256xi32>
    %iota3A_41 = tpu.iota {dimensions = array<i32: 1>} : vector<128x256xi32>
    %jit3A_42 = arith.constant 2 : i32
    %div3A_43 = vector.broadcast %jit3A_42 : i32 to vector<128x256xi32>
    %div3A_44 = arith.divsi %iota3A_41, %div3A_43 : vector<128x256xi32>
    %sign3A_45 = arith.constant 0 : i32
    %sign3A_46 = vector.broadcast %sign3A_45 : i32 to vector<128x256xi32>
    %sign3A_47 = arith.cmpi sgt, %iota3A_41, %sign3A_46 : vector<128x256xi32>
    %sign3A_48 = arith.extui %sign3A_47 : vector<128x256xi1> to vector<128x256xi32>
    %sign3A_49 = arith.constant 0 : i32
    %sign3A_50 = vector.broadcast %sign3A_49 : i32 to vector<128x256xi32>
    %sign3A_51 = arith.cmpi slt, %iota3A_41, %sign3A_50 : vector<128x256xi32>
    %sign3A_52 = arith.extui %sign3A_51 : vector<128x256xi1> to vector<128x256xi32>
    %sign3A_53 = arith.subi %sign3A_48, %sign3A_52 : vector<128x256xi32>
    %sign3A_54 = arith.constant 0 : i32
    %sign3A_55 = arith.cmpi sgt, %jit3A_42, %sign3A_54 : i32
    %sign3A_56 = arith.extui %sign3A_55 : i1 to i32
    %sign3A_57 = arith.constant 0 : i32
    %sign3A_58 = arith.cmpi slt, %jit3A_42, %sign3A_57 : i32
    %sign3A_59 = arith.extui %sign3A_58 : i1 to i32
    %sign3A_60 = arith.subi %sign3A_56, %sign3A_59 : i32
    %ne3A_61 = vector.broadcast %sign3A_60 : i32 to vector<128x256xi32>
    %ne3A_62 = arith.cmpi ne, %sign3A_53, %ne3A_61 : vector<128x256xi32>
    %rem3A_63 = vector.broadcast %jit3A_42 : i32 to vector<128x256xi32>
    %rem3A_64 = arith.remsi %iota3A_41, %rem3A_63 : vector<128x256xi32>
    %ne3A_65 = arith.constant 0 : i32
    %ne3A_66 = vector.broadcast %ne3A_65 : i32 to vector<128x256xi32>
    %ne3A_67 = arith.cmpi ne, %rem3A_64, %ne3A_66 : vector<128x256xi32>
    %and3A_68 = arith.andi %ne3A_62, %ne3A_67 : vector<128x256xi1>
    %sub3A_69 = arith.constant 1 : i32
    %sub3A_70 = vector.broadcast %sub3A_69 : i32 to vector<128x256xi32>
    %sub3A_71 = arith.subi %div3A_44, %sub3A_70 : vector<128x256xi32>
    %select_n3A_72 = arith.select %and3A_68, %sub3A_71, %div3A_44 : vector<128x256xi1>, vector<128x256xi32>
    %eq3A_73 = arith.cmpi eq, %iota3A_40, %select_n3A_72 : vector<128x256xi32>
    %convert_element_type3A_74 = arith.extui %eq3A_73 : vector<128x256xi1> to vector<128x256xi32>
    %convert_element_type3A_75 = arith.sitofp %convert_element_type3A_74 : vector<128x256xi32> to vector<128x256xf32>
    %dot_general3A_76 = arith.constant dense<0.000000e+00> : vector<128x128xf32>
    %dot_general3A_77 = tpu.matmul %convert_element_type3A_75, %dot_general3A_39, %dot_general3A_76 {dimension_numbers = #tpu.dot_dimension_numbers<[1], [0], [0], [1], [0, 0, 1, 1], [], []>, transpose_lhs_hint = false} : vector<128x256xf32>, vector<256x128xf32>, vector<128x128xf32> -> vector<128x128xf32>
    %get3A_78 = arith.constant 0 : index
    %get3A_79 = arith.constant 0 : index
    %get3A_80 = vector.load %arg4[%get3A_78, %get3A_79] : memref<2x128xf32, #tpu.memory_space<vmem>>, vector<2x128xf32>
    %dot_general3A_81 = arith.constant dense<0.000000e+00> : vector<128x2xf32>
    %dot_general3A_82 = tpu.matmul %dot_general3A_77, %get3A_80, %dot_general3A_81 {dimension_numbers = #tpu.dot_dimension_numbers<[1], [1], [0], [0], [0, 0, 1, 0], [], []>, transpose_lhs_hint = false} : vector<128x128xf32>, vector<2x128xf32>, vector<128x2xf32> -> vector<128x2xf32>
    %mul3A = arith.constant 5.000000e-03 : f32
    %mul3A_83 = vector.broadcast %mul3A : f32 to vector<128x2xf32>
    %mul3A_84 = arith.mulf %dot_general3A_82, %mul3A_83 : vector<128x2xf32>
    %swap3A = arith.constant 0 : index
    %swap3A_85 = arith.constant 0 : index
    %swap3A_86 = vector.load %arg5[%swap3A, %swap3A_85] : memref<128x2xf32, #tpu.memory_space<vmem>>, vector<128x2xf32>
    tpu.vector_store %arg5[%swap3A, %swap3A_85], %mul3A_84 {strides = array<i32>} : memref<128x2xf32, #tpu.memory_space<vmem>>, vector<128x2xf32>,
    return
  }
  func.func @transform_0(%arg0: i32) -> (i32, i32) {
    %c0_i32 = arith.constant 0 : i32
    %c0_i32_0 = arith.constant 0 : i32
    return %arg0, %c0_i32 : i32, i32
  }
  func.func @transform_1(%arg0: i32) -> (i32, i32) {
    %c0_i32 = arith.constant 0 : i32
    %c0_i32_0 = arith.constant 0 : i32
    %c0_i32_1 = arith.constant 0 : i32
    return %c0_i32, %c0_i32_0 : i32, i32
  }
  func.func @transform_2(%arg0: i32) -> (i32, i32) {
    %c0_i32 = arith.constant 0 : i32
    %c0_i32_0 = arith.constant 0 : i32
    %c0_i32_1 = arith.constant 0 : i32
    return %c0_i32, %c0_i32_0 : i32, i32
  }
  func.func @transform_3(%arg0: i32) -> (i32, i32) {
    %c0_i32 = arith.constant 0 : i32
    %c0_i32_0 = arith.constant 0 : i32
    %c0_i32_1 = arith.constant 0 : i32
    return %c0_i32, %c0_i32_0 : i32, i32
  }
  func.func @transform_4(%arg0: i32) -> (i32, i32) {
    %c0_i32 = arith.constant 0 : i32
    %c0_i32_0 = arith.constant 0 : i32
    return %arg0, %c0_i32 : i32, i32
  }
}

</mosaic_0001>

<sc_bundles>
// kernel: kernel.4.cloned.1.call-start
scs
__scs_entry_jumppad:
0x0: {  	(pc) =	sbr.rel $0x88, $3  }
0x1: {  	(tag) =	ssettag $0x0;
	lr =	simm.s32 $0x1  }
0x2: {  	[smem:$0x3F9B] =	sst lr;
	_ =	strace $0xD0000000  }
0x3: {  	_ = 	snop  }
0x4: {  	_ = 	snop  }
0x5: {  	_ = 	snop  }
0x6: {  	_ = 	snop  }
0x7: {  	_ = 	snop  }
__scs_overlays_trampoline_lowered:
0x8: {  	[smem:$0x3FAA] =	sst s0  }
0x9: {  	[smem:$0x3FAB] =	sst s1  }
0xa: {  	[smem:$0x3FAC] =	sst s2  }
0xb: {  	[smem:$0x3FAD] =	sst s3  }
0xc: {  	[smem:$0x3FAE] =	sst s4  }
0xd: {  	[smem:$0x3FAF] =	sst s5  }
0xe: {  	[smem:$0x3FB0] =	sst s6  }
0xf: {  	[smem:$0x3FB1] =	sst s7  }
0x10: {  	[smem:$0x3FB2] =	sst s8  }
0x11: {  	[smem:$0x3FB3] =	sst s9;
	s0 =	simm.s32 @!p0 $0x0  }
0x12: {  	s1 =	sld [smem:$0x3F99];
	s0 =	simm.s32 @p0 $0x1  }
0x13: {  	[smem:$0x3FB4] =	sst s0;
	s0 =	simm.s32 @!p1 $0x0  }
0x14: {  	s2 =	sld [smem:$0x3F98];
	s0 =	simm.s32 @p1 $0x1  }
0x15: {  	[smem:$0x3FB5] =	sst s0;
	s0 =	simm.s32 @!p2 $0x0  }
0x16: {  	s3 =	sld [smem:$0x3FDB];
	s0 =	simm.s32 @p2 $0x1  }
0x17: {  	s4 =	simm.s32 $0x1BF5;
	[smem:$0x3FB7] =	sst s0  }
0x18: {  	s0 =	sld [smem:$0x3F9A];
	_ =	swait.ge [sflag:s4], $0x0  }
0x19: {  	s7 =	sld [smem:$0x3F9B]  }
0x1a: {  	s8 =	sadd.s32 $0xFFFFE003, lr  }
0x1b: {  	s9 =	sadd.s32 $0xFFFFFEF7, lr;
	s5 =	simm.s32 $0xFFFFFFFF;
	p2 =	slt.u32 s8, $0xFFFFF086  }
0x1c: {  	p1 =	slt.u32 s9, $0xF7A;
	s5 =	simm.s32 @!p2 $0x0  }
0x1d: {  	s5 =	simm.s32 @p1 $0x1;
	p0 =	seq.s32 s7, s2  }
0x1e: {  	s7 =	smul.u32 @!p0 $0xF7A, s2;
	p2 =	seq.s32 @!p0 s5, $0x0  }
0x1f: {  	s9 =	smul.u32 $0xF7A, s1;
	s8 =	simm.s32 @!p0 $0x1BF5;
	p2 =	por !p2, p0  }
0x20: {  	[sflag:s8] =	ssyncset.s32 @!p0 $0xFFFFF086;
	s6 =	sadd.s32 @!p0 s3, s7;
	s7 =	simm.s32 @!p0 $0x108  }
0x21: {  	s3 =	sadd.s32 s3, s9;
	s6 =	sadd.s32 @!p0 $0x88, s6;
	s7 =	simm.s32 @p2 $0x1082  }
0x22: {  	[simem:s7], [sflag:s8] =	dma.local @!p0 [hbm:s6], $0xF7A  }
0x23: {  	s9 =	sor.u32 $0xD0000000, s2;
	s6 =	simm.s32 $0x108;
	_ =	swait.ge @!p0 [sflag:s8], $0x0  }
0x24: {  	s3 =	sadd.s32 $0x88, s3;
	s6 =	simm.s32 @!p1 $0x1082;
	[sflag:s4] =	ssyncset.s32 $0xFFFFF086  }
0x25: {  	[simem:s6], [sflag:s4] =	dma.local [hbm:s3], $0xF7A  }
0x26: {  	[smem:$0x3F9B] =	sst s1;
	(tag) =	ssettag s2;
	_ =	strace s9  }
0x27: {  	s1 =	sld [smem:$0x3FAB]  }
0x28: {  	s2 =	sld [smem:$0x3FAC]  }
0x29: {  	s4 =	sld [smem:$0x3FAE]  }
0x2a: {  	p0 =	seq.s32 s5, $0x0;
	s5 =	sld [smem:$0x3FAF]  }
0x2b: {  	s6 =	sld [smem:$0x3FB0]  }
0x2c: {  	s7 =	sld [smem:$0x3FB1]  }
0x2d: {  	s3 =	simm.s32 $0x108;
	s8 =	sld [smem:$0x3FB2]  }
0x2e: {  	s3 =	simm.s32 @!p0 $0x1082;
	s9 =	sld [smem:$0x3FB3]  }
0x2f: {  	lr =	sadd.s32 s0, s3;
	s0 =	sld [smem:$0x3FAA]  }
0x30: {  	s3 =	sld [smem:$0x3FAD]  }
0x31: {  	[smem:$0x3FB6] =	sst s10  }
0x32: {  	s10 =	sld [smem:$0x3FB4];
	_ =	sdelay $0x3  }
0x33: {  	p0 =	seq.s32 s10, $0x1;
	s10 =	sld [smem:$0x3FB6];
	_ =	sdelay $0x3  }
0x34: {  	[smem:$0x3FB6] =	sst s10  }
0x35: {  	s10 =	sld [smem:$0x3FB5];
	_ =	sdelay $0x3  }
0x36: {  	p1 =	seq.s32 s10, $0x1;
	s10 =	sld [smem:$0x3FB6];
	_ =	sdelay $0x3  }
0x37: {  	[smem:$0x3FB6] =	sst s10  }
0x38: {  	s10 =	sld [smem:$0x3FB7]  }
0x39: {  	_ = 	snop;
	(pc) =	sbr.ind lr, $3  }
0x3a: {  	_ = 	snop  }
0x3b: {  	_ = 	snop  }
0x3c: {  	p2 =	seq.s32 s10, $0x1;
	s10 =	sld [smem:$0x3FB6]  }
0x3d: {  	_ =	shalt  }
0x3e: {  	_ =	shalt  }
0x3f: {  	_ =	shalt  }
0x40: {  	_ =	shalt  }
0x41: {  	_ =	shalt  }
0x42: {  	_ =	shalt  }
0x43: {  	_ =	shalt  }
0x44: {  	_ =	shalt  }
0x45: {  	_ =	shalt  }
0x46: {  	_ =	shalt  }
0x47: {  	_ =	shalt  }
0x48: {  	_ =	shalt  }
0x49: {  	_ =	shalt  }
0x4a: {  	_ =	shalt  }
0x4b: {  	_ =	shalt  }
0x4c: {  	_ =	shalt  }
0x4d: {  	_ =	shalt  }
0x4e: {  	_ =	shalt  }
0x4f: {  	_ =	shalt  }
0x50: {  	_ =	shalt  }
0x51: {  	_ =	shalt  }
0x52: {  	_ =	shalt  }
0x53: {  	_ =	shalt  }
0x54: {  	_ =	shalt  }
0x55: {  	_ =	shalt  }
0x56: {  	_ =	shalt  }
0x57: {  	_ =	shalt  }
0x58: {  	_ =	shalt  }
0x59: {  	_ =	shalt  }
0x5a: {  	_ =	shalt  }
0x5b: {  	_ =	shalt  }
0x5c: {  	_ =	shalt  }
0x5d: {  	_ =	shalt  }
0x5e: {  	_ =	shalt  }
0x5f: {  	_ =	shalt  }
0x60: {  	_ =	shalt  }
0x61: {  	_ =	shalt  }
0x62: {  	_ =	shalt  }
0x63: {  	_ =	shalt  }
0x64: {  	_ =	shalt  }
0x65: {  	_ =	shalt  }
0x66: {  	_ =	shalt  }
0x67: {  	_ =	shalt  }
0x68: {  	_ =	shalt  }
0x69: {  	_ =	shalt  }
0x6a: {  	_ =	shalt  }
0x6b: {  	_ =	shalt  }
0x6c: {  	_ =	shalt  }
0x6d: {  	_ =	shalt  }
0x6e: {  	_ =	shalt  }
0x6f: {  	_ =	shalt  }
0x70: {  	_ =	shalt  }
0x71: {  	_ =	shalt  }
0x72: {  	_ =	shalt  }
0x73: {  	_ =	shalt  }
0x74: {  	_ =	shalt  }
0x75: {  	_ =	shalt  }
0x76: {  	_ =	shalt  }
0x77: {  	_ =	shalt  }
0x78: {  	_ =	shalt  }
0x79: {  	_ =	shalt  }
0x7a: {  	_ =	shalt  }
0x7b: {  	_ =	shalt  }
0x7c: {  	_ =	shalt  }
0x7d: {  	_ =	shalt  }
0x7e: {  	_ =	shalt  }
0x7f: {  	_ =	shalt  }
0x80: {  	_ =	shalt  }
0x81: {  	_ =	shalt  }
0x82: {  	_ =	shalt  }
0x83: {  	_ =	shalt  }
0x84: {  	_ =	shalt  }
0x85: {  	_ =	shalt  }
0x86: {  	_ =	shalt  }
0x87: {  	_ =	shalt  }
.Lfunc_end0:
.L_simem_size_0:
called_computation_lowered:
.L_overlay_start_0:
0x88: {  	s2 =	sld [smem:$0x3FD9]  }
0x89: {  	s3 =	sld [smem:$0x3FFE];
	_ =	sdelay $0x1  }
0x8a: {  	s1 =	srdreg.scid  }
0x8b: {  	s0 =	sand.u32 $0x1, s1  }
0x8c: {  	s17 =	sshll.u32 s0, $0xA;
	s2 =	sadd.s32 s3, s2  }
0x8d: {  	s2 =	sadd.s32 s2, s17  }
0x8e: {  	[smem:$0x3FC2] =	sst s2  }
0x8f: {  	_ = 	snop  }
0x90: {  	s2 =	sld [smem:$0x3FC9]  }
0x91: {  	s18 =	sld [smem:$0x3FD0];
	(tm) =	ssettm $0x1  }
0x92: {  	s4 =	sld [smem:$0x3FFB];
	_ =	sdelay $0x3  }
0x93: {  	_ =	strace s4  }
0x94: {  	s4 =	sld [smem:$0x3FFC];
	_ =	sdelay $0x3  }
0x95: {  	_ =	strace s4  }
0x96: {  	s4 =	sld [smem:$0x3FFD];
	_ =	sdelay $0x3  }
0x97: {  	_ =	strace s4  }
0x98: {  	_ =	strace $0x8FFFFFFF  }
0x99: {  	s19 =	sld [smem:$0x3FDB];
	_ =	sdelay $0x1  }
0x9a: {  	s5 =	simm.s32 $_scs_section_size  }
0x9b: {  	s6 =	simm.s32 $_size__tile_overlayer_lowered;
	s7 =	simm.s32 $_tile_overlayer_lowered  }
0x9c: {  	s22 =	simm.s32 $0x1BFF;
	s21 =	sshll.u32 s7, $0x1;
	s4 =	sadd.s32 s5, s19  }
0x9d: {  	s8 =	simm.s32 $0x0;
	s20 =	sshll.u32 s6, $0x1;
	s6 =	sadd.s32 s21, s4  }
0x9e: {  	[timem:s8], [sflag:s22] =	dma.local [hbm:s6], s20  }
0x9f: {  	_ =	swait.ge [sflag:s22], s20  }
0xa0: {  	s5 =	ssub.s32 $0x0, s20;
	[sflag:s22] =	ssyncset.done $0x0  }
0xa1: {  	[sflag:s22] =	ssyncadd.s32 s5;
	_ =	sdelay $0x1  }
0xa2: {  	s23 =	simm.s32 $0x1B8B  }
0xa3: {  	_ =	swait.ge [sflag:s23], $0x1  }
0xa4: {  	[sflag:s23] =	ssyncset.done $0x0  }
0xa5: {  	s25 =	simm.s32 $0x1B8E;
	s24 =	sld [smem:$0x3FFE];
	[sflag:s23] =	ssyncadd.s32 $0xFFFFFFFF  }
0xa6: {  	s26 =	simm.s32 $execute0_lowered;
	[smem:$0x3FD2] =	sst s25  }
0xa7: {  	s6 =	sshll.u32 s26, $0x1;
	_ =	strace $0x80000046;
	[dreg:$0x1] =	wrdreg $0xFFFFFFFF  }
0xa8: {  	s28 =	simm.s32 $_size_execute0_lowered;
	s4 =	sadd.s32 s4, s6;
	[dreg:$0x0] =	wrdreg $0x0  }
0xa9: {  	s6 =	sshll.u32 s28, $0x1;
	[dreg:$0x2] =	wrdreg s4  }
0xaa: {  	[dreg:$0x3] =	wrdreg s6  }
0xab: {  	[dreg:$0x4] =	wrdreg $0xC0  }
0xac: {  	_ =	task [dreg:s8], $0x5FFFF  }
0xad: {  	[dreg:$0x1] =	wrdreg $0xFFFFFFFF  }
0xae: {  	[dreg:$0x0] =	wrdreg $0x60  }
0xaf: {  	[dreg:$0x2] =	wrdreg s2  }
0xb0: {  	[dreg:$0x3] =	wrdreg s24  }
0xb1: {  	[dreg:$0x4] =	wrdreg s18  }
0xb2: {  	[dreg:$0x5] =	wrdreg $0x9  }
0xb3: {  	_ =	task.clear_ibuf [dreg:s8], $0x6FFFF;
	_ =	strace $0x90000046  }
0xb4: {  	s29 =	simm.s32 $0x9;
	_ =	strace $0x80000048  }
0xb5: {  	_ =	swait.ge [sflag:s29], $0x1  }
0xb6: {  	[sflag:s29] =	ssyncadd.s32 $0xFFFFFFFF  }
0xb7: {  	_ =	strace $0x90000048  }
0xb8: {  	_ =	sfence  }
0xb9: {  	s30 =	sld [smem:$0x0];
	_ =	sdelay $0x2  }
0xba: {  	s31 =	sshll.u32 s1, $0xD;
	s1 =	sshrl.u32 s1, $0x2  }
0xbb: {  	s3 =	sand.u32 $0x4000, s31;
	s1 =	sadd.s32 s1, s30  }
0xbc: {  	s0 =	sor.u32 s3, s0;
	s1 =	sshll.u32 s1, $0x11  }
0xbd: {  	s0 =	sor.u32 s1, s0  }
0xbe: {  	s0 =	sadd.s32 $0x8F2B, s0  }
0xbf: {  	[sflag:s0] =	ssyncadd.remote.s32 $0x1  }
0xc0: {  	_ =	sfence.sel $0xFFFF  }
0xc1: {  	[dreg:$0x0] =	wrdreg $0xFFFFFFFF;
	(pc) =	sbr.abs _section_cstart, $3  }
0xc2: {  	[dreg:$0x1] =	wrdreg $0xFFFFFFFF  }
0xc3: {  	_ =	task.clear_ibuf [dreg:s8], $0x2FFFF;
	_ =	strace $0x9FFFFFFF  }
0xc4: {  	(tm) =	ssettm $0x7FFFFFFF  }
0xc5: {  	_ =	shalt  }
tec
execute0_lowered:
.L_overlay_start_1:
0x0: {  	(tag) =	ssettag $0x1  }
0x1: {  	s1 =	rddreg [dreg:$0x0]  }
0x2: {  	s0 =	rddreg [dreg:$0x1]  }
0x3: {  	s2 =	rddreg [dreg:$0x2];
	s3 =	simm.s32 $0x0  }
0x4: {  	s5 =	srdreg.scid;
	s6 =	stileid.u32;
	s15 =	simm.s32 $0x80  }
0x5: {  	s16 =	simm.s32 $0x1;
	s18 =	simm.s32 $0xD80;
	s20 =	simm.s32 $0x5D80  }
0x6: {  	s21 =	simm.s32 $0x6000;
	s22 =	simm.s32 $0x5E00;
	s28 =	simm.s32 $0x5EC0  }
0x7: {  	s29 =	simm.s32 $0x10000;
	s30 =	simm.s32 $0x5F40;
	s31 =	simm.s32 $0x14000  }
0x8: {  	s12 =	simm.s32 $0x1A000;
	s14 =	simm.s32 $0x2;
	s17 =	simm.s32 $0x1B000  }
0x9: {  	[smem:$0x7FF] =	sst s3;
	s5 =	sand.u32 $0x1, s5;
	s6 =	sshll.u32 s6, $0x1  }
0xa: {  	s7 =	sadd.s32 $0x1000, s0;
	s23 =	sadd.s32 $0xE00, s0;
	_ =	strace $0x80000047  }
0xb: {  	[dreg:$0x4] =	wrdreg s7;
	s8 =	ssub.s32 $0x2, s5;
	s5 =	sor.u32 s5, s6  }
0xc: {  	s4 =	sadd.s32 $0x1200, s0;
	[dreg:$0x5] =	wrdreg s23;
	s10 =	smul.u32 $0x500, s5  }
0xd: {  	s7 =	sadd.s32 $0x19A00, s0;
	s23 =	simm.s32 $0xA000;
	s9 =	smul.u32 $0x28000, s5  }
.Ltmp0:
0xe: {  	s24 =	sshrl.u32 s8, $0x1;
	s26 =	sshll.u32 s5, $0x4;
	(pc) =	sbr.rel .LBB2_1-.Ltmp0, $4  }
0xf: {  	s25 =	ssub.s32 s8, s24;
	s2 =	sadd.s32 s2, s26;
	s24 =	simm.s32 $0x40  }
0x10: {  	s26 =	simm.s32 $0xE000;
	s8 =	simm.s32 $0x0;
	[dreg:$0x6] =	wrdreg s2  }
0x11: {  	s10 =	sor.u32 $0x20, s10;
	s0 =	smax.u32 s25, $0x1;
	s25 =	simm.s32 $0x5E80  }
0x12: {  	s2 =	simm.s32 $0x18000;
	[dreg:$0x7] =	wrdreg s0;
	s0 =	simm.s32 $0x5FC0  }
.LBB2_20:
0x13: {  	s5 =	simm.s32 $0x3  }
0x14: {  	_ =	swait.ge [sflag:s5], $0x1000  }
0x15: {  	[sflag:s5] =	ssyncset.done $0x0  }
0x16: {  	s6 =	simm.s32 $0x4;
	[sflag:s5] =	ssyncadd.s32 $0xFFFFF000  }
0x17: {  	_ =	swait.ge [sflag:s6], $0x1000  }
0x18: {  	s8 =	rddreg [dreg:$0x8]  }
0x19: {  	s19 =	rddreg [dreg:$0x7];
	s8 =	sadd.s32 $0x1, s8  }
0x1a: {  	p0 =	sne.s32 s8, s19  }
.Ltmp1:
0x1b: {  	_ = 	snop;
	(pc) =	sbr.rel @!p0 .LBB2_21-.Ltmp1, $3  }
0x1c: {  	_ =	sdelay $0x1  }
0x1d: {  	[sflag:s6] =	ssyncset.done $0x0  }
0x1e: {  	[sflag:s6] =	ssyncadd.s32 $0xFFFFF000  }
.LBB2_1:
0x1f: {  	s5 =	rddreg [dreg:$0x4];
	s6 =	simm.s32 $0x1C000  }
0x20: {  	[tilespmem:s6], [sflag:$0x5] =	stream.linear.gather [hbm4b:s5+s3], $0x500, $0x38;
	[tilespmem:$0x1CA00] =	vst v63  }
0x21: {  	[dreg:$0x8] =	wrdreg s8;
	s6 =	simm.s32 $0x5  }
0x22: {  	_ =	swait.ge [sflag:s6], $0x500  }
0x23: {  	[sflag:s6] =	ssyncset.done $0x0  }
0x24: {  	s13 =	simm.s32 $0x1C500;
	s11 =	rddreg [dreg:$0x5];
	[sflag:s6] =	ssyncadd.s32 $0xFFFFFB00  }
0x25: {  	[tilespmem:s13], [sflag:$0x5] =	stream.linear.gather [hbm4b:s11+s3], $0x500, $0x38;
	[tilespmem:$0x1CA00] =	vst v63  }
0x26: {  	_ =	swait.ge [sflag:s6], $0x500  }
0x27: {  	[sflag:s6] =	ssyncset.done $0x0  }
0x28: {  	s19 =	rddreg [dreg:$0x6];
	[sflag:s6] =	ssyncadd.s32 $0xFFFFFB00  }
0x29: {  	[tilespmem:s3], [sflag:$0x5] =	stream.linear.gather [hbm4b:s19+s3], $0x80, $0x38;
	[tilespmem:$0x1CA00] =	vst v63  }
0x2a: {  	_ =	swait.ge [sflag:s6], $0x80  }
0x2b: {  	[sflag:s6] =	ssyncset.done $0x0  }
0x2c: {  	[sflag:s6] =	ssyncadd.s32 $0xFFFFFF80  }
0x2d: {  	[tilespmem:s15], [sflag:$0x1] =	stream.indirect.gather [hbm4b:s4+s15], $0x10, s3, s15, $0xb8;
	[tilespmem:$0x1CA00] =	vst v63  }
0x2e: {  	_ =	swait.ge [sflag:s16], $0x800  }
0x2f: {  	[sflag:s16] =	ssyncset.done $0x0  }
0x30: {  	s6 =	simm.s32 $0x0;
	[sflag:s16] =	ssyncadd.s32 $0xFFFFF800  }
0x31: {  	v0 =	vld [tilespmem:s6+$0x1C000]  }
0x32: {  	v1 =	vld [tilespmem:s6+$0x1C500];
	_ =	sdelay $0x4  }
0x33: {  	s5 =	simm.s32 $0x10;
	v2 =	vand.u32 $0xFFFFFFF8, v1;
	v0 =	vshll.u32 v0, $0x4  }
0x34: {  	v3 =	vld [tilespmem:s5+$0x1C000];
	v1 =	vand.u32 $0x7, v1;
	v0 =	vadd.s32 v0, v2  }
0x35: {  	v2 =	vld [tilespmem:s5+$0x1C500];
	v0 =	vor.u32 v1, v0;
	_ =	sdelay $0x4  }
0x36: {  	s8 =	simm.s32 $0x20;
	v3 =	vshll.u32 v3, $0x4;
	v4 =	vand.u32 $0xFFFFFFF8, v2;
	v1 =	vld.idx.msk [tilespmem:v0+s15+$0x0], $0xffff  }
0x37: {  	s11 =	simm.s32 $0xC0;
	v2 =	vand.u32 $0x7, v2;
	v0 =	vld [tilespmem:s8+$0x1C000];
	v3 =	vadd.s32 v3, v4  }
.LBB2_2:
0x38: {  	p0 =	sne.s32 s11, $0x13C0;
	v4 =	vld [tilespmem:s8+$0x1C500];
	v2 =	vor.u32 v2, v3;
	_ =	sdelay $0x1  }
.Ltmp2:
0x39: {  	(pc) =	sbr.rel @p0 .LBB2_2-.Ltmp2, $4  }
0x3a: {  	_ = 	snop  }
0x3b: {  	[tilespmem:s6+$0x880] =	vst v1;
	s6 =	smov.u32 s5;
	s5 =	smov.u32 s8  }
0x3c: {  	s8 =	sshra.s32 s11, $0x2;
	v5 =	vshll.u32 v0, $0x4;
	v3 =	vand.u32 $0xFFFFFFF8, v4;
	v1 =	vld.idx.msk [tilespmem:v2+s15+$0x0], $0xffff  }
0x3d: {  	s11 =	sadd.s32 $0x40, s11;
	v2 =	vand.u32 $0x7, v4;
	v0 =	vld [tilespmem:s8+$0x1C000];
	v3 =	vadd.s32 v5, v3  }
0x3e: {  	v4 =	vld [tilespmem:s8+$0x1C500]  }
0x3f: {  	v2 =	vor.u32 v2, v3;
	_ =	sdelay $0x3  }
0x40: {  	[tilespmem:s6+$0x880] =	vst v1;
	v0 =	vshll.u32 v0, $0x4;
	v1 =	vand.u32 $0xFFFFFFF8, v4  }
0x41: {  	v2 =	vld.idx.msk [tilespmem:v2+s15+$0x0], $0xffff;
	v3 =	vand.u32 $0x7, v4;
	v0 =	vadd.s32 v0, v1  }
0x42: {  	v0 =	vor.u32 v3, v0;
	_ =	sdelay $0x3  }
0x43: {  	[tilespmem:s5+$0x880] =	vst v2  }
0x44: {  	v0 =	vld.idx.msk [tilespmem:v0+s15+$0x0], $0xffff;
	_ =	sdelay $0x4  }
0x45: {  	s11 =	simm.s32 $0x880;
	[tilespmem:s8+$0x880] =	vst v0  }
0x46: {  	[tilespmem:s18], [sflag:$0x1] =	stream.indirect.gather [hbm4b:s4+s15], $0x10, s11, s15, $0xb8;
	[tilespmem:$0x1CA00] =	vst v63  }
0x47: {  	s13 =	simm.s32 $0x900;
	s19 =	simm.s32 $0x1580  }
0x48: {  	[tilespmem:s19], [sflag:$0x1] =	stream.indirect.gather [hbm4b:s4+s15], $0x10, s13, s15, $0xb8;
	[tilespmem:$0x1CA00] =	vst v63  }
0x49: {  	s8 =	simm.s32 $0x980;
	s11 =	simm.s32 $0x1D80  }
0x4a: {  	[tilespmem:s11], [sflag:$0x1] =	stream.indirect.gather [hbm4b:s4+s15], $0x10, s8, s15, $0xb8;
	[tilespmem:$0x1CA00] =	vst v63  }
0x4b: {  	s13 =	simm.s32 $0xA00;
	s19 =	simm.s32 $0x2580  }
0x4c: {  	[tilespmem:s19], [sflag:$0x1] =	stream.indirect.gather [hbm4b:s4+s15], $0x10, s13, s15, $0xb8;
	[tilespmem:$0x1CA00] =	vst v63  }
0x4d: {  	s8 =	simm.s32 $0xA80;
	s11 =	simm.s32 $0x2D80  }
0x4e: {  	[tilespmem:s11], [sflag:$0x1] =	stream.indirect.gather [hbm4b:s4+s15], $0x10, s8, s15, $0xb8;
	[tilespmem:$0x1CA00] =	vst v63  }
0x4f: {  	s13 =	simm.s32 $0xB00;
	s19 =	simm.s32 $0x3580  }
0x50: {  	[tilespmem:s19], [sflag:$0x1] =	stream.indirect.gather [hbm4b:s4+s15], $0x10, s13, s15, $0xb8;
	[tilespmem:$0x1CA00] =	vst v63  }
0x51: {  	s8 =	simm.s32 $0xB80;
	s11 =	simm.s32 $0x3D80  }
0x52: {  	[tilespmem:s11], [sflag:$0x1] =	stream.indirect.gather [hbm4b:s4+s15], $0x10, s8, s15, $0xb8;
	[tilespmem:$0x1CA00] =	vst v63  }
0x53: {  	s13 =	simm.s32 $0xC00;
	s19 =	simm.s32 $0x4580  }
0x54: {  	[tilespmem:s19], [sflag:$0x1] =	stream.indirect.gather [hbm4b:s4+s15], $0x10, s13, s15, $0xb8;
	[tilespmem:$0x1CA00] =	vst v63  }
0x55: {  	s8 =	simm.s32 $0xC80;
	s11 =	simm.s32 $0x4D80  }
0x56: {  	[tilespmem:s11], [sflag:$0x1] =	stream.indirect.gather [hbm4b:s4+s15], $0x10, s8, s15, $0xb8;
	[tilespmem:$0x1CA00] =	vst v63  }
0x57: {  	s13 =	simm.s32 $0xD00;
	s19 =	simm.s32 $0x5580  }
0x58: {  	[tilespmem:s19], [sflag:$0x1] =	stream.indirect.gather [hbm4b:s4+s15], $0x10, s13, s15, $0xb8;
	[tilespmem:$0x1CA00] =	vst v63  }
0x59: {  	_ =	swait.ge [sflag:s16], $0x800  }
0x5a: {  	[sflag:s16] =	ssyncset.done $0x0  }
0x5b: {  	[sflag:s16] =	ssyncadd.s32 $0xFFFFF800  }
0x5c: {  	_ =	swait.ge [sflag:s16], $0x800  }
0x5d: {  	[sflag:s16] =	ssyncset.done $0x0  }
0x5e: {  	[sflag:s16] =	ssyncadd.s32 $0xFFFFF800  }
0x5f: {  	_ =	swait.ge [sflag:s16], $0x800  }
0x60: {  	[sflag:s16] =	ssyncset.done $0x0  }
0x61: {  	[sflag:s16] =	ssyncadd.s32 $0xFFFFF800  }
0x62: {  	_ =	swait.ge [sflag:s16], $0x800  }
0x63: {  	[sflag:s16] =	ssyncset.done $0x0  }
0x64: {  	[sflag:s16] =	ssyncadd.s32 $0xFFFFF800  }
0x65: {  	_ =	swait.ge [sflag:s16], $0x800  }
0x66: {  	[sflag:s16] =	ssyncset.done $0x0  }
0x67: {  	[sflag:s16] =	ssyncadd.s32 $0xFFFFF800  }
0x68: {  	_ =	swait.ge [sflag:s16], $0x800  }
0x69: {  	[sflag:s16] =	ssyncset.done $0x0  }
0x6a: {  	[sflag:s16] =	ssyncadd.s32 $0xFFFFF800  }
0x6b: {  	_ =	swait.ge [sflag:s16], $0x800  }
0x6c: {  	[sflag:s16] =	ssyncset.done $0x0  }
0x6d: {  	[sflag:s16] =	ssyncadd.s32 $0xFFFFF800  }
0x6e: {  	_ =	swait.ge [sflag:s16], $0x800  }
0x6f: {  	[sflag:s16] =	ssyncset.done $0x0  }
0x70: {  	[sflag:s16] =	ssyncadd.s32 $0xFFFFF800  }
0x71: {  	_ =	swait.ge [sflag:s16], $0x800  }
0x72: {  	[sflag:s16] =	ssyncset.done $0x0  }
0x73: {  	[sflag:s16] =	ssyncadd.s32 $0xFFFFF800  }
0x74: {  	_ =	swait.ge [sflag:s16], $0x800  }
0x75: {  	[sflag:s16] =	ssyncset.done $0x0  }
0x76: {  	s6 =	simm.s32 $0x0;
	[sflag:s16] =	ssyncadd.s32 $0xFFFFF800  }
0x77: {  	v0 =	vld [tilespmem:s6+$0x1C000]  }
0x78: {  	v1 =	vld [tilespmem:s6+$0x1C500];
	_ =	sdelay $0x4  }
0x79: {  	s5 =	simm.s32 $0x10;
	v2 =	vand.u32 $0xFFFFFFF8, v1;
	v0 =	vshll.u32 v0, $0x4  }
0x7a: {  	v3 =	vld [tilespmem:s5+$0x1C000];
	v1 =	vand.u32 $0x7, v1;
	v0 =	vadd.s32 v0, v2  }
0x7b: {  	v2 =	vld [tilespmem:s5+$0x1C500];
	v0 =	vor.u32 v1, v0;
	_ =	sdelay $0x4  }
0x7c: {  	s8 =	simm.s32 $0x20;
	v3 =	vshll.u32 v3, $0x4;
	v4 =	vand.u32 $0xFFFFFFF8, v2;
	v1 =	vld.idx.msk [tilespmem:v0+s18+$0x0], $0xffff  }
0x7d: {  	s11 =	simm.s32 $0xC0;
	v2 =	vand.u32 $0x7, v2;
	v0 =	vld [tilespmem:s8+$0x1C000];
	v3 =	vadd.s32 v3, v4  }
.LBB2_4:
0x7e: {  	p0 =	sne.s32 s11, $0x4C0;
	v4 =	vld [tilespmem:s8+$0x1C500];
	v2 =	vor.u32 v2, v3;
	_ =	sdelay $0x1  }
.Ltmp3:
0x7f: {  	(pc) =	sbr.rel @p0 .LBB2_4-.Ltmp3, $4  }
0x80: {  	_ = 	snop  }
0x81: {  	[tilespmem:s6+$0x5D80] =	vst v1;
	s6 =	smov.u32 s5;
	s5 =	smov.u32 s8  }
0x82: {  	s8 =	sshra.s32 s11, $0x2;
	v5 =	vshll.u32 v0, $0x4;
	v3 =	vand.u32 $0xFFFFFFF8, v4;
	v1 =	vld.idx.msk [tilespmem:v2+s18+$0x0], $0xffff  }
0x83: {  	s11 =	sadd.s32 $0x40, s11;
	v2 =	vand.u32 $0x7, v4;
	v0 =	vld [tilespmem:s8+$0x1C000];
	v3 =	vadd.s32 v5, v3  }
0x84: {  	v4 =	vld [tilespmem:s8+$0x1C500]  }
0x85: {  	v2 =	vor.u32 v2, v3;
	_ =	sdelay $0x3  }
0x86: {  	[tilespmem:s6+$0x5D80] =	vst v1;
	v0 =	vshll.u32 v0, $0x4;
	v1 =	vand.u32 $0xFFFFFFF8, v4  }
0x87: {  	v2 =	vld.idx.msk [tilespmem:v2+s18+$0x0], $0xffff;
	v3 =	vand.u32 $0x7, v4;
	v0 =	vadd.s32 v0, v1  }
0x88: {  	v0 =	vor.u32 v3, v0;
	_ =	sdelay $0x3  }
0x89: {  	[tilespmem:s5+$0x5D80] =	vst v2  }
0x8a: {  	v0 =	vld.idx.msk [tilespmem:v0+s18+$0x0], $0xffff;
	_ =	sdelay $0x4  }
0x8b: {  	[tilespmem:s8+$0x5D80] =	vst v0  }
0x8c: {  	[tilespmem:s21], [sflag:$0x1] =	stream.indirect.gather [hbm4b:s1+s15], $0x80, s20, s15, $0xb8;
	[tilespmem:$0x1CA00] =	vst v63  }
0x8d: {  	_ = 	snop  }
0x8e: {  	[tilespmem:s23], [sflag:$0x1] =	stream.indirect.gather [hbm4b:s1+s15], $0x80, s22, s15, $0xb8;
	[tilespmem:$0x1CA00] =	vst v63  }
0x8f: {  	s6 =	simm.s32 $0x0  }
0x90: {  	[tilespmem:s26], [sflag:$0x1] =	stream.indirect.gather [hbm4b:s1+s24], $0x80, s25, s24, $0xb8;
	[tilespmem:$0x1CA00] =	vst v63  }
0x91: {  	v0 =	vld [tilespmem:s6+$0x1C000]  }
0x92: {  	v1 =	vld [tilespmem:s6+$0x1C500];
	_ =	sdelay $0x4  }
0x93: {  	s5 =	simm.s32 $0x10;
	v2 =	vand.u32 $0xFFFFFFF8, v1;
	v0 =	vshll.u32 v0, $0x4  }
0x94: {  	v3 =	vld [tilespmem:s5+$0x1C000];
	v1 =	vand.u32 $0x7, v1;
	v0 =	vadd.s32 v2, v0  }
0x95: {  	v2 =	vld [tilespmem:s5+$0x1C500];
	v0 =	vor.u32 v1, v0  }
0x96: {  	v1 =	vadd.s32 $0x200, v0;
	_ =	sdelay $0x2  }
0x97: {  	s8 =	simm.s32 $0x20  }
0x98: {  	v3 =	vshll.u32 v3, $0x4;
	v0 =	vld [tilespmem:s8+$0x1C000];
	v4 =	vand.u32 $0xFFFFFFF8, v2  }
0x99: {  	s11 =	simm.s32 $0xC0;
	v2 =	vand.u32 $0x7, v2;
	v3 =	vadd.s32 v4, v3;
	v1 =	vld.idx.msk [tilespmem:v1+s18+$0x0], $0xffff  }
.LBB2_6:
0x9a: {  	p0 =	sne.s32 s11, $0x4C0;
	v4 =	vld [tilespmem:s8+$0x1C500];
	v2 =	vor.u32 v2, v3  }
0x9b: {  	v5 =	vadd.s32 $0x200, v2  }
.Ltmp4:
0x9c: {  	(pc) =	sbr.rel @p0 .LBB2_6-.Ltmp4, $4  }
0x9d: {  	_ = 	snop  }
0x9e: {  	s13 =	sshra.s32 s11, $0x2  }
0x9f: {  	v6 =	vshll.u32 v0, $0x4;
	v3 =	vand.u32 $0xFFFFFFF8, v4;
	v0 =	vld [tilespmem:s13+$0x1C000];
	[tilespmem:s6+$0x5EC0] =	vst v1;
	s6 =	smov.u32 s5;
	s5 =	smov.u32 s8;
	s8 =	smov.u32 s13  }
0xa0: {  	s11 =	sadd.s32 $0x40, s11;
	v2 =	vand.u32 $0x7, v4;
	v3 =	vadd.s32 v3, v6;
	v1 =	vld.idx.msk [tilespmem:v5+s18+$0x0], $0xffff  }
0xa1: {  	v4 =	vld [tilespmem:s8+$0x1C500]  }
0xa2: {  	v2 =	vor.u32 v2, v3  }
0xa3: {  	v2 =	vadd.s32 $0x200, v2;
	_ =	sdelay $0x2  }
0xa4: {  	v0 =	vshll.u32 v0, $0x4;
	v62 =	vand.u32 $0xFFFFFFF8, v4  }
0xa5: {  	[tilespmem:s6+$0x5EC0] =	vst v1;
	v63 =	vand.u32 $0x7, v4;
	v0 =	vadd.s32 v62, v0  }
0xa6: {  	v2 =	vld.idx.msk [tilespmem:v2+s18+$0x0], $0xffff;
	v0 =	vor.u32 v63, v0  }
0xa7: {  	v0 =	vadd.s32 $0x200, v0;
	_ =	sdelay $0x3  }
0xa8: {  	[tilespmem:s5+$0x5EC0] =	vst v2  }
0xa9: {  	v0 =	vld.idx.msk [tilespmem:v0+s18+$0x0], $0xffff;
	_ =	sdelay $0x4  }
0xaa: {  	[tilespmem:s8+$0x5EC0] =	vst v0  }
0xab: {  	[tilespmem:s29], [sflag:$0x2] =	stream.indirect.gather [hbm4b:s1+s15], $0x80, s28, s15, $0xb8;
	[tilespmem:$0x1CA00] =	vst v63  }
0xac: {  	_ = 	snop  }
0xad: {  	[tilespmem:s31], [sflag:$0x2] =	stream.indirect.gather [hbm4b:s1+s15], $0x80, s30, s15, $0xb8;
	[tilespmem:$0x1CA00] =	vst v63  }
0xae: {  	s8 =	simm.s32 $0x0  }
0xaf: {  	[tilespmem:s2], [sflag:$0x2] =	stream.indirect.gather [hbm4b:s1+s24], $0x80, s0, s24, $0xb8;
	[tilespmem:$0x1CA00] =	vst v63  }
.LBB2_8:
0xb0: {  	_ =	swait.ge [sflag:s16], $0x4000  }
0xb1: {  	[sflag:s16] =	ssyncset.done $0x0  }
0xb2: {  	[sflag:s16] =	ssyncadd.s32 $0xFFFFC000  }
0xb3: {  	_ =	swait.ge [sflag:s16], $0x4000  }
0xb4: {  	[sflag:s16] =	ssyncset.done $0x0  }
0xb5: {  	[sflag:s16] =	ssyncadd.s32 $0xFFFFC000  }
0xb6: {  	_ =	swait.ge [sflag:s16], $0x2000  }
0xb7: {  	p0 =	seq.s32 s8, $0x0;
	[sflag:s16] =	ssyncset.done $0x0  }
0xb8: {  	s5 =	simm.s32 @!p0 $0x3;
	[sflag:s16] =	ssyncadd.s32 $0xFFFFE000  }
0xb9: {  	_ =	swait.ge @!p0 [sflag:s5], $0x1000  }
0xba: {  	[sflag:s5] =	ssyncset.done @!p0 $0x0  }
0xbb: {  	s19 =	simm.s32 $0x6280;
	[sflag:s5] =	ssyncadd.s32 @!p0 $0xFFFFF000  }
0xbc: {  	v0 =	vld [tilespmem:s19+$0xFFFFFE00]  }
0xbd: {  	v1 =	vld [tilespmem:s19+$0xFFFFFD80];
	_ =	sdelay $0x1  }
0xbe: {  	v2 =	vld [tilespmem:s19+$0xFFFFFE80];
	_ =	sdelay $0x1  }
0xbf: {  	v3 =	vld [tilespmem:s19+$0xFFFFFF00]  }
0xc0: {  	v0 =	vadd.f32 v0, v1  }
0xc1: {  	v1 =	vld [tilespmem:s19+$0xFFFFFF80]  }
0xc2: {  	v0 =	vadd.f32 v2, v0  }
0xc3: {  	v2 =	vld [tilespmem:s19+$0x0]  }
0xc4: {  	v0 =	vadd.f32 v3, v0  }
0xc5: {  	v3 =	vld [tilespmem:s19+$0x80]  }
0xc6: {  	v0 =	vadd.f32 v1, v0  }
0xc7: {  	v1 =	vld [tilespmem:s19+$0x100]  }
0xc8: {  	v0 =	vadd.f32 v2, v0  }
0xc9: {  	v2 =	vld [tilespmem:s19+$0x180]  }
0xca: {  	v0 =	vadd.f32 v3, v0  }
0xcb: {  	v3 =	vld [tilespmem:s19+$0x200]  }
0xcc: {  	v0 =	vadd.f32 v1, v0;
	_ =	sdelay $0x1  }
0xcd: {  	v0 =	vadd.f32 v2, v0;
	_ =	sdelay $0x1  }
0xce: {  	v0 =	vadd.f32 v3, v0  }
0xcf: {  	s5 =	simm.s32 $0x0  }
0xd0: {  	[tilespmem:s5+$0x1A000] =	vst v0  }
0xd1: {  	v0 =	vld [tilespmem:s19+$0xFFFFFD90]  }
0xd2: {  	v1 =	vld [tilespmem:s19+$0xFFFFFE10];
	_ =	sdelay $0x1  }
0xd3: {  	v2 =	vld [tilespmem:s19+$0xFFFFFE90];
	_ =	sdelay $0x1  }
0xd4: {  	v3 =	vld [tilespmem:s19+$0xFFFFFF10]  }
0xd5: {  	v0 =	vadd.f32 v1, v0  }
0xd6: {  	v1 =	vld [tilespmem:s19+$0xFFFFFF90]  }
0xd7: {  	v0 =	vadd.f32 v2, v0  }
0xd8: {  	v2 =	vld [tilespmem:s19+$0x10]  }
0xd9: {  	v0 =	vadd.f32 v3, v0  }
0xda: {  	v3 =	vld [tilespmem:s19+$0x90]  }
0xdb: {  	v0 =	vadd.f32 v1, v0  }
0xdc: {  	v1 =	vld [tilespmem:s19+$0x110]  }
0xdd: {  	v0 =	vadd.f32 v2, v0  }
0xde: {  	v2 =	vld [tilespmem:s19+$0x190]  }
0xdf: {  	v0 =	vadd.f32 v3, v0  }
0xe0: {  	v3 =	vld [tilespmem:s19+$0x210]  }
0xe1: {  	v0 =	vadd.f32 v1, v0;
	_ =	sdelay $0x1  }
0xe2: {  	v0 =	vadd.f32 v2, v0;
	_ =	sdelay $0x1  }
0xe3: {  	v0 =	vadd.f32 v3, v0;
	_ =	sdelay $0x1  }
0xe4: {  	[tilespmem:s5+$0x1A010] =	vst v0  }
0xe5: {  	v0 =	vld [tilespmem:s19+$0xFFFFFDA0]  }
0xe6: {  	v1 =	vld [tilespmem:s19+$0xFFFFFE20];
	_ =	sdelay $0x1  }
0xe7: {  	v2 =	vld [tilespmem:s19+$0xFFFFFEA0];
	_ =	sdelay $0x1  }
0xe8: {  	v3 =	vld [tilespmem:s19+$0xFFFFFF20]  }
0xe9: {  	v0 =	vadd.f32 v1, v0  }
0xea: {  	v1 =	vld [tilespmem:s19+$0xFFFFFFA0]  }
0xeb: {  	v0 =	vadd.f32 v2, v0  }
0xec: {  	v2 =	vld [tilespmem:s19+$0x20]  }
0xed: {  	v0 =	vadd.f32 v3, v0  }
0xee: {  	v3 =	vld [tilespmem:s19+$0xA0]  }
0xef: {  	v0 =	vadd.f32 v1, v0  }
0xf0: {  	v1 =	vld [tilespmem:s19+$0x120]  }
0xf1: {  	v0 =	vadd.f32 v2, v0  }
0xf2: {  	v2 =	vld [tilespmem:s19+$0x1A0]  }
0xf3: {  	v0 =	vadd.f32 v3, v0  }
0xf4: {  	v3 =	vld [tilespmem:s19+$0x220]  }
0xf5: {  	v0 =	vadd.f32 v1, v0;
	_ =	sdelay $0x1  }
0xf6: {  	v0 =	vadd.f32 v2, v0;
	_ =	sdelay $0x1  }
0xf7: {  	v0 =	vadd.f32 v3, v0;
	_ =	sdelay $0x1  }
0xf8: {  	[tilespmem:s5+$0x1A020] =	vst v0  }
0xf9: {  	v0 =	vld [tilespmem:s19+$0xFFFFFDB0]  }
0xfa: {  	v1 =	vld [tilespmem:s19+$0xFFFFFE30];
	_ =	sdelay $0x1  }
0xfb: {  	v2 =	vld [tilespmem:s19+$0xFFFFFEB0];
	_ =	sdelay $0x1  }
0xfc: {  	v3 =	vld [tilespmem:s19+$0xFFFFFF30]  }
0xfd: {  	v0 =	vadd.f32 v1, v0  }
0xfe: {  	v1 =	vld [tilespmem:s19+$0xFFFFFFB0]  }
0xff: {  	v0 =	vadd.f32 v2, v0  }
0x100: {  	v2 =	vld [tilespmem:s19+$0x30]  }
0x101: {  	v0 =	vadd.f32 v3, v0  }
0x102: {  	v3 =	vld [tilespmem:s19+$0xB0]  }
0x103: {  	v0 =	vadd.f32 v1, v0  }
0x104: {  	v1 =	vld [tilespmem:s19+$0x130]  }
0x105: {  	v0 =	vadd.f32 v2, v0  }
0x106: {  	v2 =	vld [tilespmem:s19+$0x1B0]  }
0x107: {  	v0 =	vadd.f32 v3, v0  }
0x108: {  	v3 =	vld [tilespmem:s19+$0x230]  }
0x109: {  	v0 =	vadd.f32 v1, v0;
	_ =	sdelay $0x1  }
0x10a: {  	v0 =	vadd.f32 v2, v0;
	_ =	sdelay $0x1  }
0x10b: {  	v0 =	vadd.f32 v3, v0;
	_ =	sdelay $0x1  }
0x10c: {  	[tilespmem:s5+$0x1A030] =	vst v0  }
0x10d: {  	v0 =	vld [tilespmem:s19+$0xFFFFFDC0]  }
0x10e: {  	v1 =	vld [tilespmem:s19+$0xFFFFFE40];
	_ =	sdelay $0x1  }
0x10f: {  	v2 =	vld [tilespmem:s19+$0xFFFFFEC0];
	_ =	sdelay $0x1  }
0x110: {  	v3 =	vld [tilespmem:s19+$0xFFFFFF40]  }
0x111: {  	v0 =	vadd.f32 v1, v0  }
0x112: {  	v1 =	vld [tilespmem:s19+$0xFFFFFFC0]  }
0x113: {  	v0 =	vadd.f32 v2, v0  }
0x114: {  	v2 =	vld [tilespmem:s19+$0x40]  }
0x115: {  	v0 =	vadd.f32 v3, v0  }
0x116: {  	v3 =	vld [tilespmem:s19+$0xC0]  }
0x117: {  	v0 =	vadd.f32 v1, v0  }
0x118: {  	v1 =	vld [tilespmem:s19+$0x140]  }
0x119: {  	v0 =	vadd.f32 v2, v0  }
0x11a: {  	v2 =	vld [tilespmem:s19+$0x1C0]  }
0x11b: {  	v0 =	vadd.f32 v3, v0  }
0x11c: {  	v3 =	vld [tilespmem:s19+$0x240]  }
0x11d: {  	v0 =	vadd.f32 v1, v0;
	_ =	sdelay $0x1  }
0x11e: {  	v0 =	vadd.f32 v2, v0;
	_ =	sdelay $0x1  }
0x11f: {  	v0 =	vadd.f32 v3, v0;
	_ =	sdelay $0x1  }
0x120: {  	[tilespmem:s5+$0x1A040] =	vst v0  }
0x121: {  	v0 =	vld [tilespmem:s19+$0xFFFFFDD0]  }
0x122: {  	v1 =	vld [tilespmem:s19+$0xFFFFFE50];
	_ =	sdelay $0x1  }
0x123: {  	v2 =	vld [tilespmem:s19+$0xFFFFFED0];
	_ =	sdelay $0x1  }
0x124: {  	v3 =	vld [tilespmem:s19+$0xFFFFFF50]  }
0x125: {  	v0 =	vadd.f32 v1, v0  }
0x126: {  	v1 =	vld [tilespmem:s19+$0xFFFFFFD0]  }
0x127: {  	v0 =	vadd.f32 v2, v0  }
0x128: {  	v2 =	vld [tilespmem:s19+$0x50]  }
0x129: {  	v0 =	vadd.f32 v3, v0  }
0x12a: {  	v3 =	vld [tilespmem:s19+$0xD0]  }
0x12b: {  	v0 =	vadd.f32 v1, v0  }
0x12c: {  	v1 =	vld [tilespmem:s19+$0x150]  }
0x12d: {  	v0 =	vadd.f32 v2, v0  }
0x12e: {  	v2 =	vld [tilespmem:s19+$0x1D0]  }
0x12f: {  	v0 =	vadd.f32 v3, v0  }
0x130: {  	v3 =	vld [tilespmem:s19+$0x250]  }
0x131: {  	v0 =	vadd.f32 v1, v0;
	_ =	sdelay $0x1  }
0x132: {  	v0 =	vadd.f32 v2, v0;
	_ =	sdelay $0x1  }
0x133: {  	v0 =	vadd.f32 v3, v0;
	_ =	sdelay $0x1  }
0x134: {  	[tilespmem:s5+$0x1A050] =	vst v0  }
0x135: {  	v0 =	vld [tilespmem:s19+$0xFFFFFDE0]  }
0x136: {  	v1 =	vld [tilespmem:s19+$0xFFFFFE60];
	_ =	sdelay $0x1  }
0x137: {  	v2 =	vld [tilespmem:s19+$0xFFFFFEE0];
	_ =	sdelay $0x1  }
0x138: {  	v3 =	vld [tilespmem:s19+$0xFFFFFF60]  }
0x139: {  	v0 =	vadd.f32 v1, v0  }
0x13a: {  	v1 =	vld [tilespmem:s19+$0xFFFFFFE0]  }
0x13b: {  	v0 =	vadd.f32 v2, v0  }
0x13c: {  	v2 =	vld [tilespmem:s19+$0x60]  }
0x13d: {  	v0 =	vadd.f32 v3, v0  }
0x13e: {  	v3 =	vld [tilespmem:s19+$0xE0]  }
0x13f: {  	v0 =	vadd.f32 v1, v0  }
0x140: {  	v1 =	vld [tilespmem:s19+$0x160]  }
0x141: {  	v0 =	vadd.f32 v2, v0  }
0x142: {  	v2 =	vld [tilespmem:s19+$0x1E0]  }
0x143: {  	v0 =	vadd.f32 v3, v0  }
0x144: {  	v3 =	vld [tilespmem:s19+$0x260]  }
0x145: {  	v0 =	vadd.f32 v1, v0;
	_ =	sdelay $0x1  }
0x146: {  	v0 =	vadd.f32 v2, v0;
	_ =	sdelay $0x1  }
0x147: {  	v0 =	vadd.f32 v3, v0;
	_ =	sdelay $0x1  }
0x148: {  	[tilespmem:s5+$0x1A060] =	vst v0  }
0x149: {  	v0 =	vld [tilespmem:s19+$0xFFFFFDF0]  }
0x14a: {  	v1 =	vld [tilespmem:s19+$0xFFFFFE70];
	_ =	sdelay $0x1  }
0x14b: {  	v2 =	vld [tilespmem:s19+$0xFFFFFEF0];
	_ =	sdelay $0x1  }
0x14c: {  	v3 =	vld [tilespmem:s19+$0xFFFFFF70]  }
0x14d: {  	v0 =	vadd.f32 v1, v0  }
0x14e: {  	v1 =	vld [tilespmem:s19+$0xFFFFFFF0]  }
0x14f: {  	v0 =	vadd.f32 v2, v0  }
0x150: {  	v4 =	vld [tilespmem:s19+$0x70]  }
0x151: {  	v2 =	vadd.f32 v3, v0  }
0x152: {  	v3 =	vld [tilespmem:s19+$0xF0]  }
0x153: {  	v0 =	vld [tilespmem:s19+$0x170];
	v5 =	vadd.f32 v1, v2  }
0x154: {  	v1 =	vld [tilespmem:s19+$0x1F0]  }
0x155: {  	s11 =	sshll.u32 s8, $0x6;
	s13 =	simm.s32 $0x200;
	v2 =	vld [tilespmem:s19+$0x270];
	v4 =	vadd.f32 v4, v5  }
.LBB2_9:
0x156: {  	p1 =	sne.s32 s13, $0x3E00  }
0x157: {  	s19 =	sadd.s32 $0x500, s19;
	s6 =	smov.u32 s13;
	s13 =	sadd.s32 $0x200, s13;
	v3 =	vadd.f32 v3, v4  }
0x158: {  	_ = 	snop  }
0x159: {  	v0 =	vadd.f32 v0, v3;
	_ =	sdelay $0x1  }
0x15a: {  	v0 =	vadd.f32 v1, v0;
	_ =	sdelay $0x1  }
0x15b: {  	v0 =	vadd.f32 v2, v0;
	_ =	sdelay $0x1  }
0x15c: {  	[tilespmem:s5+$0x1A070] =	vst v0  }
0x15d: {  	v0 =	vld [tilespmem:s19+$0xFFFFFE00]  }
0x15e: {  	v1 =	vld [tilespmem:s19+$0xFFFFFD80]  }
0x15f: {  	v2 =	vld [tilespmem:s19+$0xFFFFFE80];
	_ =	sdelay $0x2  }
0x160: {  	v3 =	vld [tilespmem:s19+$0xFFFFFF00]  }
0x161: {  	v0 =	vadd.f32 v0, v1  }
0x162: {  	v1 =	vld [tilespmem:s19+$0xFFFFFF80]  }
0x163: {  	v0 =	vadd.f32 v2, v0  }
0x164: {  	v2 =	vld [tilespmem:s19+$0x0]  }
0x165: {  	v0 =	vadd.f32 v3, v0  }
0x166: {  	v3 =	vld [tilespmem:s19+$0x80]  }
0x167: {  	v0 =	vadd.f32 v1, v0  }
0x168: {  	v1 =	vld [tilespmem:s19+$0x100]  }
0x169: {  	v0 =	vadd.f32 v2, v0  }
0x16a: {  	v2 =	vld [tilespmem:s19+$0x180]  }
0x16b: {  	v0 =	vadd.f32 v3, v0  }
0x16c: {  	v3 =	vld [tilespmem:s19+$0x200]  }
0x16d: {  	v0 =	vadd.f32 v1, v0;
	_ =	sdelay $0x1  }
0x16e: {  	v0 =	vadd.f32 v2, v0;
	_ =	sdelay $0x1  }
0x16f: {  	v0 =	vadd.f32 v3, v0  }
0x170: {  	s5 =	sshra.s32 s6, $0x2  }
0x171: {  	[tilespmem:s5+$0x1A000] =	vst v0  }
0x172: {  	v0 =	vld [tilespmem:s19+$0xFFFFFD90]  }
0x173: {  	v1 =	vld [tilespmem:s19+$0xFFFFFE10];
	_ =	sdelay $0x1  }
0x174: {  	v2 =	vld [tilespmem:s19+$0xFFFFFE90];
	_ =	sdelay $0x1  }
0x175: {  	v3 =	vld [tilespmem:s19+$0xFFFFFF10]  }
0x176: {  	v0 =	vadd.f32 v1, v0  }
0x177: {  	v1 =	vld [tilespmem:s19+$0xFFFFFF90]  }
0x178: {  	v0 =	vadd.f32 v2, v0  }
0x179: {  	v2 =	vld [tilespmem:s19+$0x10]  }
0x17a: {  	v0 =	vadd.f32 v3, v0  }
0x17b: {  	v3 =	vld [tilespmem:s19+$0x90]  }
0x17c: {  	v0 =	vadd.f32 v1, v0  }
0x17d: {  	v1 =	vld [tilespmem:s19+$0x110]  }
0x17e: {  	v0 =	vadd.f32 v2, v0  }
0x17f: {  	v2 =	vld [tilespmem:s19+$0x190]  }
0x180: {  	v0 =	vadd.f32 v3, v0  }
0x181: {  	v3 =	vld [tilespmem:s19+$0x210]  }
0x182: {  	v0 =	vadd.f32 v1, v0;
	_ =	sdelay $0x1  }
0x183: {  	v0 =	vadd.f32 v2, v0;
	_ =	sdelay $0x1  }
0x184: {  	v0 =	vadd.f32 v3, v0;
	_ =	sdelay $0x1  }
0x185: {  	[tilespmem:s5+$0x1A010] =	vst v0  }
0x186: {  	v0 =	vld [tilespmem:s19+$0xFFFFFDA0]  }
0x187: {  	v1 =	vld [tilespmem:s19+$0xFFFFFE20];
	_ =	sdelay $0x1  }
0x188: {  	v2 =	vld [tilespmem:s19+$0xFFFFFEA0];
	_ =	sdelay $0x1  }
0x189: {  	v3 =	vld [tilespmem:s19+$0xFFFFFF20]  }
0x18a: {  	v0 =	vadd.f32 v1, v0  }
0x18b: {  	v1 =	vld [tilespmem:s19+$0xFFFFFFA0]  }
0x18c: {  	v0 =	vadd.f32 v2, v0  }
0x18d: {  	v2 =	vld [tilespmem:s19+$0x20]  }
0x18e: {  	v0 =	vadd.f32 v3, v0  }
0x18f: {  	v3 =	vld [tilespmem:s19+$0xA0]  }
0x190: {  	v0 =	vadd.f32 v1, v0  }
0x191: {  	v1 =	vld [tilespmem:s19+$0x120]  }
0x192: {  	v0 =	vadd.f32 v2, v0  }
0x193: {  	v2 =	vld [tilespmem:s19+$0x1A0]  }
0x194: {  	v0 =	vadd.f32 v3, v0  }
0x195: {  	v3 =	vld [tilespmem:s19+$0x220]  }
0x196: {  	v0 =	vadd.f32 v1, v0;
	_ =	sdelay $0x1  }
0x197: {  	v0 =	vadd.f32 v2, v0;
	_ =	sdelay $0x1  }
0x198: {  	v0 =	vadd.f32 v3, v0;
	_ =	sdelay $0x1  }
0x199: {  	[tilespmem:s5+$0x1A020] =	vst v0  }
0x19a: {  	v0 =	vld [tilespmem:s19+$0xFFFFFDB0]  }
0x19b: {  	v1 =	vld [tilespmem:s19+$0xFFFFFE30];
	_ =	sdelay $0x1  }
0x19c: {  	v2 =	vld [tilespmem:s19+$0xFFFFFEB0];
	_ =	sdelay $0x1  }
0x19d: {  	v3 =	vld [tilespmem:s19+$0xFFFFFF30]  }
0x19e: {  	v0 =	vadd.f32 v1, v0  }
0x19f: {  	v1 =	vld [tilespmem:s19+$0xFFFFFFB0]  }
0x1a0: {  	v0 =	vadd.f32 v2, v0  }
0x1a1: {  	v2 =	vld [tilespmem:s19+$0x30]  }
0x1a2: {  	v0 =	vadd.f32 v3, v0  }
0x1a3: {  	v3 =	vld [tilespmem:s19+$0xB0]  }
0x1a4: {  	v0 =	vadd.f32 v1, v0  }
0x1a5: {  	v1 =	vld [tilespmem:s19+$0x130]  }
0x1a6: {  	v0 =	vadd.f32 v2, v0  }
0x1a7: {  	v2 =	vld [tilespmem:s19+$0x1B0]  }
0x1a8: {  	v0 =	vadd.f32 v3, v0  }
0x1a9: {  	v3 =	vld [tilespmem:s19+$0x230]  }
0x1aa: {  	v0 =	vadd.f32 v1, v0;
	_ =	sdelay $0x1  }
0x1ab: {  	v0 =	vadd.f32 v2, v0;
	_ =	sdelay $0x1  }
0x1ac: {  	v0 =	vadd.f32 v3, v0;
	_ =	sdelay $0x1  }
0x1ad: {  	[tilespmem:s5+$0x1A030] =	vst v0  }
0x1ae: {  	v0 =	vld [tilespmem:s19+$0xFFFFFDC0]  }
0x1af: {  	v1 =	vld [tilespmem:s19+$0xFFFFFE40];
	_ =	sdelay $0x1  }
0x1b0: {  	v2 =	vld [tilespmem:s19+$0xFFFFFEC0];
	_ =	sdelay $0x1  }
0x1b1: {  	v3 =	vld [tilespmem:s19+$0xFFFFFF40]  }
0x1b2: {  	v0 =	vadd.f32 v1, v0  }
0x1b3: {  	v1 =	vld [tilespmem:s19+$0xFFFFFFC0]  }
0x1b4: {  	v0 =	vadd.f32 v2, v0  }
0x1b5: {  	v2 =	vld [tilespmem:s19+$0x40]  }
0x1b6: {  	v0 =	vadd.f32 v3, v0  }
0x1b7: {  	v3 =	vld [tilespmem:s19+$0xC0]  }
0x1b8: {  	v0 =	vadd.f32 v1, v0  }
0x1b9: {  	v1 =	vld [tilespmem:s19+$0x140]  }
0x1ba: {  	v0 =	vadd.f32 v2, v0  }
0x1bb: {  	v2 =	vld [tilespmem:s19+$0x1C0]  }
0x1bc: {  	v0 =	vadd.f32 v3, v0  }
0x1bd: {  	v3 =	vld [tilespmem:s19+$0x240]  }
0x1be: {  	v0 =	vadd.f32 v1, v0;
	_ =	sdelay $0x1  }
0x1bf: {  	v0 =	vadd.f32 v2, v0;
	_ =	sdelay $0x1  }
0x1c0: {  	v0 =	vadd.f32 v3, v0;
	_ =	sdelay $0x1  }
0x1c1: {  	[tilespmem:s5+$0x1A040] =	vst v0  }
0x1c2: {  	v0 =	vld [tilespmem:s19+$0xFFFFFDD0]  }
0x1c3: {  	v1 =	vld [tilespmem:s19+$0xFFFFFE50]  }
0x1c4: {  	v2 =	vld [tilespmem:s19+$0xFFFFFED0]  }
0x1c5: {  	v3 =	vld [tilespmem:s19+$0xFFFFFF50]  }
0x1c6: {  	v4 =	vld [tilespmem:s19+$0xFFFFFFD0]  }
0x1c7: {  	v5 =	vld [tilespmem:s19+$0x50]  }
0x1c8: {  	v0 =	vadd.f32 v1, v0;
	v1 =	vld [tilespmem:s19+$0xD0]  }
0x1c9: {  	v6 =	vld [tilespmem:s19+$0x150]  }
0x1ca: {  	v0 =	vadd.f32 v2, v0;
	v2 =	vld [tilespmem:s19+$0x1D0]  }
0x1cb: {  	v7 =	vld [tilespmem:s19+$0x250]  }
0x1cc: {  	v0 =	vadd.f32 v3, v0;
	_ =	sdelay $0x1  }
0x1cd: {  	v0 =	vadd.f32 v4, v0;
	_ =	sdelay $0x1  }
0x1ce: {  	v0 =	vadd.f32 v5, v0;
	_ =	sdelay $0x1  }
0x1cf: {  	v0 =	vadd.f32 v1, v0;
	_ =	sdelay $0x1  }
0x1d0: {  	v0 =	vadd.f32 v6, v0;
	_ =	sdelay $0x1  }
0x1d1: {  	v0 =	vadd.f32 v2, v0;
	_ =	sdelay $0x1  }
0x1d2: {  	v0 =	vadd.f32 v7, v0;
	_ =	sdelay $0x1  }
0x1d3: {  	[tilespmem:s5+$0x1A050] =	vst v0  }
0x1d4: {  	v0 =	vld [tilespmem:s19+$0xFFFFFDE0]  }
0x1d5: {  	v1 =	vld [tilespmem:s19+$0xFFFFFE60]  }
0x1d6: {  	v2 =	vld [tilespmem:s19+$0xFFFFFEE0]  }
0x1d7: {  	v3 =	vld [tilespmem:s19+$0xFFFFFF60]  }
0x1d8: {  	v4 =	vld [tilespmem:s19+$0xFFFFFFE0]  }
0x1d9: {  	v5 =	vld [tilespmem:s19+$0x60]  }
0x1da: {  	v0 =	vadd.f32 v1, v0;
	v1 =	vld [tilespmem:s19+$0xE0]  }
0x1db: {  	v6 =	vld [tilespmem:s19+$0x160]  }
0x1dc: {  	v0 =	vadd.f32 v2, v0;
	v2 =	vld [tilespmem:s19+$0x1E0]  }
0x1dd: {  	v7 =	vld [tilespmem:s19+$0x260]  }
0x1de: {  	v0 =	vadd.f32 v3, v0;
	_ =	sdelay $0x1  }
0x1df: {  	v0 =	vadd.f32 v4, v0;
	_ =	sdelay $0x1  }
0x1e0: {  	v0 =	vadd.f32 v5, v0;
	_ =	sdelay $0x1  }
0x1e1: {  	v0 =	vadd.f32 v1, v0;
	_ =	sdelay $0x1  }
0x1e2: {  	v0 =	vadd.f32 v6, v0;
	_ =	sdelay $0x1  }
0x1e3: {  	v0 =	vadd.f32 v2, v0;
	_ =	sdelay $0x1  }
0x1e4: {  	v0 =	vadd.f32 v7, v0;
	_ =	sdelay $0x1  }
0x1e5: {  	[tilespmem:s5+$0x1A060] =	vst v0  }
0x1e6: {  	v0 =	vld [tilespmem:s19+$0xFFFFFDF0]  }
0x1e7: {  	v1 =	vld [tilespmem:s19+$0xFFFFFE70]  }
0x1e8: {  	v2 =	vld [tilespmem:s19+$0xFFFFFEF0]  }
0x1e9: {  	v4 =	vld [tilespmem:s19+$0xFFFFFF70]  }
0x1ea: {  	v5 =	vld [tilespmem:s19+$0xFFFFFFF0]  }
0x1eb: {  	v6 =	vld [tilespmem:s19+$0x70]  }
0x1ec: {  	v1 =	vadd.f32 v1, v0;
	v3 =	vld [tilespmem:s19+$0xF0]  }
0x1ed: {  	v0 =	vld [tilespmem:s19+$0x170]  }
0x1ee: {  	v7 =	vadd.f32 v2, v1;
	v1 =	vld [tilespmem:s19+$0x1F0]  }
0x1ef: {  	v2 =	vld [tilespmem:s19+$0x270]  }
.Ltmp5:
0x1f0: {  	v4 =	vadd.f32 v4, v7;
	(pc) =	sbr.rel @p1 .LBB2_9-.Ltmp5, $3  }
0x1f1: {  	_ = 	snop  }
0x1f2: {  	v4 =	vadd.f32 v5, v4;
	_ =	sdelay $0x1  }
0x1f3: {  	v4 =	vadd.f32 v6, v4  }
0x1f4: {  	_ = 	snop  }
0x1f5: {  	v3 =	vadd.f32 v3, v4;
	_ =	sdelay $0x1  }
0x1f6: {  	v0 =	vadd.f32 v0, v3;
	_ =	sdelay $0x1  }
0x1f7: {  	p1 =	seq.s32 s8, $0x13;
	v0 =	vadd.f32 v1, v0  }
.Ltmp6:
0x1f8: {  	s6 =	sshll.u32 s8, $0xD;
	(pc) =	sbr.rel @p1 .LBB2_14-.Ltmp6, $4  }
0x1f9: {  	s6 =	sadd.s32 s9, s6;
	v0 =	vadd.f32 v2, v0  }
0x1fa: {  	s6 =	sshrl.u32 s6, $0x3  }
0x1fb: {  	s19 =	sadd.s32 s7, s6;
	[tilespmem:s5+$0x1A070] =	vst v0  }
0x1fc: {  	[hbm4b:s19+s3] =	stream.linear.scatter [tilespmem:s12], [sflag:$0x3], $0x1000, $0x38;
	[tilespmem:$0x1CA00] =	vst v63  }
0x1fd: {  	s6 =	simm.s32 $0x0  }
0x1fe: {  	v1 =	vld [tilespmem:s6+$0x1C000]  }
0x1ff: {  	v2 =	vld [tilespmem:s6+$0x1C500];
	_ =	sdelay $0x1  }
0x200: {  	s5 =	sadd.s32 $0x40, s11  }
0x201: {  	v0 =	vmov s5  }
0x202: {  	v1 =	vadd.s32 v0, v1  }
0x203: {  	s5 =	simm.s32 $0x10;
	v3 =	vand.u32 $0xFFFFFFF8, v2;
	v1 =	vshll.u32 v1, $0x4  }
0x204: {  	v4 =	vld [tilespmem:s5+$0x1C000];
	v2 =	vand.u32 $0x7, v2;
	v3 =	vadd.s32 v3, v1  }
0x205: {  	v1 =	vld [tilespmem:s5+$0x1C500];
	v2 =	vor.u32 v2, v3;
	_ =	sdelay $0x3  }
0x206: {  	v4 =	vadd.s32 v0, v4  }
0x207: {  	s13 =	simm.s32 $0x20;
	s19 =	simm.s32 $0xC0;
	v4 =	vshll.u32 v4, $0x4;
	v3 =	vand.u32 $0xFFFFFFF8, v1;
	v2 =	vld.idx.msk [tilespmem:v2+s18+$0x0], $0xffff  }
.LBB2_12:
0x208: {  	p2 =	sne.s32 s19, $0x4C0;
	v5 =	vld [tilespmem:s13+$0x1C000];
	v6 =	vand.u32 $0x7, v1;
	v3 =	vadd.s32 v3, v4  }
0x209: {  	v1 =	vld [tilespmem:s13+$0x1C500];
	v6 =	vor.u32 v6, v3  }
.Ltmp7:
0x20a: {  	(pc) =	sbr.rel @p2 .LBB2_12-.Ltmp7, $3  }
0x20b: {  	_ =	sdelay $0x1  }
0x20c: {  	v4 =	vadd.s32 v0, v5;
	[tilespmem:s6+$0x5D80] =	vst v2;
	s6 =	smov.u32 s5;
	s5 =	smov.u32 s13  }
0x20d: {  	s13 =	sshra.s32 s19, $0x2;
	s19 =	sadd.s32 $0x40, s19;
	v3 =	vand.u32 $0xFFFFFFF8, v1;
	v4 =	vshll.u32 v4, $0x4;
	v2 =	vld.idx.msk [tilespmem:v6+s18+$0x0], $0xffff  }
0x20e: {  	v5 =	vld [tilespmem:s13+$0x1C000]  }
0x20f: {  	v1 =	vand.u32 $0x7, v1;
	v3 =	vadd.s32 v3, v4;
	v61 =	vld [tilespmem:s13+$0x1C500]  }
0x210: {  	v1 =	vor.u32 v1, v3;
	_ =	sdelay $0x2  }
0x211: {  	v0 =	vadd.s32 v0, v5  }
0x212: {  	[tilespmem:s6+$0x5D80] =	vst v2;
	v62 =	vand.u32 $0xFFFFFFF8, v61;
	v0 =	vshll.u32 v0, $0x4  }
0x213: {  	v63 =	vand.u32 $0x7, v61;
	v1 =	vld.idx.msk [tilespmem:v1+s18+$0x0], $0xffff;
	v0 =	vadd.s32 v62, v0  }
0x214: {  	v0 =	vor.u32 v63, v0;
	_ =	sdelay $0x3  }
0x215: {  	[tilespmem:s5+$0x5D80] =	vst v1  }
0x216: {  	v0 =	vld.idx.msk [tilespmem:v0+s18+$0x0], $0xffff;
	_ =	sdelay $0x4  }
0x217: {  	[tilespmem:s13+$0x5D80] =	vst v0  }
0x218: {  	[tilespmem:s21], [sflag:$0x1] =	stream.indirect.gather [hbm4b:s1+s15], $0x80, s20, s15, $0xb8;
	[tilespmem:$0x1CA00] =	vst v63  }
0x219: {  	_ = 	snop  }
0x21a: {  	[tilespmem:s23], [sflag:$0x1] =	stream.indirect.gather [hbm4b:s1+s15], $0x80, s22, s15, $0xb8;
	[tilespmem:$0x1CA00] =	vst v63  }
0x21b: {  	_ = 	snop  }
0x21c: {  	[tilespmem:s26], [sflag:$0x1] =	stream.indirect.gather [hbm4b:s1+s24], $0x80, s25, s24, $0xb8;
	[tilespmem:$0x1CA00] =	vst v63  }
.LBB2_14:
0x21d: {  	_ =	swait.ge [sflag:s14], $0x4000  }
0x21e: {  	[sflag:s14] =	ssyncset.done $0x0  }
0x21f: {  	[sflag:s14] =	ssyncadd.s32 $0xFFFFC000  }
0x220: {  	_ =	swait.ge [sflag:s14], $0x4000  }
0x221: {  	[sflag:s14] =	ssyncset.done $0x0  }
0x222: {  	[sflag:s14] =	ssyncadd.s32 $0xFFFFC000  }
0x223: {  	_ =	swait.ge [sflag:s14], $0x2000  }
0x224: {  	[sflag:s14] =	ssyncset.done $0x0  }
0x225: {  	s5 =	simm.s32 @!p0 $0x4;
	[sflag:s14] =	ssyncadd.s32 $0xFFFFE000  }
0x226: {  	_ =	swait.ge @!p0 [sflag:s5], $0x1000  }
0x227: {  	[sflag:s5] =	ssyncset.done @!p0 $0x0  }
0x228: {  	s6 =	simm.s32 $0x0;
	[sflag:s5] =	ssyncadd.s32 @!p0 $0xFFFFF000  }
0x229: {  	v0 =	vld [tilespmem:s6+$0x10000]  }
0x22a: {  	v1 =	vld [tilespmem:s6+$0x10080];
	_ =	sdelay $0x1  }
0x22b: {  	v2 =	vld [tilespmem:s6+$0x10100];
	_ =	sdelay $0x1  }
0x22c: {  	v3 =	vld [tilespmem:s6+$0x10180]  }
0x22d: {  	v0 =	vadd.f32 v1, v0  }
0x22e: {  	v1 =	vld [tilespmem:s6+$0x10200]  }
0x22f: {  	v0 =	vadd.f32 v2, v0  }
0x230: {  	v2 =	vld [tilespmem:s6+$0x10280]  }
0x231: {  	v0 =	vadd.f32 v3, v0  }
0x232: {  	v3 =	vld [tilespmem:s6+$0x10300]  }
0x233: {  	v0 =	vadd.f32 v1, v0  }
0x234: {  	v1 =	vld [tilespmem:s6+$0x10380]  }
0x235: {  	v0 =	vadd.f32 v2, v0  }
0x236: {  	v2 =	vld [tilespmem:s6+$0x10400]  }
0x237: {  	v0 =	vadd.f32 v3, v0  }
0x238: {  	v3 =	vld [tilespmem:s6+$0x10480]  }
0x239: {  	v0 =	vadd.f32 v1, v0;
	_ =	sdelay $0x1  }
0x23a: {  	v0 =	vadd.f32 v2, v0;
	_ =	sdelay $0x1  }
0x23b: {  	v0 =	vadd.f32 v3, v0  }
0x23c: {  	s19 =	simm.s32 $0x1B070  }
0x23d: {  	[tilespmem:s19+$0xFFFFFF90] =	vst v0  }
0x23e: {  	v0 =	vld [tilespmem:s6+$0x10010]  }
0x23f: {  	v1 =	vld [tilespmem:s6+$0x10090];
	_ =	sdelay $0x1  }
0x240: {  	v2 =	vld [tilespmem:s6+$0x10110];
	_ =	sdelay $0x1  }
0x241: {  	v3 =	vld [tilespmem:s6+$0x10190]  }
0x242: {  	v0 =	vadd.f32 v1, v0  }
0x243: {  	v1 =	vld [tilespmem:s6+$0x10210]  }
0x244: {  	v0 =	vadd.f32 v2, v0  }
0x245: {  	v2 =	vld [tilespmem:s6+$0x10290]  }
0x246: {  	v0 =	vadd.f32 v3, v0  }
0x247: {  	v3 =	vld [tilespmem:s6+$0x10310]  }
0x248: {  	v0 =	vadd.f32 v1, v0  }
0x249: {  	v1 =	vld [tilespmem:s6+$0x10390]  }
0x24a: {  	v0 =	vadd.f32 v2, v0  }
0x24b: {  	v2 =	vld [tilespmem:s6+$0x10410]  }
0x24c: {  	v0 =	vadd.f32 v3, v0  }
0x24d: {  	v3 =	vld [tilespmem:s6+$0x10490]  }
0x24e: {  	v0 =	vadd.f32 v1, v0;
	_ =	sdelay $0x1  }
0x24f: {  	v0 =	vadd.f32 v2, v0;
	_ =	sdelay $0x1  }
0x250: {  	v0 =	vadd.f32 v3, v0;
	_ =	sdelay $0x1  }
0x251: {  	[tilespmem:s19+$0xFFFFFFA0] =	vst v0  }
0x252: {  	v0 =	vld [tilespmem:s6+$0x10020]  }
0x253: {  	v1 =	vld [tilespmem:s6+$0x100A0];
	_ =	sdelay $0x1  }
0x254: {  	v2 =	vld [tilespmem:s6+$0x10120];
	_ =	sdelay $0x1  }
0x255: {  	v3 =	vld [tilespmem:s6+$0x101A0]  }
0x256: {  	v0 =	vadd.f32 v1, v0  }
0x257: {  	v1 =	vld [tilespmem:s6+$0x10220]  }
0x258: {  	v0 =	vadd.f32 v2, v0  }
0x259: {  	v2 =	vld [tilespmem:s6+$0x102A0]  }
0x25a: {  	v0 =	vadd.f32 v3, v0  }
0x25b: {  	v3 =	vld [tilespmem:s6+$0x10320]  }
0x25c: {  	v0 =	vadd.f32 v1, v0  }
0x25d: {  	v1 =	vld [tilespmem:s6+$0x103A0]  }
0x25e: {  	v0 =	vadd.f32 v2, v0  }
0x25f: {  	v2 =	vld [tilespmem:s6+$0x10420]  }
0x260: {  	v0 =	vadd.f32 v3, v0  }
0x261: {  	v3 =	vld [tilespmem:s6+$0x104A0]  }
0x262: {  	v0 =	vadd.f32 v1, v0;
	_ =	sdelay $0x1  }
0x263: {  	v0 =	vadd.f32 v2, v0;
	_ =	sdelay $0x1  }
0x264: {  	v0 =	vadd.f32 v3, v0;
	_ =	sdelay $0x1  }
0x265: {  	[tilespmem:s19+$0xFFFFFFB0] =	vst v0  }
0x266: {  	v0 =	vld [tilespmem:s6+$0x10030]  }
0x267: {  	v1 =	vld [tilespmem:s6+$0x100B0];
	_ =	sdelay $0x1  }
0x268: {  	v2 =	vld [tilespmem:s6+$0x10130];
	_ =	sdelay $0x1  }
0x269: {  	v3 =	vld [tilespmem:s6+$0x101B0]  }
0x26a: {  	v0 =	vadd.f32 v1, v0  }
0x26b: {  	v1 =	vld [tilespmem:s6+$0x10230]  }
0x26c: {  	v0 =	vadd.f32 v2, v0  }
0x26d: {  	v2 =	vld [tilespmem:s6+$0x102B0]  }
0x26e: {  	v0 =	vadd.f32 v3, v0  }
0x26f: {  	v3 =	vld [tilespmem:s6+$0x10330]  }
0x270: {  	v0 =	vadd.f32 v1, v0  }
0x271: {  	v1 =	vld [tilespmem:s6+$0x103B0]  }
0x272: {  	v0 =	vadd.f32 v2, v0  }
0x273: {  	v2 =	vld [tilespmem:s6+$0x10430]  }
0x274: {  	v0 =	vadd.f32 v3, v0  }
0x275: {  	v3 =	vld [tilespmem:s6+$0x104B0]  }
0x276: {  	v0 =	vadd.f32 v1, v0;
	_ =	sdelay $0x1  }
0x277: {  	v0 =	vadd.f32 v2, v0;
	_ =	sdelay $0x1  }
0x278: {  	v0 =	vadd.f32 v3, v0;
	_ =	sdelay $0x1  }
0x279: {  	[tilespmem:s19+$0xFFFFFFC0] =	vst v0  }
0x27a: {  	v0 =	vld [tilespmem:s6+$0x10040]  }
0x27b: {  	v1 =	vld [tilespmem:s6+$0x100C0];
	_ =	sdelay $0x1  }
0x27c: {  	v2 =	vld [tilespmem:s6+$0x10140];
	_ =	sdelay $0x1  }
0x27d: {  	v3 =	vld [tilespmem:s6+$0x101C0]  }
0x27e: {  	v0 =	vadd.f32 v1, v0  }
0x27f: {  	v1 =	vld [tilespmem:s6+$0x10240]  }
0x280: {  	v0 =	vadd.f32 v2, v0  }
0x281: {  	v2 =	vld [tilespmem:s6+$0x102C0]  }
0x282: {  	v0 =	vadd.f32 v3, v0  }
0x283: {  	v3 =	vld [tilespmem:s6+$0x10340]  }
0x284: {  	v0 =	vadd.f32 v1, v0  }
0x285: {  	v1 =	vld [tilespmem:s6+$0x103C0]  }
0x286: {  	v0 =	vadd.f32 v2, v0  }
0x287: {  	v2 =	vld [tilespmem:s6+$0x10440]  }
0x288: {  	v0 =	vadd.f32 v3, v0  }
0x289: {  	v3 =	vld [tilespmem:s6+$0x104C0]  }
0x28a: {  	v0 =	vadd.f32 v1, v0;
	_ =	sdelay $0x1  }
0x28b: {  	v0 =	vadd.f32 v2, v0;
	_ =	sdelay $0x1  }
0x28c: {  	v0 =	vadd.f32 v3, v0;
	_ =	sdelay $0x1  }
0x28d: {  	[tilespmem:s19+$0xFFFFFFD0] =	vst v0  }
0x28e: {  	v0 =	vld [tilespmem:s6+$0x10050]  }
0x28f: {  	v1 =	vld [tilespmem:s6+$0x100D0];
	_ =	sdelay $0x1  }
0x290: {  	v2 =	vld [tilespmem:s6+$0x10150];
	_ =	sdelay $0x1  }
0x291: {  	v3 =	vld [tilespmem:s6+$0x101D0]  }
0x292: {  	v0 =	vadd.f32 v1, v0  }
0x293: {  	v1 =	vld [tilespmem:s6+$0x10250]  }
0x294: {  	v0 =	vadd.f32 v2, v0  }
0x295: {  	v2 =	vld [tilespmem:s6+$0x102D0]  }
0x296: {  	v0 =	vadd.f32 v3, v0  }
0x297: {  	v3 =	vld [tilespmem:s6+$0x10350]  }
0x298: {  	v0 =	vadd.f32 v1, v0  }
0x299: {  	v1 =	vld [tilespmem:s6+$0x103D0]  }
0x29a: {  	v0 =	vadd.f32 v2, v0  }
0x29b: {  	v2 =	vld [tilespmem:s6+$0x10450]  }
0x29c: {  	v0 =	vadd.f32 v3, v0  }
0x29d: {  	v3 =	vld [tilespmem:s6+$0x104D0]  }
0x29e: {  	v0 =	vadd.f32 v1, v0;
	_ =	sdelay $0x1  }
0x29f: {  	v0 =	vadd.f32 v2, v0;
	_ =	sdelay $0x1  }
0x2a0: {  	v0 =	vadd.f32 v3, v0;
	_ =	sdelay $0x1  }
0x2a1: {  	[tilespmem:s19+$0xFFFFFFE0] =	vst v0  }
0x2a2: {  	v0 =	vld [tilespmem:s6+$0x10060]  }
0x2a3: {  	v1 =	vld [tilespmem:s6+$0x100E0];
	_ =	sdelay $0x1  }
0x2a4: {  	v2 =	vld [tilespmem:s6+$0x10160];
	_ =	sdelay $0x1  }
0x2a5: {  	v3 =	vld [tilespmem:s6+$0x101E0]  }
0x2a6: {  	v0 =	vadd.f32 v1, v0  }
0x2a7: {  	v1 =	vld [tilespmem:s6+$0x10260]  }
0x2a8: {  	v0 =	vadd.f32 v2, v0  }
0x2a9: {  	v2 =	vld [tilespmem:s6+$0x102E0]  }
0x2aa: {  	v0 =	vadd.f32 v3, v0  }
0x2ab: {  	v3 =	vld [tilespmem:s6+$0x10360]  }
0x2ac: {  	v0 =	vadd.f32 v1, v0  }
0x2ad: {  	v1 =	vld [tilespmem:s6+$0x103E0]  }
0x2ae: {  	v0 =	vadd.f32 v2, v0  }
0x2af: {  	v2 =	vld [tilespmem:s6+$0x10460]  }
0x2b0: {  	v0 =	vadd.f32 v3, v0  }
0x2b1: {  	v3 =	vld [tilespmem:s6+$0x104E0]  }
0x2b2: {  	v0 =	vadd.f32 v1, v0;
	_ =	sdelay $0x1  }
0x2b3: {  	v0 =	vadd.f32 v2, v0;
	_ =	sdelay $0x1  }
0x2b4: {  	v0 =	vadd.f32 v3, v0;
	_ =	sdelay $0x1  }
0x2b5: {  	[tilespmem:s19+$0xFFFFFFF0] =	vst v0  }
0x2b6: {  	v0 =	vld [tilespmem:s6+$0x10070]  }
0x2b7: {  	v1 =	vld [tilespmem:s6+$0x100F0];
	_ =	sdelay $0x1  }
0x2b8: {  	v2 =	vld [tilespmem:s6+$0x10170];
	_ =	sdelay $0x1  }
0x2b9: {  	v3 =	vld [tilespmem:s6+$0x101F0]  }
0x2ba: {  	v0 =	vadd.f32 v1, v0  }
0x2bb: {  	v1 =	vld [tilespmem:s6+$0x10270]  }
0x2bc: {  	v0 =	vadd.f32 v2, v0  }
0x2bd: {  	v4 =	vld [tilespmem:s6+$0x102F0]  }
0x2be: {  	v3 =	vadd.f32 v3, v0  }
0x2bf: {  	v2 =	vld [tilespmem:s6+$0x10370]  }
0x2c0: {  	v0 =	vld [tilespmem:s6+$0x103F0];
	v5 =	vadd.f32 v1, v3  }
0x2c1: {  	v3 =	vld [tilespmem:s6+$0x10470]  }
0x2c2: {  	s13 =	simm.s32 $0x1400;
	s5 =	simm.s32 $0x1B070;
	v1 =	vld [tilespmem:s6+$0x104F0];
	v4 =	vadd.f32 v4, v5  }
.LBB2_15:
0x2c3: {  	p0 =	sne.s32 s13, $0x26C00  }
0x2c4: {  	s19 =	sadd.s32 $0x80, s19;
	s6 =	smov.u32 s13;
	s13 =	sadd.s32 $0x1400, s13  }
0x2c5: {  	v2 =	vadd.f32 v2, v4;
	_ =	sdelay $0x1  }
0x2c6: {  	v0 =	vadd.f32 v0, v2;
	_ =	sdelay $0x1  }
0x2c7: {  	v0 =	vadd.f32 v3, v0;
	_ =	sdelay $0x1  }
0x2c8: {  	v0 =	vadd.f32 v1, v0  }
0x2c9: {  	s6 =	sshra.s32 s6, $0x2  }
0x2ca: {  	[tilespmem:s5+$0x0] =	vst v0;
	s5 =	smov.u32 s19  }
0x2cb: {  	v0 =	vld [tilespmem:s6+$0x10000]  }
0x2cc: {  	v1 =	vld [tilespmem:s6+$0x10080]  }
0x2cd: {  	v2 =	vld [tilespmem:s6+$0x10100];
	_ =	sdelay $0x1  }
0x2ce: {  	v3 =	vld [tilespmem:s6+$0x10180];
	_ =	sdelay $0x1  }
0x2cf: {  	v0 =	vadd.f32 v1, v0  }
0x2d0: {  	v1 =	vld [tilespmem:s6+$0x10200]  }
0x2d1: {  	v0 =	vadd.f32 v2, v0  }
0x2d2: {  	v2 =	vld [tilespmem:s6+$0x10280]  }
0x2d3: {  	v0 =	vadd.f32 v3, v0  }
0x2d4: {  	v3 =	vld [tilespmem:s6+$0x10300]  }
0x2d5: {  	v0 =	vadd.f32 v1, v0  }
0x2d6: {  	v1 =	vld [tilespmem:s6+$0x10380]  }
0x2d7: {  	v0 =	vadd.f32 v2, v0  }
0x2d8: {  	v2 =	vld [tilespmem:s6+$0x10400]  }
0x2d9: {  	v0 =	vadd.f32 v3, v0  }
0x2da: {  	v3 =	vld [tilespmem:s6+$0x10480]  }
0x2db: {  	v0 =	vadd.f32 v1, v0;
	_ =	sdelay $0x1  }
0x2dc: {  	v0 =	vadd.f32 v2, v0;
	_ =	sdelay $0x1  }
0x2dd: {  	v0 =	vadd.f32 v3, v0;
	_ =	sdelay $0x1  }
0x2de: {  	[tilespmem:s19+$0xFFFFFF90] =	vst v0  }
0x2df: {  	v0 =	vld [tilespmem:s6+$0x10010]  }
0x2e0: {  	v1 =	vld [tilespmem:s6+$0x10090];
	_ =	sdelay $0x1  }
0x2e1: {  	v2 =	vld [tilespmem:s6+$0x10110];
	_ =	sdelay $0x1  }
0x2e2: {  	v3 =	vld [tilespmem:s6+$0x10190]  }
0x2e3: {  	v0 =	vadd.f32 v1, v0  }
0x2e4: {  	v1 =	vld [tilespmem:s6+$0x10210]  }
0x2e5: {  	v0 =	vadd.f32 v2, v0  }
0x2e6: {  	v2 =	vld [tilespmem:s6+$0x10290]  }
0x2e7: {  	v0 =	vadd.f32 v3, v0  }
0x2e8: {  	v3 =	vld [tilespmem:s6+$0x10310]  }
0x2e9: {  	v0 =	vadd.f32 v1, v0  }
0x2ea: {  	v1 =	vld [tilespmem:s6+$0x10390]  }
0x2eb: {  	v0 =	vadd.f32 v2, v0  }
0x2ec: {  	v2 =	vld [tilespmem:s6+$0x10410]  }
0x2ed: {  	v0 =	vadd.f32 v3, v0  }
0x2ee: {  	v3 =	vld [tilespmem:s6+$0x10490]  }
0x2ef: {  	v0 =	vadd.f32 v1, v0;
	_ =	sdelay $0x1  }
0x2f0: {  	v0 =	vadd.f32 v2, v0;
	_ =	sdelay $0x1  }
0x2f1: {  	v0 =	vadd.f32 v3, v0;
	_ =	sdelay $0x1  }
0x2f2: {  	[tilespmem:s19+$0xFFFFFFA0] =	vst v0  }
0x2f3: {  	v0 =	vld [tilespmem:s6+$0x10020]  }
0x2f4: {  	v1 =	vld [tilespmem:s6+$0x100A0];
	_ =	sdelay $0x1  }
0x2f5: {  	v2 =	vld [tilespmem:s6+$0x10120];
	_ =	sdelay $0x1  }
0x2f6: {  	v3 =	vld [tilespmem:s6+$0x101A0]  }
0x2f7: {  	v0 =	vadd.f32 v1, v0  }
0x2f8: {  	v1 =	vld [tilespmem:s6+$0x10220]  }
0x2f9: {  	v0 =	vadd.f32 v2, v0  }
0x2fa: {  	v2 =	vld [tilespmem:s6+$0x102A0]  }
0x2fb: {  	v0 =	vadd.f32 v3, v0  }
0x2fc: {  	v3 =	vld [tilespmem:s6+$0x10320]  }
0x2fd: {  	v0 =	vadd.f32 v1, v0  }
0x2fe: {  	v1 =	vld [tilespmem:s6+$0x103A0]  }
0x2ff: {  	v0 =	vadd.f32 v2, v0  }
0x300: {  	v2 =	vld [tilespmem:s6+$0x10420]  }
0x301: {  	v0 =	vadd.f32 v3, v0  }
0x302: {  	v3 =	vld [tilespmem:s6+$0x104A0]  }
0x303: {  	v0 =	vadd.f32 v1, v0;
	_ =	sdelay $0x1  }
0x304: {  	v0 =	vadd.f32 v2, v0;
	_ =	sdelay $0x1  }
0x305: {  	v0 =	vadd.f32 v3, v0;
	_ =	sdelay $0x1  }
0x306: {  	[tilespmem:s19+$0xFFFFFFB0] =	vst v0  }
0x307: {  	v0 =	vld [tilespmem:s6+$0x10030]  }
0x308: {  	v1 =	vld [tilespmem:s6+$0x100B0];
	_ =	sdelay $0x1  }
0x309: {  	v2 =	vld [tilespmem:s6+$0x10130];
	_ =	sdelay $0x1  }
0x30a: {  	v3 =	vld [tilespmem:s6+$0x101B0]  }
0x30b: {  	v0 =	vadd.f32 v1, v0  }
0x30c: {  	v1 =	vld [tilespmem:s6+$0x10230]  }
0x30d: {  	v0 =	vadd.f32 v2, v0  }
0x30e: {  	v2 =	vld [tilespmem:s6+$0x102B0]  }
0x30f: {  	v0 =	vadd.f32 v3, v0  }
0x310: {  	v3 =	vld [tilespmem:s6+$0x10330]  }
0x311: {  	v0 =	vadd.f32 v1, v0  }
0x312: {  	v1 =	vld [tilespmem:s6+$0x103B0]  }
0x313: {  	v0 =	vadd.f32 v2, v0  }
0x314: {  	v2 =	vld [tilespmem:s6+$0x10430]  }
0x315: {  	v0 =	vadd.f32 v3, v0  }
0x316: {  	v3 =	vld [tilespmem:s6+$0x104B0]  }
0x317: {  	v0 =	vadd.f32 v1, v0;
	_ =	sdelay $0x1  }
0x318: {  	v0 =	vadd.f32 v2, v0;
	_ =	sdelay $0x1  }
0x319: {  	v0 =	vadd.f32 v3, v0;
	_ =	sdelay $0x1  }
0x31a: {  	[tilespmem:s19+$0xFFFFFFC0] =	vst v0  }
0x31b: {  	v0 =	vld [tilespmem:s6+$0x10040]  }
0x31c: {  	v1 =	vld [tilespmem:s6+$0x100C0];
	_ =	sdelay $0x1  }
0x31d: {  	v2 =	vld [tilespmem:s6+$0x10140];
	_ =	sdelay $0x1  }
0x31e: {  	v3 =	vld [tilespmem:s6+$0x101C0]  }
0x31f: {  	v0 =	vadd.f32 v1, v0  }
0x320: {  	v1 =	vld [tilespmem:s6+$0x10240]  }
0x321: {  	v0 =	vadd.f32 v2, v0  }
0x322: {  	v2 =	vld [tilespmem:s6+$0x102C0]  }
0x323: {  	v0 =	vadd.f32 v3, v0  }
0x324: {  	v3 =	vld [tilespmem:s6+$0x10340]  }
0x325: {  	v0 =	vadd.f32 v1, v0  }
0x326: {  	v1 =	vld [tilespmem:s6+$0x103C0]  }
0x327: {  	v0 =	vadd.f32 v2, v0  }
0x328: {  	v2 =	vld [tilespmem:s6+$0x10440]  }
0x329: {  	v0 =	vadd.f32 v3, v0  }
0x32a: {  	v3 =	vld [tilespmem:s6+$0x104C0]  }
0x32b: {  	v0 =	vadd.f32 v1, v0;
	_ =	sdelay $0x1  }
0x32c: {  	v0 =	vadd.f32 v2, v0;
	_ =	sdelay $0x1  }
0x32d: {  	v0 =	vadd.f32 v3, v0;
	_ =	sdelay $0x1  }
0x32e: {  	[tilespmem:s19+$0xFFFFFFD0] =	vst v0  }
0x32f: {  	v0 =	vld [tilespmem:s6+$0x10050]  }
0x330: {  	v1 =	vld [tilespmem:s6+$0x100D0]  }
0x331: {  	v2 =	vld [tilespmem:s6+$0x10150]  }
0x332: {  	v3 =	vld [tilespmem:s6+$0x101D0]  }
0x333: {  	v4 =	vld [tilespmem:s6+$0x10250]  }
0x334: {  	v5 =	vld [tilespmem:s6+$0x102D0]  }
0x335: {  	v0 =	vadd.f32 v1, v0;
	v1 =	vld [tilespmem:s6+$0x10350]  }
0x336: {  	v6 =	vld [tilespmem:s6+$0x103D0]  }
0x337: {  	v0 =	vadd.f32 v2, v0;
	v2 =	vld [tilespmem:s6+$0x10450]  }
0x338: {  	v7 =	vld [tilespmem:s6+$0x104D0]  }
0x339: {  	v0 =	vadd.f32 v3, v0;
	_ =	sdelay $0x1  }
0x33a: {  	v0 =	vadd.f32 v4, v0;
	_ =	sdelay $0x1  }
0x33b: {  	v0 =	vadd.f32 v5, v0;
	_ =	sdelay $0x1  }
0x33c: {  	v0 =	vadd.f32 v1, v0;
	_ =	sdelay $0x1  }
0x33d: {  	v0 =	vadd.f32 v6, v0;
	_ =	sdelay $0x1  }
0x33e: {  	v0 =	vadd.f32 v2, v0;
	_ =	sdelay $0x1  }
0x33f: {  	v0 =	vadd.f32 v7, v0;
	_ =	sdelay $0x1  }
0x340: {  	[tilespmem:s19+$0xFFFFFFE0] =	vst v0  }
0x341: {  	v0 =	vld [tilespmem:s6+$0x10060]  }
0x342: {  	v1 =	vld [tilespmem:s6+$0x100E0]  }
0x343: {  	v2 =	vld [tilespmem:s6+$0x10160]  }
0x344: {  	v3 =	vld [tilespmem:s6+$0x101E0]  }
0x345: {  	v4 =	vld [tilespmem:s6+$0x10260]  }
0x346: {  	v5 =	vld [tilespmem:s6+$0x102E0]  }
0x347: {  	v0 =	vadd.f32 v1, v0;
	v1 =	vld [tilespmem:s6+$0x10360]  }
0x348: {  	v6 =	vld [tilespmem:s6+$0x103E0]  }
0x349: {  	v0 =	vadd.f32 v2, v0;
	v2 =	vld [tilespmem:s6+$0x10460]  }
0x34a: {  	v7 =	vld [tilespmem:s6+$0x104E0]  }
0x34b: {  	v0 =	vadd.f32 v3, v0;
	_ =	sdelay $0x1  }
0x34c: {  	v0 =	vadd.f32 v4, v0;
	_ =	sdelay $0x1  }
0x34d: {  	v0 =	vadd.f32 v5, v0;
	_ =	sdelay $0x1  }
0x34e: {  	v0 =	vadd.f32 v1, v0;
	_ =	sdelay $0x1  }
0x34f: {  	v0 =	vadd.f32 v6, v0;
	_ =	sdelay $0x1  }
0x350: {  	v0 =	vadd.f32 v2, v0;
	_ =	sdelay $0x1  }
0x351: {  	v0 =	vadd.f32 v7, v0;
	_ =	sdelay $0x1  }
0x352: {  	[tilespmem:s19+$0xFFFFFFF0] =	vst v0  }
0x353: {  	v0 =	vld [tilespmem:s6+$0x10070]  }
0x354: {  	v1 =	vld [tilespmem:s6+$0x100F0]  }
0x355: {  	v3 =	vld [tilespmem:s6+$0x10170]  }
0x356: {  	v4 =	vld [tilespmem:s6+$0x101F0]  }
0x357: {  	v5 =	vld [tilespmem:s6+$0x10270]  }
0x358: {  	v6 =	vld [tilespmem:s6+$0x102F0]  }
0x359: {  	v1 =	vadd.f32 v1, v0;
	v2 =	vld [tilespmem:s6+$0x10370]  }
0x35a: {  	v0 =	vld [tilespmem:s6+$0x103F0]  }
0x35b: {  	v7 =	vadd.f32 v3, v1;
	v3 =	vld [tilespmem:s6+$0x10470]  }
0x35c: {  	v1 =	vld [tilespmem:s6+$0x104F0]  }
.Ltmp8:
0x35d: {  	v4 =	vadd.f32 v4, v7;
	(pc) =	sbr.rel @p0 .LBB2_15-.Ltmp8, $3  }
0x35e: {  	_ = 	snop  }
0x35f: {  	v4 =	vadd.f32 v5, v4;
	_ =	sdelay $0x1  }
0x360: {  	v4 =	vadd.f32 v6, v4  }
0x361: {  	_ = 	snop  }
0x362: {  	v2 =	vadd.f32 v2, v4;
	_ =	sdelay $0x1  }
0x363: {  	v0 =	vadd.f32 v0, v2;
	_ =	sdelay $0x1  }
0x364: {  	v0 =	vadd.f32 v3, v0  }
.Ltmp9:
0x365: {  	s6 =	sadd.s32 s11, s10;
	(pc) =	sbr.rel @p1 .LBB2_20-.Ltmp9, $4  }
0x366: {  	s6 =	sshll.u32 s6, $0x4;
	v0 =	vadd.f32 v1, v0  }
0x367: {  	s6 =	sand.u32 $0x1FFFFE00, s6  }
0x368: {  	s19 =	sadd.s32 s7, s6;
	[tilespmem:s5+$0x0] =	vst v0  }
0x369: {  	[hbm4b:s19+s3] =	stream.linear.scatter [tilespmem:s17], [sflag:$0x4], $0x1000, $0x38;
	[tilespmem:$0x1CA00] =	vst v63  }
0x36a: {  	s6 =	simm.s32 $0x0  }
0x36b: {  	v1 =	vld [tilespmem:s6+$0x1C000]  }
0x36c: {  	v2 =	vld [tilespmem:s6+$0x1C500];
	_ =	sdelay $0x1  }
0x36d: {  	s5 =	sadd.s32 $0x60, s11  }
0x36e: {  	v0 =	vmov s5  }
0x36f: {  	v1 =	vadd.s32 v0, v1  }
0x370: {  	s5 =	simm.s32 $0x10;
	v3 =	vand.u32 $0xFFFFFFF8, v2;
	v1 =	vshll.u32 v1, $0x4  }
0x371: {  	v4 =	vld [tilespmem:s5+$0x1C000];
	v2 =	vand.u32 $0x7, v2;
	v3 =	vadd.s32 v3, v1  }
0x372: {  	v1 =	vld [tilespmem:s5+$0x1C500];
	v2 =	vor.u32 v2, v3;
	_ =	sdelay $0x3  }
0x373: {  	v4 =	vadd.s32 v0, v4  }
0x374: {  	s11 =	simm.s32 $0x20;
	s13 =	simm.s32 $0xC0;
	v4 =	vshll.u32 v4, $0x4;
	v3 =	vand.u32 $0xFFFFFFF8, v1;
	v2 =	vld.idx.msk [tilespmem:v2+s18+$0x0], $0xffff  }
.LBB2_18:
0x375: {  	p0 =	sne.s32 s13, $0x4C0;
	v5 =	vld [tilespmem:s11+$0x1C000];
	v6 =	vand.u32 $0x7, v1;
	v3 =	vadd.s32 v3, v4  }
0x376: {  	v1 =	vld [tilespmem:s11+$0x1C500];
	v6 =	vor.u32 v6, v3  }
.Ltmp10:
0x377: {  	(pc) =	sbr.rel @p0 .LBB2_18-.Ltmp10, $3  }
0x378: {  	_ =	sdelay $0x1  }
0x379: {  	v4 =	vadd.s32 v0, v5;
	[tilespmem:s6+$0x5EC0] =	vst v2;
	s6 =	smov.u32 s5;
	s5 =	smov.u32 s11  }
0x37a: {  	s11 =	sshra.s32 s13, $0x2;
	s13 =	sadd.s32 $0x40, s13;
	v3 =	vand.u32 $0xFFFFFFF8, v1;
	v4 =	vshll.u32 v4, $0x4;
	v2 =	vld.idx.msk [tilespmem:v6+s18+$0x0], $0xffff  }
0x37b: {  	v5 =	vld [tilespmem:s11+$0x1C000]  }
0x37c: {  	v1 =	vand.u32 $0x7, v1;
	v3 =	vadd.s32 v3, v4;
	v61 =	vld [tilespmem:s11+$0x1C500]  }
0x37d: {  	v1 =	vor.u32 v1, v3;
	_ =	sdelay $0x2  }
0x37e: {  	v0 =	vadd.s32 v0, v5  }
0x37f: {  	[tilespmem:s6+$0x5EC0] =	vst v2;
	v62 =	vand.u32 $0xFFFFFFF8, v61;
	v0 =	vshll.u32 v0, $0x4  }
0x380: {  	v63 =	vand.u32 $0x7, v61;
	v1 =	vld.idx.msk [tilespmem:v1+s18+$0x0], $0xffff;
	v0 =	vadd.s32 v62, v0  }
0x381: {  	v0 =	vor.u32 v63, v0;
	_ =	sdelay $0x3  }
0x382: {  	[tilespmem:s5+$0x5EC0] =	vst v1  }
0x383: {  	v0 =	vld.idx.msk [tilespmem:v0+s18+$0x0], $0xffff;
	_ =	sdelay $0x4  }
0x384: {  	[tilespmem:s11+$0x5EC0] =	vst v0  }
0x385: {  	[tilespmem:s29], [sflag:$0x2] =	stream.indirect.gather [hbm4b:s1+s15], $0x80, s28, s15, $0xb8;
	[tilespmem:$0x1CA00] =	vst v63  }
.Ltmp11:
0x386: {  	_ = 	snop;
	(pc) =	sbr.rel .LBB2_8-.Ltmp11, $4  }
0x387: {  	_ = 	snop  }
0x388: {  	[tilespmem:s31], [sflag:$0x2] =	stream.indirect.gather [hbm4b:s1+s15], $0x80, s30, s15, $0xb8;
	[tilespmem:$0x1CA00] =	vst v63  }
0x389: {  	s8 =	sadd.s32 $0x1, s8  }
0x38a: {  	[tilespmem:s2], [sflag:$0x2] =	stream.indirect.gather [hbm4b:s1+s24], $0x80, s0, s24, $0xb8;
	[tilespmem:$0x1CA00] =	vst v63  }
.LBB2_21:
0x38b: {  	_ =	sfence.sel $0x180000  }
0x38c: {  	[bflag:$0x0] =	sbarrier.arrive $0xFFFF  }
0x38d: {  	_ =	strace $0x90000047  }
0x38e: {  	s0 =	stileid.u32;
	[bflag:$0x2] =	sbarrier.arrive $0xFFFF  }
0x38f: {  	p0 =	sne.s32 s0, $0x0;
	s0 =	rddreg [dreg:$0x3]  }
0x390: {  	s0 =	sadd.s32 @!p0 $0x100000, s0  }
0x391: {  	[sflag:s0] =	ssyncadd.tile.s32 @!p0 $0x1;
	_ =	shalt  }
.Lfunc_end2:
_tile_overlayer_lowered:
.L_overlay_start_2:
0x392: {  	(tag) =	ssettag $0x2  }
0x393: {  	s0 =	rddreg [dreg:$0x0];
	s2 =	stileid.u32  }
0x394: {  	s1 =	rddreg [dreg:$0x1];
	p0 =	sne.s32 s2, $0x0  }
0x395: {  	s3 =	rddreg [dreg:$0x2];
	[bflag:$0x3] =	sbarrier.arrive $0xFFFF;
	s2 =	simm.s32 @!p0 $0x1C05  }
0x396: {  	[timem:s3], [sflag:s2] =	dma.local @!p0 [hbm:s0], s1  }
0x397: {  	s0 =	simm.s32 @!p0 $0x5  }
0x398: {  	_ =	swait.ge @!p0 [sflag:s0], s1  }
0x399: {  	s1 =	ssub.s32 @!p0 $0x0, s1;
	[sflag:s0] =	ssyncset.done @!p0 $0x0  }
0x39a: {  	[sflag:s0] =	ssyncadd.s32 @!p0 s1  }
0x39b: {  	[bflag:$0x3] =	sbarrier.arrive $0xFFFF  }
0x39c: {  	_ =	shalt  }

</sc_bundles>
